<compile_context>
chip_gen: v7x
topology: tpu7x:2x2x1
jax: 0.10.2.dev20260603
libtpu: 0.0.44.dev20260713+nightly
codegen_flags: <defaults>
</compile_context>

<pallas_src>
import functools

import jax
import jax.numpy as jnp
from jax import lax
from jax.experimental import pallas as pl
from jax.experimental.pallas import tpu as pltpu
from jax.experimental.pallas import tpu_sc as plsc

N, E, D, H, G, T, TE, R, L = 10000, 640000, 128, 64, 512, 28, 32, 16, 4

NC, NS = 2, 16
NW = NC * NS
CH = 128
KCH = 157
EPAD = NW * KCH * CH
NPAD = 10112
RPT = NPAD // NS


def _sc_agg(h, srcp, dstp, zrows):
    mesh = plsc.VectorSubcoreMesh(
        core_axis_name="c", subcore_axis_name="s", num_cores=NC, num_subcores=NS
    )

    @functools.partial(
        pl.kernel,
        out_type=jax.ShapeDtypeStruct((NC, NPAD, H), jnp.float32),
        mesh=mesh,
        scratch_types=[
            pltpu.VMEM((KCH, CH), jnp.int32),
            pltpu.VMEM((KCH, CH), jnp.int32),
            pltpu.VMEM((CH, H), jnp.float32),
            pltpu.VMEM_SHARED((NPAD, H), jnp.float32),
            pltpu.SemaphoreType.DMA,
        ],
        compiler_params=pltpu.CompilerParams(use_tc_tiling_on_sc=False),
    )
    def k(h_hbm, src_hbm, dst_hbm, z_hbm, out_hbm, src_v, dst_v, rows_v, acc, sem):
        c = lax.axis_index("c")
        s = lax.axis_index("s")
        w = c * NS + s
        pltpu.sync_copy(src_hbm.at[w], src_v)
        pltpu.sync_copy(dst_hbm.at[w], dst_v)
        pltpu.sync_copy(z_hbm.at[pl.ds(s * RPT, RPT)], acc.at[pl.ds(s * RPT, RPT)])
        plsc.subcore_barrier()

        def body(j, carry):
            pltpu.async_copy(h_hbm.at[src_v.at[j]], rows_v, sem).wait()
            pltpu.sync_copy(rows_v, acc.at[dst_v.at[j]], add=True)
            return carry

        lax.fori_loop(0, KCH, body, 0)
        plsc.subcore_barrier()
        pltpu.sync_copy(
            acc.at[pl.ds(s * RPT, RPT)], out_hbm.at[c, pl.ds(s * RPT, RPT)]
        )

    return k(h, srcp, dstp, zrows)


def _tc_embed(x, w, b):
    def body(x_ref, w_ref, b_ref, o_ref):
        o_ref[...] = (
            jnp.dot(x_ref[...], w_ref[...], preferred_element_type=jnp.float32)
            + b_ref[...]
        )

    return pl.pallas_call(
        body, out_shape=jax.ShapeDtypeStruct((N, H), jnp.float32)
    )(x, w, b)


def _tc_mlp(h, agg2, w1, b1, w2, b2, gam, bet):

    def body(h_ref, a_ref, w1_ref, b1_ref, w2_ref, b2_ref, g_ref, be_ref, o_ref):
        m = h_ref[...] + a_ref[0, :N, :] + a_ref[1, :N, :]
        m = jax.nn.relu(
            jnp.dot(m, w1_ref[...], preferred_element_type=jnp.float32) + b1_ref[...]
        )
        m = jnp.dot(m, w2_ref[...], preferred_element_type=jnp.float32) + b2_ref[...]
        mu = jnp.mean(m, axis=0, keepdims=True)
        var = jnp.mean((m - mu) ** 2, axis=0, keepdims=True)
        m = (m - mu) * jax.lax.rsqrt(var + 1e-5) * g_ref[...] + be_ref[...]
        o_ref[...] = jax.nn.relu(m)

    return pl.pallas_call(
        body, out_shape=jax.ShapeDtypeStruct((N, H), jnp.float32)
    )(h, agg2, w1, b1, w2, b2, gam, bet)


def _tc_head(h, batch_row, task_col, adDownW, adDownB, adUpW, adUpB, alpha_row,
             taskEmb, f1W1, f1b1, f1W2, f1b2, f2W1, f2b1, f2W2, f2b2,
             fc1W, fc1b, fc2W, fc2b, fc3W, fc3b):
    NCHUNK = 8
    CSZ = N // NCHUNK

    def body(h_ref, b_ref, t_ref, dW_ref, dB_ref, uW_ref, uB_ref, al_ref,
             te_ref, f1W1_ref, f1b1_ref, f1W2_ref, f1b2_ref,
             f2W1_ref, f2b1_ref, f2W2_ref, f2b2_ref,
             fc1W_ref, fc1b_ref, fc2W_ref, fc2b_ref, fc3W_ref, fc3b_ref, o_ref):
        iota_g = lax.broadcasted_iota(jnp.int32, (G, 1), 0)
        pool = jnp.zeros((G, H), jnp.float32)
        for ci in range(NCHUNK):
            bchunk = b_ref[0:1, ci * CSZ:(ci + 1) * CSZ]
            onehot = (iota_g == bchunk).astype(jnp.float32)
            pool = pool + jnp.dot(
                onehot, h_ref[ci * CSZ:(ci + 1) * CSZ, :],
                preferred_element_type=jnp.float32,
            )

        task = t_ref[...]
        iota_t = lax.broadcasted_iota(jnp.int32, (1, T), 1)
        oh_gt = (task == iota_t).astype(jnp.float32)
        iota_t2 = lax.broadcasted_iota(jnp.int32, (T, 1), 0)
        oh_tg = (iota_t2 == jnp.reshape(task, (1, G))).astype(jnp.float32)

        down_b = jnp.dot(oh_gt, dB_ref[...], preferred_element_type=jnp.float32)
        up_b = jnp.dot(oh_gt, uB_ref[...], preferred_element_type=jnp.float32)
        mid = jnp.zeros((G, R), jnp.float32)
        for t in range(T):
            sel = oh_gt[:, t:t + 1]
            mid = mid + sel * jnp.dot(
                pool, dW_ref[t], preferred_element_type=jnp.float32
            )
        mid = jax.nn.relu(mid + down_b)
        g2 = jnp.zeros((G, H), jnp.float32)
        for t in range(T):
            sel = oh_gt[:, t:t + 1]
            g2 = g2 + sel * jnp.dot(
                mid, uW_ref[t], preferred_element_type=jnp.float32
            )
        g2 = g2 + up_b + pool

        counts = jnp.sum(oh_tg, axis=1, keepdims=True)
        sums = jnp.dot(oh_tg, g2, preferred_element_type=jnp.float32)
        means = sums / jnp.maximum(counts, 1.0)
        present = (counts > 0).astype(jnp.float32)
        fused = jnp.dot(
            al_ref[...], means * present, preferred_element_type=jnp.float32
        )
        g2 = g2 + oh_gt[:, 0:1] * fused

        te = jnp.dot(oh_gt, te_ref[...], preferred_element_type=jnp.float32)

        def film(W1, b1, W2, b2):
            o = jax.nn.relu(
                jnp.dot(te, W1, preferred_element_type=jnp.float32) + b1
            )
            o = jnp.dot(o, W2, preferred_element_type=jnp.float32) + b2
            gr = o[:, :H]
            br = o[:, H:]
            return 1.0 + 0.5 * jnp.tanh(gr), jnp.tanh(br)

        gm1, bt1 = film(f1W1_ref[...], f1b1_ref[...], f1W2_ref[...], f1b2_ref[...])
        z = gm1 * g2 + bt1
        z = jax.nn.relu(
            jnp.dot(z, fc1W_ref[...], preferred_element_type=jnp.float32)
            + fc1b_ref[...]
        )
        gm2, bt2 = film(f2W1_ref[...], f2b1_ref[...], f2W2_ref[...], f2b2_ref[...])
        z = gm2 * z + bt2
        z = jax.nn.relu(
            jnp.dot(z, fc2W_ref[...], preferred_element_type=jnp.float32)
            + fc2b_ref[...]
        )
        o_ref[...] = (
            jnp.dot(z, fc3W_ref[...], preferred_element_type=jnp.float32)
            + fc3b_ref[...]
        )

    return pl.pallas_call(
        body, out_shape=jax.ShapeDtypeStruct((G, 1), jnp.float32)
    )(h, batch_row, task_col, adDownW, adDownB, adUpW, adUpB, alpha_row,
      taskEmb, f1W1, f1b1, f1W2, f1b2, f2W1, f2b1, f2W2, f2b2,
      fc1W, fc1b, fc2W, fc2b, fc3W, fc3b)


def kernel(x, edge_index, batch, task, embedW, embedB, convW1, convB1, convW2,
           convB2, bnG, bnB, adDownW, adDownB, adUpW, adUpB, alpha, taskEmb,
           f1W1, f1b1, f1W2, f1b2, f2W1, f2b1, f2W2, f2b2, fc1W, fc1b, fc2W,
           fc2b, fc3W, fc3b):
    src, dst = edge_index[0], edge_index[1]
    pad = EPAD - E
    srcp = jnp.concatenate([src, jnp.zeros((pad,), jnp.int32)]).reshape(NW, KCH, CH)
    dstp = jnp.concatenate([dst, jnp.full((pad,), N, jnp.int32)]).reshape(NW, KCH, CH)
    zrows = jnp.zeros((NPAD, H), jnp.float32)

    h = _tc_embed(x, embedW, embedB.reshape(1, H))
    for l in range(L):
        agg2 = _sc_agg(h, srcp, dstp, zrows)
        h = _tc_mlp(
            h, agg2,
            convW1[l], convB1[l].reshape(1, H),
            convW2[l], convB2[l].reshape(1, H),
            bnG[l].reshape(1, H), bnB[l].reshape(1, H),
        )

    out = _tc_head(
        h,
        batch.reshape(1, N),
        task.reshape(G, 1),
        adDownW, adDownB, adUpW, adUpB,
        alpha[0:1, :],
        taskEmb, f1W1, f1b1.reshape(1, TE), f1W2, f1b2.reshape(1, 2 * H),
        f2W1, f2b1.reshape(1, TE), f2W2, f2b2.reshape(1, 2 * H),
        fc1W, fc1b.reshape(1, H), fc2W, fc2b.reshape(1, H),
        fc3W, fc3b.reshape(1, 1),
    )
    return out.reshape(-1)

# --- scband reference (transcript-rebuilt; emitter-appended) ---
"""Pipeline reference for scband-ginmulti-regressor-21638045237812 (READ-ONLY COPY).

The authoritative reference and input builder live on the scoring server;
editing this copy changes nothing except your own understanding.
"""

import jax, jax.numpy as jnp
import numpy as np

N, E, D, H, G, T, TE, R, L = 10000, 640000, 128, 64, 512, 28, 32, 16, 4

def setup_inputs(seed: int = 0):
    key = jax.random.key(seed)
    ks = jax.random.split(key, 40)
    def glorot(k, shape):
        return (jax.random.normal(k, shape, dtype=jnp.float32) * 0.05)
    inp = {}
    inp['x'] = jax.random.normal(ks[0], (N, D), dtype=jnp.float32)
    inp['edge_index'] = jax.random.randint(ks[1], (2, E), 0, N, dtype=jnp.int32)
    inp['batch'] = jnp.sort(jax.random.randint(ks[2], (N,), 0, G, dtype=jnp.int32))
    inp['task'] = jax.random.randint(ks[3], (G,), 0, T, dtype=jnp.int32)
    inp['embedW'] = glorot(ks[4], (D, H)); inp['embedB'] = jnp.zeros((H,), jnp.float32)
    inp['convW1'] = glorot(ks[5], (L, H, H)); inp['convB1'] = jnp.zeros((L, H), jnp.float32)
    inp['convW2'] = glorot(ks[6], (L, H, H)); inp['convB2'] = jnp.zeros((L, H), jnp.float32)
    inp['bnG'] = jnp.ones((L, H), jnp.float32); inp['bnB'] = jnp.zeros((L, H), jnp.float32)
    inp['adDownW'] = glorot(ks[7], (T, H, R)); inp['adDownB'] = jnp.zeros((T, R), jnp.float32)
    inp['adUpW'] = glorot(ks[8], (T, R, H)); inp['adUpB'] = jnp.zeros((T, H), jnp.float32)
    a = jnp.eye(T, dtype=jnp.float32)
    a = a.at[0, :].set(0.1)
    a = a.at[0, 0].set(1.0)
    inp['alpha'] = a
    inp['taskEmb'] = glorot(ks[9], (T, TE))
    inp['f1W1'] = glorot(ks[10], (TE, TE)); inp['f1b1'] = jnp.zeros((TE,), jnp.float32)
    inp['f1W2'] = glorot(ks[11], (TE, 2 * H)); inp['f1b2'] = jnp.zeros((2 * H,), jnp.float32)
    inp['f2W1'] = glorot(ks[12], (TE, TE)); inp['f2b1'] = jnp.zeros((TE,), jnp.float32)
    inp['f2W2'] = glorot(ks[13], (TE, 2 * H)); inp['f2b2'] = jnp.zeros((2 * H,), jnp.float32)
    inp['fc1W'] = glorot(ks[14], (H, H)); inp['fc1b'] = jnp.zeros((H,), jnp.float32)
    inp['fc2W'] = glorot(ks[15], (H, H)); inp['fc2b'] = jnp.zeros((H,), jnp.float32)
    inp['fc3W'] = glorot(ks[16], (H, 1)); inp['fc3b'] = jnp.zeros((1,), jnp.float32)
    return inp

def reference(x, edge_index, batch, task, embedW, embedB, convW1, convB1, convW2, convB2, bnG, bnB, adDownW, adDownB, adUpW, adUpB, alpha, taskEmb, f1W1, f1b1, f1W2, f1b2, f2W1, f2b1, f2W2, f2b2, fc1W, fc1b, fc2W, fc2b, fc3W, fc3b):
    src, dst = edge_index[0], edge_index[1]
    h = x @ embedW + embedB
    for l in range(convW1.shape[0]):
        agg = jnp.zeros_like(h).at[dst].add(h[src])
        m = h + agg
        m = jax.nn.relu(m @ convW1[l] + convB1[l]) @ convW2[l] + convB2[l]
        mu = m.mean(axis=0)
        var = ((m - mu) ** 2).mean(axis=0)
        m = (m - mu) / jnp.sqrt(var + 1e-5) * bnG[l] + bnB[l]
        h = jax.nn.relu(m)
    g = jax.ops.segment_sum(h, batch, num_segments=G)
    mid = jax.nn.relu(jnp.einsum('gd,gdr->gr', g, adDownW[task]) + adDownB[task])
    g = jnp.einsum('gr,grd->gd', mid, adUpW[task]) + adUpB[task] + g
    counts = jax.ops.segment_sum(jnp.ones((G,), jnp.float32), task, num_segments=T)
    sums = jax.ops.segment_sum(g, task, num_segments=T)
    means = sums / jnp.maximum(counts, 1.0)[:, None]
    present = (counts > 0).astype(jnp.float32)
    fused = jnp.sum(alpha[0][:, None] * means * present[:, None], axis=0)
    g = jnp.where((task == 0)[:, None], g + fused, g)
    te = taskEmb[task]
    def film(W1, b1, W2, b2):
        o = jax.nn.relu(te @ W1 + b1) @ W2 + b2
        gr, br = jnp.split(o, 2, axis=-1)
        return 1.0 + 0.5 * jnp.tanh(gr), 1.0 * jnp.tanh(br)
    gm1, bt1 = film(f1W1, f1b1, f1W2, f1b2)
    z = gm1 * g + bt1
    z = jax.nn.relu(z @ fc1W + fc1b)
    gm2, bt2 = film(f2W1, f2b1, f2W2, f2b2)
    z = gm2 * z + bt2
    z = jax.nn.relu(z @ fc2W + fc2b)
    out = (z @ fc3W + fc3b).reshape(-1)
    return out

if __name__ == "__main__":
    import jax
    _d = setup_inputs()
    print(jax.jit(kernel)(*tuple(_d.values())))

</pallas_src>

<mosaic_0001>
#map = affine_map<(d0, d1) -> (0, 0)>
#map1 = affine_map<(d0, d1) -> (0, 0, 0)>
module attributes {stable_mosaic.version = 14 : i64} {
  func.func @k(%arg0: i32, %arg1: i32, %arg2: memref<10000x64xf32, #tpu.memory_space<hbm>>, %arg3: memref<32x157x128xi32, #tpu.memory_space<hbm>>, %arg4: memref<32x157x128xi32, #tpu.memory_space<hbm>>, %arg5: memref<10112x64xf32, #tpu.memory_space<hbm>>, %arg6: memref<2x10112x64xf32, #tpu.memory_space<hbm>>, %arg7: memref<157x128xi32, #tpu.memory_space<vmem>>, %arg8: memref<157x128xi32, #tpu.memory_space<vmem>>, %arg9: memref<128x64xf32, #tpu.memory_space<vmem>>, %arg10: memref<10112x64xf32, #tpu.memory_space<vmem_shared>>, %arg11: memref<!tpu.dma_semaphore, #tpu.memory_space<semaphore_mem>>) attributes {dimension_semantics = [#tpu.dimension_semantics<core_parallel>, #tpu.dimension_semantics<subcore_parallel>], iteration_bounds = array<i64: 2, 16>, scalar_prefetch = 0 : i64, scratch_operands = 5 : i64, tpu.core_type = #tpu.core_type<sc_vector_subcore>, window_params = [{transform_indices = #map}, {transform_indices = #map1}, {transform_indices = #map1}, {transform_indices = #map}, {transform_indices = #map1}]} {
    %mul3A = arith.constant 16 : i32
    %mul3A_0 = arith.muli %arg0, %mul3A : i32
    %add3A = arith.addi %mul3A_0, %arg1 : i32
    "tpu.region"() ({
      %run_scoped3A = tpu.sem_alloc : memref<!tpu.dma_semaphore, #tpu.memory_space<semaphore_mem>>
      %dma_start3A = arith.constant 0 : i32
      %dma_start3A_15 = arith.constant 0 : i32
      %dma_start3A_16 = tpu.memref_slice %arg3[%add3A, %dma_start3A, %dma_start3A_15] : memref<32x157x128xi32, #tpu.memory_space<hbm>> -> memref<1x157x128xi32, #tpu.memory_space<hbm>>
      %dma_start3A_17 = tpu.memref_squeeze %dma_start3A_16 : memref<1x157x128xi32, #tpu.memory_space<hbm>> -> memref<157x128xi32, #tpu.memory_space<hbm>>
      %dma_start3A_18 = arith.constant 0 : i32
      %dma_start3A_19 = arith.constant 0 : i32
      %dma_start3A_20 = tpu.memref_slice %arg3[%add3A, %dma_start3A_18, %dma_start3A_19] : memref<32x157x128xi32, #tpu.memory_space<hbm>> -> memref<1x157x128xi32, #tpu.memory_space<hbm>>
      %dma_start3A_21 = tpu.memref_squeeze %dma_start3A_20 : memref<1x157x128xi32, #tpu.memory_space<hbm>> -> memref<157x128xi32, #tpu.memory_space<hbm>>
      tpu.enqueue_dma source(%dma_start3A_21 : memref<157x128xi32, #tpu.memory_space<hbm>>) target(%arg7 : memref<157x128xi32, #tpu.memory_space<vmem>>) target_semaphore(%run_scoped3A : memref<!tpu.dma_semaphore, #tpu.memory_space<semaphore_mem>>)
      %dma_wait3A = arith.constant 0 : i32
      %dma_wait3A_22 = arith.constant 0 : i32
      %dma_wait3A_23 = tpu.memref_slice %arg3[%add3A, %dma_wait3A, %dma_wait3A_22] : memref<32x157x128xi32, #tpu.memory_space<hbm>> -> memref<1x157x128xi32, #tpu.memory_space<hbm>>
      %dma_wait3A_24 = tpu.memref_squeeze %dma_wait3A_23 : memref<1x157x128xi32, #tpu.memory_space<hbm>> -> memref<157x128xi32, #tpu.memory_space<hbm>>
      %dma_wait3A_25 = arith.constant 0 : i32
      %dma_wait3A_26 = arith.constant 0 : i32
      %dma_wait3A_27 = tpu.memref_slice %arg3[%add3A, %dma_wait3A_25, %dma_wait3A_26] : memref<32x157x128xi32, #tpu.memory_space<hbm>> -> memref<1x157x128xi32, #tpu.memory_space<hbm>>
      %dma_wait3A_28 = tpu.memref_squeeze %dma_wait3A_27 : memref<1x157x128xi32, #tpu.memory_space<hbm>> -> memref<157x128xi32, #tpu.memory_space<hbm>>
      tpu.wait_dma2 semaphore(%run_scoped3A : memref<!tpu.dma_semaphore, #tpu.memory_space<semaphore_mem>>) src(%dma_wait3A_28 : memref<157x128xi32, #tpu.memory_space<hbm>>) dst(%arg7 : memref<157x128xi32, #tpu.memory_space<vmem>>)
      tpu.yield
    }) : () -> ()
    "tpu.region"() ({
      %run_scoped3A = tpu.sem_alloc : memref<!tpu.dma_semaphore, #tpu.memory_space<semaphore_mem>>
      %dma_start3A = arith.constant 0 : i32
      %dma_start3A_15 = arith.constant 0 : i32
      %dma_start3A_16 = tpu.memref_slice %arg4[%add3A, %dma_start3A, %dma_start3A_15] : memref<32x157x128xi32, #tpu.memory_space<hbm>> -> memref<1x157x128xi32, #tpu.memory_space<hbm>>
      %dma_start3A_17 = tpu.memref_squeeze %dma_start3A_16 : memref<1x157x128xi32, #tpu.memory_space<hbm>> -> memref<157x128xi32, #tpu.memory_space<hbm>>
      %dma_start3A_18 = arith.constant 0 : i32
      %dma_start3A_19 = arith.constant 0 : i32
      %dma_start3A_20 = tpu.memref_slice %arg4[%add3A, %dma_start3A_18, %dma_start3A_19] : memref<32x157x128xi32, #tpu.memory_space<hbm>> -> memref<1x157x128xi32, #tpu.memory_space<hbm>>
      %dma_start3A_21 = tpu.memref_squeeze %dma_start3A_20 : memref<1x157x128xi32, #tpu.memory_space<hbm>> -> memref<157x128xi32, #tpu.memory_space<hbm>>
      tpu.enqueue_dma source(%dma_start3A_21 : memref<157x128xi32, #tpu.memory_space<hbm>>) target(%arg8 : memref<157x128xi32, #tpu.memory_space<vmem>>) target_semaphore(%run_scoped3A : memref<!tpu.dma_semaphore, #tpu.memory_space<semaphore_mem>>)
      %dma_wait3A = arith.constant 0 : i32
      %dma_wait3A_22 = arith.constant 0 : i32
      %dma_wait3A_23 = tpu.memref_slice %arg4[%add3A, %dma_wait3A, %dma_wait3A_22] : memref<32x157x128xi32, #tpu.memory_space<hbm>> -> memref<1x157x128xi32, #tpu.memory_space<hbm>>
      %dma_wait3A_24 = tpu.memref_squeeze %dma_wait3A_23 : memref<1x157x128xi32, #tpu.memory_space<hbm>> -> memref<157x128xi32, #tpu.memory_space<hbm>>
      %dma_wait3A_25 = arith.constant 0 : i32
      %dma_wait3A_26 = arith.constant 0 : i32
      %dma_wait3A_27 = tpu.memref_slice %arg4[%add3A, %dma_wait3A_25, %dma_wait3A_26] : memref<32x157x128xi32, #tpu.memory_space<hbm>> -> memref<1x157x128xi32, #tpu.memory_space<hbm>>
      %dma_wait3A_28 = tpu.memref_squeeze %dma_wait3A_27 : memref<1x157x128xi32, #tpu.memory_space<hbm>> -> memref<157x128xi32, #tpu.memory_space<hbm>>
      tpu.wait_dma2 semaphore(%run_scoped3A : memref<!tpu.dma_semaphore, #tpu.memory_space<semaphore_mem>>) src(%dma_wait3A_28 : memref<157x128xi32, #tpu.memory_space<hbm>>) dst(%arg8 : memref<157x128xi32, #tpu.memory_space<vmem>>)
      tpu.yield
    }) : () -> ()
    %mul3A_1 = arith.constant 632 : i32
    %mul3A_2 = arith.muli %arg1, %mul3A_1 : i32
    %mul3A_3 = arith.constant 632 : i32
    %mul3A_4 = arith.muli %arg1, %mul3A_3 : i32
    "tpu.region"() ({
      %run_scoped3A = tpu.sem_alloc : memref<!tpu.dma_semaphore, #tpu.memory_space<semaphore_mem>>
      %dma_start3A = arith.constant 0 : i32
      %dma_start3A_15 = tpu.memref_slice %arg10[%mul3A_4, %dma_start3A] : memref<10112x64xf32, #tpu.memory_space<vmem_shared>> -> memref<632x64xf32, #tpu.memory_space<vmem_shared>>
      %dma_start3A_16 = arith.constant 0 : i32
      %dma_start3A_17 = tpu.memref_slice %arg5[%mul3A_2, %dma_start3A_16] : memref<10112x64xf32, #tpu.memory_space<hbm>> -> memref<632x64xf32, #tpu.memory_space<hbm>>
      tpu.enqueue_dma source(%dma_start3A_17 : memref<632x64xf32, #tpu.memory_space<hbm>>) target(%dma_start3A_15 : memref<632x64xf32, #tpu.memory_space<vmem_shared>>) target_semaphore(%run_scoped3A : memref<!tpu.dma_semaphore, #tpu.memory_space<semaphore_mem>>)
      %dma_wait3A = arith.constant 0 : i32
      %dma_wait3A_18 = tpu.memref_slice %arg10[%mul3A_4, %dma_wait3A] : memref<10112x64xf32, #tpu.memory_space<vmem_shared>> -> memref<632x64xf32, #tpu.memory_space<vmem_shared>>
      %dma_wait3A_19 = arith.constant 0 : i32
      %dma_wait3A_20 = tpu.memref_slice %arg5[%mul3A_2, %dma_wait3A_19] : memref<10112x64xf32, #tpu.memory_space<hbm>> -> memref<632x64xf32, #tpu.memory_space<hbm>>
      tpu.wait_dma2 semaphore(%run_scoped3A : memref<!tpu.dma_semaphore, #tpu.memory_space<semaphore_mem>>) src(%dma_wait3A_20 : memref<632x64xf32, #tpu.memory_space<hbm>>) dst(%dma_wait3A_18 : memref<632x64xf32, #tpu.memory_space<vmem_shared>>)
      tpu.yield
    }) : () -> ()
    %barrier3A = arith.constant 0 : index
    tpu.barrier barrier_id(%barrier3A)
    %scan3A = arith.constant 0 : i32
    %scan3A_5 = arith.constant 0 : i32
    %scan3A_6 = arith.constant 157 : i32
    %scan3A_7 = arith.addi %scan3A_5, %scan3A_6 : i32
    %scan3A_8 = arith.constant 1 : i32
    scf.for %scan3A_15 = %scan3A_5 to %scan3A_7 step %scan3A_8  : i32 {
      %dma_start3A = arith.constant 0 : i32
      %dma_start3A_16 = tpu.memref_slice %arg7[%scan3A_15, %dma_start3A] : memref<157x128xi32, #tpu.memory_space<vmem>> -> memref<1x128xi32, #tpu.memory_space<vmem>>
      %dma_start3A_17 = tpu.memref_squeeze %dma_start3A_16 : memref<1x128xi32, #tpu.memory_space<vmem>> -> memref<128xi32, #tpu.memory_space<vmem>>
      %dma_start3A_18 = arith.constant 0 : i32
      %dma_start3A_19 = arith.constant 0 : i32
      %dma_start3A_20 = tpu.memref_slice %arg2[%dma_start3A_18, %dma_start3A_19] : memref<10000x64xf32, #tpu.memory_space<hbm>> -> memref<10000x64xf32, #tpu.memory_space<hbm>>
      tpu.enqueue_indirect_dma source(%dma_start3A_20 : memref<10000x64xf32, #tpu.memory_space<hbm>>) target(%arg9 : memref<128x64xf32, #tpu.memory_space<vmem>>) offsets(%dma_start3A_17 : memref<128xi32, #tpu.memory_space<vmem>>) semaphore(%arg11 : memref<!tpu.dma_semaphore, #tpu.memory_space<semaphore_mem>>)
      %dma_wait3A = arith.constant 0 : i32
      %dma_wait3A_21 = tpu.memref_slice %arg7[%scan3A_15, %dma_wait3A] : memref<157x128xi32, #tpu.memory_space<vmem>> -> memref<1x128xi32, #tpu.memory_space<vmem>>
      %dma_wait3A_22 = tpu.memref_squeeze %dma_wait3A_21 : memref<1x128xi32, #tpu.memory_space<vmem>> -> memref<128xi32, #tpu.memory_space<vmem>>
      %dma_wait3A_23 = arith.constant 0 : i32
      %dma_wait3A_24 = arith.constant 0 : i32
      %dma_wait3A_25 = tpu.memref_slice %arg2[%dma_wait3A_23, %dma_wait3A_24] : memref<10000x64xf32, #tpu.memory_space<hbm>> -> memref<10000x64xf32, #tpu.memory_space<hbm>>
      tpu.wait_indirect_dma semaphore(%arg11 : memref<!tpu.dma_semaphore, #tpu.memory_space<semaphore_mem>>) src(%dma_wait3A_25 : memref<10000x64xf32, #tpu.memory_space<hbm>>) dst(%arg9 : memref<128x64xf32, #tpu.memory_space<vmem>>)
      "tpu.region"() ({
        %run_scoped3A = tpu.sem_alloc : memref<!tpu.dma_semaphore, #tpu.memory_space<semaphore_mem>>
        %dma_start3A_26 = arith.constant 0 : i32
        %dma_start3A_27 = tpu.memref_slice %arg8[%scan3A_15, %dma_start3A_26] : memref<157x128xi32, #tpu.memory_space<vmem>> -> memref<1x128xi32, #tpu.memory_space<vmem>>
        %dma_start3A_28 = tpu.memref_squeeze %dma_start3A_27 : memref<1x128xi32, #tpu.memory_space<vmem>> -> memref<128xi32, #tpu.memory_space<vmem>>
        %dma_start3A_29 = arith.constant 0 : i32
        %dma_start3A_30 = arith.constant 0 : i32
        %dma_start3A_31 = tpu.memref_slice %arg10[%dma_start3A_29, %dma_start3A_30] : memref<10112x64xf32, #tpu.memory_space<vmem_shared>> -> memref<10112x64xf32, #tpu.memory_space<vmem_shared>>
        tpu.enqueue_indirect_dma source(%arg9 : memref<128x64xf32, #tpu.memory_space<vmem>>) target(%dma_start3A_31 : memref<10112x64xf32, #tpu.memory_space<vmem_shared>>) offsets(%dma_start3A_28 : memref<128xi32, #tpu.memory_space<vmem>>) semaphore(%run_scoped3A : memref<!tpu.dma_semaphore, #tpu.memory_space<semaphore_mem>>) {add = true}
        %dma_wait3A_32 = arith.constant 0 : i32
        %dma_wait3A_33 = tpu.memref_slice %arg8[%scan3A_15, %dma_wait3A_32] : memref<157x128xi32, #tpu.memory_space<vmem>> -> memref<1x128xi32, #tpu.memory_space<vmem>>
        %dma_wait3A_34 = tpu.memref_squeeze %dma_wait3A_33 : memref<1x128xi32, #tpu.memory_space<vmem>> -> memref<128xi32, #tpu.memory_space<vmem>>
        %dma_wait3A_35 = arith.constant 0 : i32
        %dma_wait3A_36 = arith.constant 0 : i32
        %dma_wait3A_37 = tpu.memref_slice %arg10[%dma_wait3A_35, %dma_wait3A_36] : memref<10112x64xf32, #tpu.memory_space<vmem_shared>> -> memref<10112x64xf32, #tpu.memory_space<vmem_shared>>
        tpu.wait_indirect_dma semaphore(%run_scoped3A : memref<!tpu.dma_semaphore, #tpu.memory_space<semaphore_mem>>) src(%arg9 : memref<128x64xf32, #tpu.memory_space<vmem>>) dst(%dma_wait3A_37 : memref<10112x64xf32, #tpu.memory_space<vmem_shared>>)
        tpu.yield
      }) : () -> ()
    }
    %scan3A_9 = arith.constant 157 : i32
    %barrier3A_10 = arith.constant 0 : index
    tpu.barrier barrier_id(%barrier3A_10)
    %mul3A_11 = arith.constant 632 : i32
    %mul3A_12 = arith.muli %arg1, %mul3A_11 : i32
    %mul3A_13 = arith.constant 632 : i32
    %mul3A_14 = arith.muli %arg1, %mul3A_13 : i32
    "tpu.region"() ({
      %run_scoped3A = tpu.sem_alloc : memref<!tpu.dma_semaphore, #tpu.memory_space<semaphore_mem>>
      %dma_start3A = arith.constant 0 : i32
      %dma_start3A_15 = tpu.memref_slice %arg6[%arg0, %mul3A_14, %dma_start3A] : memref<2x10112x64xf32, #tpu.memory_space<hbm>> -> memref<1x632x64xf32, #tpu.memory_space<hbm>>
      %dma_start3A_16 = tpu.memref_squeeze %dma_start3A_15 : memref<1x632x64xf32, #tpu.memory_space<hbm>> -> memref<632x64xf32, #tpu.memory_space<hbm>>
      %dma_start3A_17 = arith.constant 0 : i32
      %dma_start3A_18 = tpu.memref_slice %arg10[%mul3A_12, %dma_start3A_17] : memref<10112x64xf32, #tpu.memory_space<vmem_shared>> -> memref<632x64xf32, #tpu.memory_space<vmem_shared>>
      tpu.enqueue_dma source(%dma_start3A_18 : memref<632x64xf32, #tpu.memory_space<vmem_shared>>) target(%dma_start3A_16 : memref<632x64xf32, #tpu.memory_space<hbm>>) target_semaphore(%run_scoped3A : memref<!tpu.dma_semaphore, #tpu.memory_space<semaphore_mem>>)
      %dma_wait3A = arith.constant 0 : i32
      %dma_wait3A_19 = tpu.memref_slice %arg6[%arg0, %mul3A_14, %dma_wait3A] : memref<2x10112x64xf32, #tpu.memory_space<hbm>> -> memref<1x632x64xf32, #tpu.memory_space<hbm>>
      %dma_wait3A_20 = tpu.memref_squeeze %dma_wait3A_19 : memref<1x632x64xf32, #tpu.memory_space<hbm>> -> memref<632x64xf32, #tpu.memory_space<hbm>>
      %dma_wait3A_21 = arith.constant 0 : i32
      %dma_wait3A_22 = tpu.memref_slice %arg10[%mul3A_12, %dma_wait3A_21] : memref<10112x64xf32, #tpu.memory_space<vmem_shared>> -> memref<632x64xf32, #tpu.memory_space<vmem_shared>>
      tpu.wait_dma2 semaphore(%run_scoped3A : memref<!tpu.dma_semaphore, #tpu.memory_space<semaphore_mem>>) src(%dma_wait3A_22 : memref<632x64xf32, #tpu.memory_space<vmem_shared>>) dst(%dma_wait3A_20 : memref<632x64xf32, #tpu.memory_space<hbm>>)
      tpu.yield
    }) : () -> ()
    return
  }
}

#map = affine_map<(d0, d1) -> (0, 0)>
#map1 = affine_map<(d0, d1) -> (0, 0, 0)>
module attributes {stable_mosaic.version = 14 : i64} {
  func.func @k(%arg0: i32, %arg1: i32, %arg2: memref<10000x64xf32, #tpu.memory_space<hbm>>, %arg3: memref<32x157x128xi32, #tpu.memory_space<hbm>>, %arg4: memref<32x157x128xi32, #tpu.memory_space<hbm>>, %arg5: memref<10112x64xf32, #tpu.memory_space<hbm>>, %arg6: memref<2x10112x64xf32, #tpu.memory_space<hbm>>, %arg7: memref<157x128xi32, #tpu.memory_space<vmem>>, %arg8: memref<157x128xi32, #tpu.memory_space<vmem>>, %arg9: memref<128x64xf32, #tpu.memory_space<vmem>>, %arg10: memref<10112x64xf32, #tpu.memory_space<vmem_shared>>, %arg11: memref<!tpu.dma_semaphore, #tpu.memory_space<semaphore_mem>>) attributes {dimension_semantics = [#tpu.dimension_semantics<core_parallel>, #tpu.dimension_semantics<subcore_parallel>], iteration_bounds = array<i64: 2, 16>, scalar_prefetch = 0 : i64, scratch_operands = 5 : i64, tpu.core_type = #tpu.core_type<sc_vector_subcore>, window_params = [{transform_indices = #map}, {transform_indices = #map1}, {transform_indices = #map1}, {transform_indices = #map}, {transform_indices = #map1}]} {
    %mul3A = arith.constant 16 : i32
    %mul3A_0 = arith.muli %arg0, %mul3A : i32
    %add3A = arith.addi %mul3A_0, %arg1 : i32
    "tpu.region"() ({
      %run_scoped3A = tpu.sem_alloc : memref<!tpu.dma_semaphore, #tpu.memory_space<semaphore_mem>>
      %dma_start3A = arith.constant 0 : i32
      %dma_start3A_15 = arith.constant 0 : i32
      %dma_start3A_16 = tpu.memref_slice %arg3[%add3A, %dma_start3A, %dma_start3A_15] : memref<32x157x128xi32, #tpu.memory_space<hbm>> -> memref<1x157x128xi32, #tpu.memory_space<hbm>>
      %dma_start3A_17 = tpu.memref_squeeze %dma_start3A_16 : memref<1x157x128xi32, #tpu.memory_space<hbm>> -> memref<157x128xi32, #tpu.memory_space<hbm>>
      %dma_start3A_18 = arith.constant 0 : i32
      %dma_start3A_19 = arith.constant 0 : i32
      %dma_start3A_20 = tpu.memref_slice %arg3[%add3A, %dma_start3A_18, %dma_start3A_19] : memref<32x157x128xi32, #tpu.memory_space<hbm>> -> memref<1x157x128xi32, #tpu.memory_space<hbm>>
      %dma_start3A_21 = tpu.memref_squeeze %dma_start3A_20 : memref<1x157x128xi32, #tpu.memory_space<hbm>> -> memref<157x128xi32, #tpu.memory_space<hbm>>
      tpu.enqueue_dma source(%dma_start3A_21 : memref<157x128xi32, #tpu.memory_space<hbm>>) target(%arg7 : memref<157x128xi32, #tpu.memory_space<vmem>>) target_semaphore(%run_scoped3A : memref<!tpu.dma_semaphore, #tpu.memory_space<semaphore_mem>>)
      %dma_wait3A = arith.constant 0 : i32
      %dma_wait3A_22 = arith.constant 0 : i32
      %dma_wait3A_23 = tpu.memref_slice %arg3[%add3A, %dma_wait3A, %dma_wait3A_22] : memref<32x157x128xi32, #tpu.memory_space<hbm>> -> memref<1x157x128xi32, #tpu.memory_space<hbm>>
      %dma_wait3A_24 = tpu.memref_squeeze %dma_wait3A_23 : memref<1x157x128xi32, #tpu.memory_space<hbm>> -> memref<157x128xi32, #tpu.memory_space<hbm>>
      %dma_wait3A_25 = arith.constant 0 : i32
      %dma_wait3A_26 = arith.constant 0 : i32
      %dma_wait3A_27 = tpu.memref_slice %arg3[%add3A, %dma_wait3A_25, %dma_wait3A_26] : memref<32x157x128xi32, #tpu.memory_space<hbm>> -> memref<1x157x128xi32, #tpu.memory_space<hbm>>
      %dma_wait3A_28 = tpu.memref_squeeze %dma_wait3A_27 : memref<1x157x128xi32, #tpu.memory_space<hbm>> -> memref<157x128xi32, #tpu.memory_space<hbm>>
      tpu.wait_dma2 semaphore(%run_scoped3A : memref<!tpu.dma_semaphore, #tpu.memory_space<semaphore_mem>>) src(%dma_wait3A_28 : memref<157x128xi32, #tpu.memory_space<hbm>>) dst(%arg7 : memref<157x128xi32, #tpu.memory_space<vmem>>)
      tpu.yield
    }) : () -> ()
    "tpu.region"() ({
      %run_scoped3A = tpu.sem_alloc : memref<!tpu.dma_semaphore, #tpu.memory_space<semaphore_mem>>
      %dma_start3A = arith.constant 0 : i32
      %dma_start3A_15 = arith.constant 0 : i32
      %dma_start3A_16 = tpu.memref_slice %arg4[%add3A, %dma_start3A, %dma_start3A_15] : memref<32x157x128xi32, #tpu.memory_space<hbm>> -> memref<1x157x128xi32, #tpu.memory_space<hbm>>
      %dma_start3A_17 = tpu.memref_squeeze %dma_start3A_16 : memref<1x157x128xi32, #tpu.memory_space<hbm>> -> memref<157x128xi32, #tpu.memory_space<hbm>>
      %dma_start3A_18 = arith.constant 0 : i32
      %dma_start3A_19 = arith.constant 0 : i32
      %dma_start3A_20 = tpu.memref_slice %arg4[%add3A, %dma_start3A_18, %dma_start3A_19] : memref<32x157x128xi32, #tpu.memory_space<hbm>> -> memref<1x157x128xi32, #tpu.memory_space<hbm>>
      %dma_start3A_21 = tpu.memref_squeeze %dma_start3A_20 : memref<1x157x128xi32, #tpu.memory_space<hbm>> -> memref<157x128xi32, #tpu.memory_space<hbm>>
      tpu.enqueue_dma source(%dma_start3A_21 : memref<157x128xi32, #tpu.memory_space<hbm>>) target(%arg8 : memref<157x128xi32, #tpu.memory_space<vmem>>) target_semaphore(%run_scoped3A : memref<!tpu.dma_semaphore, #tpu.memory_space<semaphore_mem>>)
      %dma_wait3A = arith.constant 0 : i32
      %dma_wait3A_22 = arith.constant 0 : i32
      %dma_wait3A_23 = tpu.memref_slice %arg4[%add3A, %dma_wait3A, %dma_wait3A_22] : memref<32x157x128xi32, #tpu.memory_space<hbm>> -> memref<1x157x128xi32, #tpu.memory_space<hbm>>
      %dma_wait3A_24 = tpu.memref_squeeze %dma_wait3A_23 : memref<1x157x128xi32, #tpu.memory_space<hbm>> -> memref<157x128xi32, #tpu.memory_space<hbm>>
      %dma_wait3A_25 = arith.constant 0 : i32
      %dma_wait3A_26 = arith.constant 0 : i32
      %dma_wait3A_27 = tpu.memref_slice %arg4[%add3A, %dma_wait3A_25, %dma_wait3A_26] : memref<32x157x128xi32, #tpu.memory_space<hbm>> -> memref<1x157x128xi32, #tpu.memory_space<hbm>>
      %dma_wait3A_28 = tpu.memref_squeeze %dma_wait3A_27 : memref<1x157x128xi32, #tpu.memory_space<hbm>> -> memref<157x128xi32, #tpu.memory_space<hbm>>
      tpu.wait_dma2 semaphore(%run_scoped3A : memref<!tpu.dma_semaphore, #tpu.memory_space<semaphore_mem>>) src(%dma_wait3A_28 : memref<157x128xi32, #tpu.memory_space<hbm>>) dst(%arg8 : memref<157x128xi32, #tpu.memory_space<vmem>>)
      tpu.yield
    }) : () -> ()
    %mul3A_1 = arith.constant 632 : i32
    %mul3A_2 = arith.muli %arg1, %mul3A_1 : i32
    %mul3A_3 = arith.constant 632 : i32
    %mul3A_4 = arith.muli %arg1, %mul3A_3 : i32
    "tpu.region"() ({
      %run_scoped3A = tpu.sem_alloc : memref<!tpu.dma_semaphore, #tpu.memory_space<semaphore_mem>>
      %dma_start3A = arith.constant 0 : i32
      %dma_start3A_15 = tpu.memref_slice %arg10[%mul3A_4, %dma_start3A] : memref<10112x64xf32, #tpu.memory_space<vmem_shared>> -> memref<632x64xf32, #tpu.memory_space<vmem_shared>>
      %dma_start3A_16 = arith.constant 0 : i32
      %dma_start3A_17 = tpu.memref_slice %arg5[%mul3A_2, %dma_start3A_16] : memref<10112x64xf32, #tpu.memory_space<hbm>> -> memref<632x64xf32, #tpu.memory_space<hbm>>
      tpu.enqueue_dma source(%dma_start3A_17 : memref<632x64xf32, #tpu.memory_space<hbm>>) target(%dma_start3A_15 : memref<632x64xf32, #tpu.memory_space<vmem_shared>>) target_semaphore(%run_scoped3A : memref<!tpu.dma_semaphore, #tpu.memory_space<semaphore_mem>>)
      %dma_wait3A = arith.constant 0 : i32
      %dma_wait3A_18 = tpu.memref_slice %arg10[%mul3A_4, %dma_wait3A] : memref<10112x64xf32, #tpu.memory_space<vmem_shared>> -> memref<632x64xf32, #tpu.memory_space<vmem_shared>>
      %dma_wait3A_19 = arith.constant 0 : i32
      %dma_wait3A_20 = tpu.memref_slice %arg5[%mul3A_2, %dma_wait3A_19] : memref<10112x64xf32, #tpu.memory_space<hbm>> -> memref<632x64xf32, #tpu.memory_space<hbm>>
      tpu.wait_dma2 semaphore(%run_scoped3A : memref<!tpu.dma_semaphore, #tpu.memory_space<semaphore_mem>>) src(%dma_wait3A_20 : memref<632x64xf32, #tpu.memory_space<hbm>>) dst(%dma_wait3A_18 : memref<632x64xf32, #tpu.memory_space<vmem_shared>>)
      tpu.yield
    }) : () -> ()
    %barrier3A = arith.constant 0 : index
    tpu.barrier barrier_id(%barrier3A)
    %scan3A = arith.constant 0 : i32
    %scan3A_5 = arith.constant 0 : i32
    %scan3A_6 = arith.constant 157 : i32
    %scan3A_7 = arith.addi %scan3A_5, %scan3A_6 : i32
    %scan3A_8 = arith.constant 1 : i32
    scf.for %scan3A_15 = %scan3A_5 to %scan3A_7 step %scan3A_8  : i32 {
      %dma_start3A = arith.constant 0 : i32
      %dma_start3A_16 = tpu.memref_slice %arg7[%scan3A_15, %dma_start3A] : memref<157x128xi32, #tpu.memory_space<vmem>> -> memref<1x128xi32, #tpu.memory_space<vmem>>
      %dma_start3A_17 = tpu.memref_squeeze %dma_start3A_16 : memref<1x128xi32, #tpu.memory_space<vmem>> -> memref<128xi32, #tpu.memory_space<vmem>>
      %dma_start3A_18 = arith.constant 0 : i32
      %dma_start3A_19 = arith.constant 0 : i32
      %dma_start3A_20 = tpu.memref_slice %arg2[%dma_start3A_18, %dma_start3A_19] : memref<10000x64xf32, #tpu.memory_space<hbm>> -> memref<10000x64xf32, #tpu.memory_space<hbm>>
      tpu.enqueue_indirect_dma source(%dma_start3A_20 : memref<10000x64xf32, #tpu.memory_space<hbm>>) target(%arg9 : memref<128x64xf32, #tpu.memory_space<vmem>>) offsets(%dma_start3A_17 : memref<128xi32, #tpu.memory_space<vmem>>) semaphore(%arg11 : memref<!tpu.dma_semaphore, #tpu.memory_space<semaphore_mem>>)
      %dma_wait3A = arith.constant 0 : i32
      %dma_wait3A_21 = tpu.memref_slice %arg7[%scan3A_15, %dma_wait3A] : memref<157x128xi32, #tpu.memory_space<vmem>> -> memref<1x128xi32, #tpu.memory_space<vmem>>
      %dma_wait3A_22 = tpu.memref_squeeze %dma_wait3A_21 : memref<1x128xi32, #tpu.memory_space<vmem>> -> memref<128xi32, #tpu.memory_space<vmem>>
      %dma_wait3A_23 = arith.constant 0 : i32
      %dma_wait3A_24 = arith.constant 0 : i32
      %dma_wait3A_25 = tpu.memref_slice %arg2[%dma_wait3A_23, %dma_wait3A_24] : memref<10000x64xf32, #tpu.memory_space<hbm>> -> memref<10000x64xf32, #tpu.memory_space<hbm>>
      tpu.wait_indirect_dma semaphore(%arg11 : memref<!tpu.dma_semaphore, #tpu.memory_space<semaphore_mem>>) src(%dma_wait3A_25 : memref<10000x64xf32, #tpu.memory_space<hbm>>) dst(%arg9 : memref<128x64xf32, #tpu.memory_space<vmem>>)
      "tpu.region"() ({
        %run_scoped3A = tpu.sem_alloc : memref<!tpu.dma_semaphore, #tpu.memory_space<semaphore_mem>>
        %dma_start3A_26 = arith.constant 0 : i32
        %dma_start3A_27 = tpu.memref_slice %arg8[%scan3A_15, %dma_start3A_26] : memref<157x128xi32, #tpu.memory_space<vmem>> -> memref<1x128xi32, #tpu.memory_space<vmem>>
        %dma_start3A_28 = tpu.memref_squeeze %dma_start3A_27 : memref<1x128xi32, #tpu.memory_space<vmem>> -> memref<128xi32, #tpu.memory_space<vmem>>
        %dma_start3A_29 = arith.constant 0 : i32
        %dma_start3A_30 = arith.constant 0 : i32
        %dma_start3A_31 = tpu.memref_slice %arg10[%dma_start3A_29, %dma_start3A_30] : memref<10112x64xf32, #tpu.memory_space<vmem_shared>> -> memref<10112x64xf32, #tpu.memory_space<vmem_shared>>
        tpu.enqueue_indirect_dma source(%arg9 : memref<128x64xf32, #tpu.memory_space<vmem>>) target(%dma_start3A_31 : memref<10112x64xf32, #tpu.memory_space<vmem_shared>>) offsets(%dma_start3A_28 : memref<128xi32, #tpu.memory_space<vmem>>) semaphore(%run_scoped3A : memref<!tpu.dma_semaphore, #tpu.memory_space<semaphore_mem>>) {add = true}
        %dma_wait3A_32 = arith.constant 0 : i32
        %dma_wait3A_33 = tpu.memref_slice %arg8[%scan3A_15, %dma_wait3A_32] : memref<157x128xi32, #tpu.memory_space<vmem>> -> memref<1x128xi32, #tpu.memory_space<vmem>>
        %dma_wait3A_34 = tpu.memref_squeeze %dma_wait3A_33 : memref<1x128xi32, #tpu.memory_space<vmem>> -> memref<128xi32, #tpu.memory_space<vmem>>
        %dma_wait3A_35 = arith.constant 0 : i32
        %dma_wait3A_36 = arith.constant 0 : i32
        %dma_wait3A_37 = tpu.memref_slice %arg10[%dma_wait3A_35, %dma_wait3A_36] : memref<10112x64xf32, #tpu.memory_space<vmem_shared>> -> memref<10112x64xf32, #tpu.memory_space<vmem_shared>>
        tpu.wait_indirect_dma semaphore(%run_scoped3A : memref<!tpu.dma_semaphore, #tpu.memory_space<semaphore_mem>>) src(%arg9 : memref<128x64xf32, #tpu.memory_space<vmem>>) dst(%dma_wait3A_37 : memref<10112x64xf32, #tpu.memory_space<vmem_shared>>)
        tpu.yield
      }) : () -> ()
    }
    %scan3A_9 = arith.constant 157 : i32
    %barrier3A_10 = arith.constant 0 : index
    tpu.barrier barrier_id(%barrier3A_10)
    %mul3A_11 = arith.constant 632 : i32
    %mul3A_12 = arith.muli %arg1, %mul3A_11 : i32
    %mul3A_13 = arith.constant 632 : i32
    %mul3A_14 = arith.muli %arg1, %mul3A_13 : i32
    "tpu.region"() ({
      %run_scoped3A = tpu.sem_alloc : memref<!tpu.dma_semaphore, #tpu.memory_space<semaphore_mem>>
      %dma_start3A = arith.constant 0 : i32
      %dma_start3A_15 = tpu.memref_slice %arg6[%arg0, %mul3A_14, %dma_start3A] : memref<2x10112x64xf32, #tpu.memory_space<hbm>> -> memref<1x632x64xf32, #tpu.memory_space<hbm>>
      %dma_start3A_16 = tpu.memref_squeeze %dma_start3A_15 : memref<1x632x64xf32, #tpu.memory_space<hbm>> -> memref<632x64xf32, #tpu.memory_space<hbm>>
      %dma_start3A_17 = arith.constant 0 : i32
      %dma_start3A_18 = tpu.memref_slice %arg10[%mul3A_12, %dma_start3A_17] : memref<10112x64xf32, #tpu.memory_space<vmem_shared>> -> memref<632x64xf32, #tpu.memory_space<vmem_shared>>
      tpu.enqueue_dma source(%dma_start3A_18 : memref<632x64xf32, #tpu.memory_space<vmem_shared>>) target(%dma_start3A_16 : memref<632x64xf32, #tpu.memory_space<hbm>>) target_semaphore(%run_scoped3A : memref<!tpu.dma_semaphore, #tpu.memory_space<semaphore_mem>>)
      %dma_wait3A = arith.constant 0 : i32
      %dma_wait3A_19 = tpu.memref_slice %arg6[%arg0, %mul3A_14, %dma_wait3A] : memref<2x10112x64xf32, #tpu.memory_space<hbm>> -> memref<1x632x64xf32, #tpu.memory_space<hbm>>
      %dma_wait3A_20 = tpu.memref_squeeze %dma_wait3A_19 : memref<1x632x64xf32, #tpu.memory_space<hbm>> -> memref<632x64xf32, #tpu.memory_space<hbm>>
      %dma_wait3A_21 = arith.constant 0 : i32
      %dma_wait3A_22 = tpu.memref_slice %arg10[%mul3A_12, %dma_wait3A_21] : memref<10112x64xf32, #tpu.memory_space<vmem_shared>> -> memref<632x64xf32, #tpu.memory_space<vmem_shared>>
      tpu.wait_dma2 semaphore(%run_scoped3A : memref<!tpu.dma_semaphore, #tpu.memory_space<semaphore_mem>>) src(%dma_wait3A_22 : memref<632x64xf32, #tpu.memory_space<vmem_shared>>) dst(%dma_wait3A_20 : memref<632x64xf32, #tpu.memory_space<hbm>>)
      tpu.yield
    }) : () -> ()
    return
  }
}

#map = affine_map<(d0, d1) -> (0, 0)>
#map1 = affine_map<(d0, d1) -> (0, 0, 0)>
module attributes {stable_mosaic.version = 14 : i64} {
  func.func @k(%arg0: i32, %arg1: i32, %arg2: memref<10000x64xf32, #tpu.memory_space<hbm>>, %arg3: memref<32x157x128xi32, #tpu.memory_space<hbm>>, %arg4: memref<32x157x128xi32, #tpu.memory_space<hbm>>, %arg5: memref<10112x64xf32, #tpu.memory_space<hbm>>, %arg6: memref<2x10112x64xf32, #tpu.memory_space<hbm>>, %arg7: memref<157x128xi32, #tpu.memory_space<vmem>>, %arg8: memref<157x128xi32, #tpu.memory_space<vmem>>, %arg9: memref<128x64xf32, #tpu.memory_space<vmem>>, %arg10: memref<10112x64xf32, #tpu.memory_space<vmem_shared>>, %arg11: memref<!tpu.dma_semaphore, #tpu.memory_space<semaphore_mem>>) attributes {dimension_semantics = [#tpu.dimension_semantics<core_parallel>, #tpu.dimension_semantics<subcore_parallel>], iteration_bounds = array<i64: 2, 16>, scalar_prefetch = 0 : i64, scratch_operands = 5 : i64, tpu.core_type = #tpu.core_type<sc_vector_subcore>, window_params = [{transform_indices = #map}, {transform_indices = #map1}, {transform_indices = #map1}, {transform_indices = #map}, {transform_indices = #map1}]} {
    %mul3A = arith.constant 16 : i32
    %mul3A_0 = arith.muli %arg0, %mul3A : i32
    %add3A = arith.addi %mul3A_0, %arg1 : i32
    "tpu.region"() ({
      %run_scoped3A = tpu.sem_alloc : memref<!tpu.dma_semaphore, #tpu.memory_space<semaphore_mem>>
      %dma_start3A = arith.constant 0 : i32
      %dma_start3A_15 = arith.constant 0 : i32
      %dma_start3A_16 = tpu.memref_slice %arg3[%add3A, %dma_start3A, %dma_start3A_15] : memref<32x157x128xi32, #tpu.memory_space<hbm>> -> memref<1x157x128xi32, #tpu.memory_space<hbm>>
      %dma_start3A_17 = tpu.memref_squeeze %dma_start3A_16 : memref<1x157x128xi32, #tpu.memory_space<hbm>> -> memref<157x128xi32, #tpu.memory_space<hbm>>
      %dma_start3A_18 = arith.constant 0 : i32
      %dma_start3A_19 = arith.constant 0 : i32
      %dma_start3A_20 = tpu.memref_slice %arg3[%add3A, %dma_start3A_18, %dma_start3A_19] : memref<32x157x128xi32, #tpu.memory_space<hbm>> -> memref<1x157x128xi32, #tpu.memory_space<hbm>>
      %dma_start3A_21 = tpu.memref_squeeze %dma_start3A_20 : memref<1x157x128xi32, #tpu.memory_space<hbm>> -> memref<157x128xi32, #tpu.memory_space<hbm>>
      tpu.enqueue_dma source(%dma_start3A_21 : memref<157x128xi32, #tpu.memory_space<hbm>>) target(%arg7 : memref<157x128xi32, #tpu.memory_space<vmem>>) target_semaphore(%run_scoped3A : memref<!tpu.dma_semaphore, #tpu.memory_space<semaphore_mem>>)
      %dma_wait3A = arith.constant 0 : i32
      %dma_wait3A_22 = arith.constant 0 : i32
      %dma_wait3A_23 = tpu.memref_slice %arg3[%add3A, %dma_wait3A, %dma_wait3A_22] : memref<32x157x128xi32, #tpu.memory_space<hbm>> -> memref<1x157x128xi32, #tpu.memory_space<hbm>>
      %dma_wait3A_24 = tpu.memref_squeeze %dma_wait3A_23 : memref<1x157x128xi32, #tpu.memory_space<hbm>> -> memref<157x128xi32, #tpu.memory_space<hbm>>
      %dma_wait3A_25 = arith.constant 0 : i32
      %dma_wait3A_26 = arith.constant 0 : i32
      %dma_wait3A_27 = tpu.memref_slice %arg3[%add3A, %dma_wait3A_25, %dma_wait3A_26] : memref<32x157x128xi32, #tpu.memory_space<hbm>> -> memref<1x157x128xi32, #tpu.memory_space<hbm>>
      %dma_wait3A_28 = tpu.memref_squeeze %dma_wait3A_27 : memref<1x157x128xi32, #tpu.memory_space<hbm>> -> memref<157x128xi32, #tpu.memory_space<hbm>>
      tpu.wait_dma2 semaphore(%run_scoped3A : memref<!tpu.dma_semaphore, #tpu.memory_space<semaphore_mem>>) src(%dma_wait3A_28 : memref<157x128xi32, #tpu.memory_space<hbm>>) dst(%arg7 : memref<157x128xi32, #tpu.memory_space<vmem>>)
      tpu.yield
    }) : () -> ()
    "tpu.region"() ({
      %run_scoped3A = tpu.sem_alloc : memref<!tpu.dma_semaphore, #tpu.memory_space<semaphore_mem>>
      %dma_start3A = arith.constant 0 : i32
      %dma_start3A_15 = arith.constant 0 : i32
      %dma_start3A_16 = tpu.memref_slice %arg4[%add3A, %dma_start3A, %dma_start3A_15] : memref<32x157x128xi32, #tpu.memory_space<hbm>> -> memref<1x157x128xi32, #tpu.memory_space<hbm>>
      %dma_start3A_17 = tpu.memref_squeeze %dma_start3A_16 : memref<1x157x128xi32, #tpu.memory_space<hbm>> -> memref<157x128xi32, #tpu.memory_space<hbm>>
      %dma_start3A_18 = arith.constant 0 : i32
      %dma_start3A_19 = arith.constant 0 : i32
      %dma_start3A_20 = tpu.memref_slice %arg4[%add3A, %dma_start3A_18, %dma_start3A_19] : memref<32x157x128xi32, #tpu.memory_space<hbm>> -> memref<1x157x128xi32, #tpu.memory_space<hbm>>
      %dma_start3A_21 = tpu.memref_squeeze %dma_start3A_20 : memref<1x157x128xi32, #tpu.memory_space<hbm>> -> memref<157x128xi32, #tpu.memory_space<hbm>>
      tpu.enqueue_dma source(%dma_start3A_21 : memref<157x128xi32, #tpu.memory_space<hbm>>) target(%arg8 : memref<157x128xi32, #tpu.memory_space<vmem>>) target_semaphore(%run_scoped3A : memref<!tpu.dma_semaphore, #tpu.memory_space<semaphore_mem>>)
      %dma_wait3A = arith.constant 0 : i32
      %dma_wait3A_22 = arith.constant 0 : i32
      %dma_wait3A_23 = tpu.memref_slice %arg4[%add3A, %dma_wait3A, %dma_wait3A_22] : memref<32x157x128xi32, #tpu.memory_space<hbm>> -> memref<1x157x128xi32, #tpu.memory_space<hbm>>
      %dma_wait3A_24 = tpu.memref_squeeze %dma_wait3A_23 : memref<1x157x128xi32, #tpu.memory_space<hbm>> -> memref<157x128xi32, #tpu.memory_space<hbm>>
      %dma_wait3A_25 = arith.constant 0 : i32
      %dma_wait3A_26 = arith.constant 0 : i32
      %dma_wait3A_27 = tpu.memref_slice %arg4[%add3A, %dma_wait3A_25, %dma_wait3A_26] : memref<32x157x128xi32, #tpu.memory_space<hbm>> -> memref<1x157x128xi32, #tpu.memory_space<hbm>>
      %dma_wait3A_28 = tpu.memref_squeeze %dma_wait3A_27 : memref<1x157x128xi32, #tpu.memory_space<hbm>> -> memref<157x128xi32, #tpu.memory_space<hbm>>
      tpu.wait_dma2 semaphore(%run_scoped3A : memref<!tpu.dma_semaphore, #tpu.memory_space<semaphore_mem>>) src(%dma_wait3A_28 : memref<157x128xi32, #tpu.memory_space<hbm>>) dst(%arg8 : memref<157x128xi32, #tpu.memory_space<vmem>>)
      tpu.yield
    }) : () -> ()
    %mul3A_1 = arith.constant 632 : i32
    %mul3A_2 = arith.muli %arg1, %mul3A_1 : i32
    %mul3A_3 = arith.constant 632 : i32
    %mul3A_4 = arith.muli %arg1, %mul3A_3 : i32
    "tpu.region"() ({
      %run_scoped3A = tpu.sem_alloc : memref<!tpu.dma_semaphore, #tpu.memory_space<semaphore_mem>>
      %dma_start3A = arith.constant 0 : i32
      %dma_start3A_15 = tpu.memref_slice %arg10[%mul3A_4, %dma_start3A] : memref<10112x64xf32, #tpu.memory_space<vmem_shared>> -> memref<632x64xf32, #tpu.memory_space<vmem_shared>>
      %dma_start3A_16 = arith.constant 0 : i32
      %dma_start3A_17 = tpu.memref_slice %arg5[%mul3A_2, %dma_start3A_16] : memref<10112x64xf32, #tpu.memory_space<hbm>> -> memref<632x64xf32, #tpu.memory_space<hbm>>
      tpu.enqueue_dma source(%dma_start3A_17 : memref<632x64xf32, #tpu.memory_space<hbm>>) target(%dma_start3A_15 : memref<632x64xf32, #tpu.memory_space<vmem_shared>>) target_semaphore(%run_scoped3A : memref<!tpu.dma_semaphore, #tpu.memory_space<semaphore_mem>>)
      %dma_wait3A = arith.constant 0 : i32
      %dma_wait3A_18 = tpu.memref_slice %arg10[%mul3A_4, %dma_wait3A] : memref<10112x64xf32, #tpu.memory_space<vmem_shared>> -> memref<632x64xf32, #tpu.memory_space<vmem_shared>>
      %dma_wait3A_19 = arith.constant 0 : i32
      %dma_wait3A_20 = tpu.memref_slice %arg5[%mul3A_2, %dma_wait3A_19] : memref<10112x64xf32, #tpu.memory_space<hbm>> -> memref<632x64xf32, #tpu.memory_space<hbm>>
      tpu.wait_dma2 semaphore(%run_scoped3A : memref<!tpu.dma_semaphore, #tpu.memory_space<semaphore_mem>>) src(%dma_wait3A_20 : memref<632x64xf32, #tpu.memory_space<hbm>>) dst(%dma_wait3A_18 : memref<632x64xf32, #tpu.memory_space<vmem_shared>>)
      tpu.yield
    }) : () -> ()
    %barrier3A = arith.constant 0 : index
    tpu.barrier barrier_id(%barrier3A)
    %scan3A = arith.constant 0 : i32
    %scan3A_5 = arith.constant 0 : i32
    %scan3A_6 = arith.constant 157 : i32
    %scan3A_7 = arith.addi %scan3A_5, %scan3A_6 : i32
    %scan3A_8 = arith.constant 1 : i32
    scf.for %scan3A_15 = %scan3A_5 to %scan3A_7 step %scan3A_8  : i32 {
      %dma_start3A = arith.constant 0 : i32
      %dma_start3A_16 = tpu.memref_slice %arg7[%scan3A_15, %dma_start3A] : memref<157x128xi32, #tpu.memory_space<vmem>> -> memref<1x128xi32, #tpu.memory_space<vmem>>
      %dma_start3A_17 = tpu.memref_squeeze %dma_start3A_16 : memref<1x128xi32, #tpu.memory_space<vmem>> -> memref<128xi32, #tpu.memory_space<vmem>>
      %dma_start3A_18 = arith.constant 0 : i32
      %dma_start3A_19 = arith.constant 0 : i32
      %dma_start3A_20 = tpu.memref_slice %arg2[%dma_start3A_18, %dma_start3A_19] : memref<10000x64xf32, #tpu.memory_space<hbm>> -> memref<10000x64xf32, #tpu.memory_space<hbm>>
      tpu.enqueue_indirect_dma source(%dma_start3A_20 : memref<10000x64xf32, #tpu.memory_space<hbm>>) target(%arg9 : memref<128x64xf32, #tpu.memory_space<vmem>>) offsets(%dma_start3A_17 : memref<128xi32, #tpu.memory_space<vmem>>) semaphore(%arg11 : memref<!tpu.dma_semaphore, #tpu.memory_space<semaphore_mem>>)
      %dma_wait3A = arith.constant 0 : i32
      %dma_wait3A_21 = tpu.memref_slice %arg7[%scan3A_15, %dma_wait3A] : memref<157x128xi32, #tpu.memory_space<vmem>> -> memref<1x128xi32, #tpu.memory_space<vmem>>
      %dma_wait3A_22 = tpu.memref_squeeze %dma_wait3A_21 : memref<1x128xi32, #tpu.memory_space<vmem>> -> memref<128xi32, #tpu.memory_space<vmem>>
      %dma_wait3A_23 = arith.constant 0 : i32
      %dma_wait3A_24 = arith.constant 0 : i32
      %dma_wait3A_25 = tpu.memref_slice %arg2[%dma_wait3A_23, %dma_wait3A_24] : memref<10000x64xf32, #tpu.memory_space<hbm>> -> memref<10000x64xf32, #tpu.memory_space<hbm>>
      tpu.wait_indirect_dma semaphore(%arg11 : memref<!tpu.dma_semaphore, #tpu.memory_space<semaphore_mem>>) src(%dma_wait3A_25 : memref<10000x64xf32, #tpu.memory_space<hbm>>) dst(%arg9 : memref<128x64xf32, #tpu.memory_space<vmem>>)
      "tpu.region"() ({
        %run_scoped3A = tpu.sem_alloc : memref<!tpu.dma_semaphore, #tpu.memory_space<semaphore_mem>>
        %dma_start3A_26 = arith.constant 0 : i32
        %dma_start3A_27 = tpu.memref_slice %arg8[%scan3A_15, %dma_start3A_26] : memref<157x128xi32, #tpu.memory_space<vmem>> -> memref<1x128xi32, #tpu.memory_space<vmem>>
        %dma_start3A_28 = tpu.memref_squeeze %dma_start3A_27 : memref<1x128xi32, #tpu.memory_space<vmem>> -> memref<128xi32, #tpu.memory_space<vmem>>
        %dma_start3A_29 = arith.constant 0 : i32
        %dma_start3A_30 = arith.constant 0 : i32
        %dma_start3A_31 = tpu.memref_slice %arg10[%dma_start3A_29, %dma_start3A_30] : memref<10112x64xf32, #tpu.memory_space<vmem_shared>> -> memref<10112x64xf32, #tpu.memory_space<vmem_shared>>
        tpu.enqueue_indirect_dma source(%arg9 : memref<128x64xf32, #tpu.memory_space<vmem>>) target(%dma_start3A_31 : memref<10112x64xf32, #tpu.memory_space<vmem_shared>>) offsets(%dma_start3A_28 : memref<128xi32, #tpu.memory_space<vmem>>) semaphore(%run_scoped3A : memref<!tpu.dma_semaphore, #tpu.memory_space<semaphore_mem>>) {add = true}
        %dma_wait3A_32 = arith.constant 0 : i32
        %dma_wait3A_33 = tpu.memref_slice %arg8[%scan3A_15, %dma_wait3A_32] : memref<157x128xi32, #tpu.memory_space<vmem>> -> memref<1x128xi32, #tpu.memory_space<vmem>>
        %dma_wait3A_34 = tpu.memref_squeeze %dma_wait3A_33 : memref<1x128xi32, #tpu.memory_space<vmem>> -> memref<128xi32, #tpu.memory_space<vmem>>
        %dma_wait3A_35 = arith.constant 0 : i32
        %dma_wait3A_36 = arith.constant 0 : i32
        %dma_wait3A_37 = tpu.memref_slice %arg10[%dma_wait3A_35, %dma_wait3A_36] : memref<10112x64xf32, #tpu.memory_space<vmem_shared>> -> memref<10112x64xf32, #tpu.memory_space<vmem_shared>>
        tpu.wait_indirect_dma semaphore(%run_scoped3A : memref<!tpu.dma_semaphore, #tpu.memory_space<semaphore_mem>>) src(%arg9 : memref<128x64xf32, #tpu.memory_space<vmem>>) dst(%dma_wait3A_37 : memref<10112x64xf32, #tpu.memory_space<vmem_shared>>)
        tpu.yield
      }) : () -> ()
    }
    %scan3A_9 = arith.constant 157 : i32
    %barrier3A_10 = arith.constant 0 : index
    tpu.barrier barrier_id(%barrier3A_10)
    %mul3A_11 = arith.constant 632 : i32
    %mul3A_12 = arith.muli %arg1, %mul3A_11 : i32
    %mul3A_13 = arith.constant 632 : i32
    %mul3A_14 = arith.muli %arg1, %mul3A_13 : i32
    "tpu.region"() ({
      %run_scoped3A = tpu.sem_alloc : memref<!tpu.dma_semaphore, #tpu.memory_space<semaphore_mem>>
      %dma_start3A = arith.constant 0 : i32
      %dma_start3A_15 = tpu.memref_slice %arg6[%arg0, %mul3A_14, %dma_start3A] : memref<2x10112x64xf32, #tpu.memory_space<hbm>> -> memref<1x632x64xf32, #tpu.memory_space<hbm>>
      %dma_start3A_16 = tpu.memref_squeeze %dma_start3A_15 : memref<1x632x64xf32, #tpu.memory_space<hbm>> -> memref<632x64xf32, #tpu.memory_space<hbm>>
      %dma_start3A_17 = arith.constant 0 : i32
      %dma_start3A_18 = tpu.memref_slice %arg10[%mul3A_12, %dma_start3A_17] : memref<10112x64xf32, #tpu.memory_space<vmem_shared>> -> memref<632x64xf32, #tpu.memory_space<vmem_shared>>
      tpu.enqueue_dma source(%dma_start3A_18 : memref<632x64xf32, #tpu.memory_space<vmem_shared>>) target(%dma_start3A_16 : memref<632x64xf32, #tpu.memory_space<hbm>>) target_semaphore(%run_scoped3A : memref<!tpu.dma_semaphore, #tpu.memory_space<semaphore_mem>>)
      %dma_wait3A = arith.constant 0 : i32
      %dma_wait3A_19 = tpu.memref_slice %arg6[%arg0, %mul3A_14, %dma_wait3A] : memref<2x10112x64xf32, #tpu.memory_space<hbm>> -> memref<1x632x64xf32, #tpu.memory_space<hbm>>
      %dma_wait3A_20 = tpu.memref_squeeze %dma_wait3A_19 : memref<1x632x64xf32, #tpu.memory_space<hbm>> -> memref<632x64xf32, #tpu.memory_space<hbm>>
      %dma_wait3A_21 = arith.constant 0 : i32
      %dma_wait3A_22 = tpu.memref_slice %arg10[%mul3A_12, %dma_wait3A_21] : memref<10112x64xf32, #tpu.memory_space<vmem_shared>> -> memref<632x64xf32, #tpu.memory_space<vmem_shared>>
      tpu.wait_dma2 semaphore(%run_scoped3A : memref<!tpu.dma_semaphore, #tpu.memory_space<semaphore_mem>>) src(%dma_wait3A_22 : memref<632x64xf32, #tpu.memory_space<vmem_shared>>) dst(%dma_wait3A_20 : memref<632x64xf32, #tpu.memory_space<hbm>>)
      tpu.yield
    }) : () -> ()
    return
  }
}

#map = affine_map<(d0, d1) -> (0, 0)>
#map1 = affine_map<(d0, d1) -> (0, 0, 0)>
module attributes {stable_mosaic.version = 14 : i64} {
  func.func @k(%arg0: i32, %arg1: i32, %arg2: memref<10000x64xf32, #tpu.memory_space<hbm>>, %arg3: memref<32x157x128xi32, #tpu.memory_space<hbm>>, %arg4: memref<32x157x128xi32, #tpu.memory_space<hbm>>, %arg5: memref<10112x64xf32, #tpu.memory_space<hbm>>, %arg6: memref<2x10112x64xf32, #tpu.memory_space<hbm>>, %arg7: memref<157x128xi32, #tpu.memory_space<vmem>>, %arg8: memref<157x128xi32, #tpu.memory_space<vmem>>, %arg9: memref<128x64xf32, #tpu.memory_space<vmem>>, %arg10: memref<10112x64xf32, #tpu.memory_space<vmem_shared>>, %arg11: memref<!tpu.dma_semaphore, #tpu.memory_space<semaphore_mem>>) attributes {dimension_semantics = [#tpu.dimension_semantics<core_parallel>, #tpu.dimension_semantics<subcore_parallel>], iteration_bounds = array<i64: 2, 16>, scalar_prefetch = 0 : i64, scratch_operands = 5 : i64, tpu.core_type = #tpu.core_type<sc_vector_subcore>, window_params = [{transform_indices = #map}, {transform_indices = #map1}, {transform_indices = #map1}, {transform_indices = #map}, {transform_indices = #map1}]} {
    %mul3A = arith.constant 16 : i32
    %mul3A_0 = arith.muli %arg0, %mul3A : i32
    %add3A = arith.addi %mul3A_0, %arg1 : i32
    "tpu.region"() ({
      %run_scoped3A = tpu.sem_alloc : memref<!tpu.dma_semaphore, #tpu.memory_space<semaphore_mem>>
      %dma_start3A = arith.constant 0 : i32
      %dma_start3A_15 = arith.constant 0 : i32
      %dma_start3A_16 = tpu.memref_slice %arg3[%add3A, %dma_start3A, %dma_start3A_15] : memref<32x157x128xi32, #tpu.memory_space<hbm>> -> memref<1x157x128xi32, #tpu.memory_space<hbm>>
      %dma_start3A_17 = tpu.memref_squeeze %dma_start3A_16 : memref<1x157x128xi32, #tpu.memory_space<hbm>> -> memref<157x128xi32, #tpu.memory_space<hbm>>
      %dma_start3A_18 = arith.constant 0 : i32
      %dma_start3A_19 = arith.constant 0 : i32
      %dma_start3A_20 = tpu.memref_slice %arg3[%add3A, %dma_start3A_18, %dma_start3A_19] : memref<32x157x128xi32, #tpu.memory_space<hbm>> -> memref<1x157x128xi32, #tpu.memory_space<hbm>>
      %dma_start3A_21 = tpu.memref_squeeze %dma_start3A_20 : memref<1x157x128xi32, #tpu.memory_space<hbm>> -> memref<157x128xi32, #tpu.memory_space<hbm>>
      tpu.enqueue_dma source(%dma_start3A_21 : memref<157x128xi32, #tpu.memory_space<hbm>>) target(%arg7 : memref<157x128xi32, #tpu.memory_space<vmem>>) target_semaphore(%run_scoped3A : memref<!tpu.dma_semaphore, #tpu.memory_space<semaphore_mem>>)
      %dma_wait3A = arith.constant 0 : i32
      %dma_wait3A_22 = arith.constant 0 : i32
      %dma_wait3A_23 = tpu.memref_slice %arg3[%add3A, %dma_wait3A, %dma_wait3A_22] : memref<32x157x128xi32, #tpu.memory_space<hbm>> -> memref<1x157x128xi32, #tpu.memory_space<hbm>>
      %dma_wait3A_24 = tpu.memref_squeeze %dma_wait3A_23 : memref<1x157x128xi32, #tpu.memory_space<hbm>> -> memref<157x128xi32, #tpu.memory_space<hbm>>
      %dma_wait3A_25 = arith.constant 0 : i32
      %dma_wait3A_26 = arith.constant 0 : i32
      %dma_wait3A_27 = tpu.memref_slice %arg3[%add3A, %dma_wait3A_25, %dma_wait3A_26] : memref<32x157x128xi32, #tpu.memory_space<hbm>> -> memref<1x157x128xi32, #tpu.memory_space<hbm>>
      %dma_wait3A_28 = tpu.memref_squeeze %dma_wait3A_27 : memref<1x157x128xi32, #tpu.memory_space<hbm>> -> memref<157x128xi32, #tpu.memory_space<hbm>>
      tpu.wait_dma2 semaphore(%run_scoped3A : memref<!tpu.dma_semaphore, #tpu.memory_space<semaphore_mem>>) src(%dma_wait3A_28 : memref<157x128xi32, #tpu.memory_space<hbm>>) dst(%arg7 : memref<157x128xi32, #tpu.memory_space<vmem>>)
      tpu.yield
    }) : () -> ()
    "tpu.region"() ({
      %run_scoped3A = tpu.sem_alloc : memref<!tpu.dma_semaphore, #tpu.memory_space<semaphore_mem>>
      %dma_start3A = arith.constant 0 : i32
      %dma_start3A_15 = arith.constant 0 : i32
      %dma_start3A_16 = tpu.memref_slice %arg4[%add3A, %dma_start3A, %dma_start3A_15] : memref<32x157x128xi32, #tpu.memory_space<hbm>> -> memref<1x157x128xi32, #tpu.memory_space<hbm>>
      %dma_start3A_17 = tpu.memref_squeeze %dma_start3A_16 : memref<1x157x128xi32, #tpu.memory_space<hbm>> -> memref<157x128xi32, #tpu.memory_space<hbm>>
      %dma_start3A_18 = arith.constant 0 : i32
      %dma_start3A_19 = arith.constant 0 : i32
      %dma_start3A_20 = tpu.memref_slice %arg4[%add3A, %dma_start3A_18, %dma_start3A_19] : memref<32x157x128xi32, #tpu.memory_space<hbm>> -> memref<1x157x128xi32, #tpu.memory_space<hbm>>
      %dma_start3A_21 = tpu.memref_squeeze %dma_start3A_20 : memref<1x157x128xi32, #tpu.memory_space<hbm>> -> memref<157x128xi32, #tpu.memory_space<hbm>>
      tpu.enqueue_dma source(%dma_start3A_21 : memref<157x128xi32, #tpu.memory_space<hbm>>) target(%arg8 : memref<157x128xi32, #tpu.memory_space<vmem>>) target_semaphore(%run_scoped3A : memref<!tpu.dma_semaphore, #tpu.memory_space<semaphore_mem>>)
      %dma_wait3A = arith.constant 0 : i32
      %dma_wait3A_22 = arith.constant 0 : i32
      %dma_wait3A_23 = tpu.memref_slice %arg4[%add3A, %dma_wait3A, %dma_wait3A_22] : memref<32x157x128xi32, #tpu.memory_space<hbm>> -> memref<1x157x128xi32, #tpu.memory_space<hbm>>
      %dma_wait3A_24 = tpu.memref_squeeze %dma_wait3A_23 : memref<1x157x128xi32, #tpu.memory_space<hbm>> -> memref<157x128xi32, #tpu.memory_space<hbm>>
      %dma_wait3A_25 = arith.constant 0 : i32
      %dma_wait3A_26 = arith.constant 0 : i32
      %dma_wait3A_27 = tpu.memref_slice %arg4[%add3A, %dma_wait3A_25, %dma_wait3A_26] : memref<32x157x128xi32, #tpu.memory_space<hbm>> -> memref<1x157x128xi32, #tpu.memory_space<hbm>>
      %dma_wait3A_28 = tpu.memref_squeeze %dma_wait3A_27 : memref<1x157x128xi32, #tpu.memory_space<hbm>> -> memref<157x128xi32, #tpu.memory_space<hbm>>
      tpu.wait_dma2 semaphore(%run_scoped3A : memref<!tpu.dma_semaphore, #tpu.memory_space<semaphore_mem>>) src(%dma_wait3A_28 : memref<157x128xi32, #tpu.memory_space<hbm>>) dst(%arg8 : memref<157x128xi32, #tpu.memory_space<vmem>>)
      tpu.yield
    }) : () -> ()
    %mul3A_1 = arith.constant 632 : i32
    %mul3A_2 = arith.muli %arg1, %mul3A_1 : i32
    %mul3A_3 = arith.constant 632 : i32
    %mul3A_4 = arith.muli %arg1, %mul3A_3 : i32
    "tpu.region"() ({
      %run_scoped3A = tpu.sem_alloc : memref<!tpu.dma_semaphore, #tpu.memory_space<semaphore_mem>>
      %dma_start3A = arith.constant 0 : i32
      %dma_start3A_15 = tpu.memref_slice %arg10[%mul3A_4, %dma_start3A] : memref<10112x64xf32, #tpu.memory_space<vmem_shared>> -> memref<632x64xf32, #tpu.memory_space<vmem_shared>>
      %dma_start3A_16 = arith.constant 0 : i32
      %dma_start3A_17 = tpu.memref_slice %arg5[%mul3A_2, %dma_start3A_16] : memref<10112x64xf32, #tpu.memory_space<hbm>> -> memref<632x64xf32, #tpu.memory_space<hbm>>
      tpu.enqueue_dma source(%dma_start3A_17 : memref<632x64xf32, #tpu.memory_space<hbm>>) target(%dma_start3A_15 : memref<632x64xf32, #tpu.memory_space<vmem_shared>>) target_semaphore(%run_scoped3A : memref<!tpu.dma_semaphore, #tpu.memory_space<semaphore_mem>>)
      %dma_wait3A = arith.constant 0 : i32
      %dma_wait3A_18 = tpu.memref_slice %arg10[%mul3A_4, %dma_wait3A] : memref<10112x64xf32, #tpu.memory_space<vmem_shared>> -> memref<632x64xf32, #tpu.memory_space<vmem_shared>>
      %dma_wait3A_19 = arith.constant 0 : i32
      %dma_wait3A_20 = tpu.memref_slice %arg5[%mul3A_2, %dma_wait3A_19] : memref<10112x64xf32, #tpu.memory_space<hbm>> -> memref<632x64xf32, #tpu.memory_space<hbm>>
      tpu.wait_dma2 semaphore(%run_scoped3A : memref<!tpu.dma_semaphore, #tpu.memory_space<semaphore_mem>>) src(%dma_wait3A_20 : memref<632x64xf32, #tpu.memory_space<hbm>>) dst(%dma_wait3A_18 : memref<632x64xf32, #tpu.memory_space<vmem_shared>>)
      tpu.yield
    }) : () -> ()
    %barrier3A = arith.constant 0 : index
    tpu.barrier barrier_id(%barrier3A)
    %scan3A = arith.constant 0 : i32
    %scan3A_5 = arith.constant 0 : i32
    %scan3A_6 = arith.constant 157 : i32
    %scan3A_7 = arith.addi %scan3A_5, %scan3A_6 : i32
    %scan3A_8 = arith.constant 1 : i32
    scf.for %scan3A_15 = %scan3A_5 to %scan3A_7 step %scan3A_8  : i32 {
      %dma_start3A = arith.constant 0 : i32
      %dma_start3A_16 = tpu.memref_slice %arg7[%scan3A_15, %dma_start3A] : memref<157x128xi32, #tpu.memory_space<vmem>> -> memref<1x128xi32, #tpu.memory_space<vmem>>
      %dma_start3A_17 = tpu.memref_squeeze %dma_start3A_16 : memref<1x128xi32, #tpu.memory_space<vmem>> -> memref<128xi32, #tpu.memory_space<vmem>>
      %dma_start3A_18 = arith.constant 0 : i32
      %dma_start3A_19 = arith.constant 0 : i32
      %dma_start3A_20 = tpu.memref_slice %arg2[%dma_start3A_18, %dma_start3A_19] : memref<10000x64xf32, #tpu.memory_space<hbm>> -> memref<10000x64xf32, #tpu.memory_space<hbm>>
      tpu.enqueue_indirect_dma source(%dma_start3A_20 : memref<10000x64xf32, #tpu.memory_space<hbm>>) target(%arg9 : memref<128x64xf32, #tpu.memory_space<vmem>>) offsets(%dma_start3A_17 : memref<128xi32, #tpu.memory_space<vmem>>) semaphore(%arg11 : memref<!tpu.dma_semaphore, #tpu.memory_space<semaphore_mem>>)
      %dma_wait3A = arith.constant 0 : i32
      %dma_wait3A_21 = tpu.memref_slice %arg7[%scan3A_15, %dma_wait3A] : memref<157x128xi32, #tpu.memory_space<vmem>> -> memref<1x128xi32, #tpu.memory_space<vmem>>
      %dma_wait3A_22 = tpu.memref_squeeze %dma_wait3A_21 : memref<1x128xi32, #tpu.memory_space<vmem>> -> memref<128xi32, #tpu.memory_space<vmem>>
      %dma_wait3A_23 = arith.constant 0 : i32
      %dma_wait3A_24 = arith.constant 0 : i32
      %dma_wait3A_25 = tpu.memref_slice %arg2[%dma_wait3A_23, %dma_wait3A_24] : memref<10000x64xf32, #tpu.memory_space<hbm>> -> memref<10000x64xf32, #tpu.memory_space<hbm>>
      tpu.wait_indirect_dma semaphore(%arg11 : memref<!tpu.dma_semaphore, #tpu.memory_space<semaphore_mem>>) src(%dma_wait3A_25 : memref<10000x64xf32, #tpu.memory_space<hbm>>) dst(%arg9 : memref<128x64xf32, #tpu.memory_space<vmem>>)
      "tpu.region"() ({
        %run_scoped3A = tpu.sem_alloc : memref<!tpu.dma_semaphore, #tpu.memory_space<semaphore_mem>>
        %dma_start3A_26 = arith.constant 0 : i32
        %dma_start3A_27 = tpu.memref_slice %arg8[%scan3A_15, %dma_start3A_26] : memref<157x128xi32, #tpu.memory_space<vmem>> -> memref<1x128xi32, #tpu.memory_space<vmem>>
        %dma_start3A_28 = tpu.memref_squeeze %dma_start3A_27 : memref<1x128xi32, #tpu.memory_space<vmem>> -> memref<128xi32, #tpu.memory_space<vmem>>
        %dma_start3A_29 = arith.constant 0 : i32
        %dma_start3A_30 = arith.constant 0 : i32
        %dma_start3A_31 = tpu.memref_slice %arg10[%dma_start3A_29, %dma_start3A_30] : memref<10112x64xf32, #tpu.memory_space<vmem_shared>> -> memref<10112x64xf32, #tpu.memory_space<vmem_shared>>
        tpu.enqueue_indirect_dma source(%arg9 : memref<128x64xf32, #tpu.memory_space<vmem>>) target(%dma_start3A_31 : memref<10112x64xf32, #tpu.memory_space<vmem_shared>>) offsets(%dma_start3A_28 : memref<128xi32, #tpu.memory_space<vmem>>) semaphore(%run_scoped3A : memref<!tpu.dma_semaphore, #tpu.memory_space<semaphore_mem>>) {add = true}
        %dma_wait3A_32 = arith.constant 0 : i32
        %dma_wait3A_33 = tpu.memref_slice %arg8[%scan3A_15, %dma_wait3A_32] : memref<157x128xi32, #tpu.memory_space<vmem>> -> memref<1x128xi32, #tpu.memory_space<vmem>>
        %dma_wait3A_34 = tpu.memref_squeeze %dma_wait3A_33 : memref<1x128xi32, #tpu.memory_space<vmem>> -> memref<128xi32, #tpu.memory_space<vmem>>
        %dma_wait3A_35 = arith.constant 0 : i32
        %dma_wait3A_36 = arith.constant 0 : i32
        %dma_wait3A_37 = tpu.memref_slice %arg10[%dma_wait3A_35, %dma_wait3A_36] : memref<10112x64xf32, #tpu.memory_space<vmem_shared>> -> memref<10112x64xf32, #tpu.memory_space<vmem_shared>>
        tpu.wait_indirect_dma semaphore(%run_scoped3A : memref<!tpu.dma_semaphore, #tpu.memory_space<semaphore_mem>>) src(%arg9 : memref<128x64xf32, #tpu.memory_space<vmem>>) dst(%dma_wait3A_37 : memref<10112x64xf32, #tpu.memory_space<vmem_shared>>)
        tpu.yield
      }) : () -> ()
    }
    %scan3A_9 = arith.constant 157 : i32
    %barrier3A_10 = arith.constant 0 : index
    tpu.barrier barrier_id(%barrier3A_10)
    %mul3A_11 = arith.constant 632 : i32
    %mul3A_12 = arith.muli %arg1, %mul3A_11 : i32
    %mul3A_13 = arith.constant 632 : i32
    %mul3A_14 = arith.muli %arg1, %mul3A_13 : i32
    "tpu.region"() ({
      %run_scoped3A = tpu.sem_alloc : memref<!tpu.dma_semaphore, #tpu.memory_space<semaphore_mem>>
      %dma_start3A = arith.constant 0 : i32
      %dma_start3A_15 = tpu.memref_slice %arg6[%arg0, %mul3A_14, %dma_start3A] : memref<2x10112x64xf32, #tpu.memory_space<hbm>> -> memref<1x632x64xf32, #tpu.memory_space<hbm>>
      %dma_start3A_16 = tpu.memref_squeeze %dma_start3A_15 : memref<1x632x64xf32, #tpu.memory_space<hbm>> -> memref<632x64xf32, #tpu.memory_space<hbm>>
      %dma_start3A_17 = arith.constant 0 : i32
      %dma_start3A_18 = tpu.memref_slice %arg10[%mul3A_12, %dma_start3A_17] : memref<10112x64xf32, #tpu.memory_space<vmem_shared>> -> memref<632x64xf32, #tpu.memory_space<vmem_shared>>
      tpu.enqueue_dma source(%dma_start3A_18 : memref<632x64xf32, #tpu.memory_space<vmem_shared>>) target(%dma_start3A_16 : memref<632x64xf32, #tpu.memory_space<hbm>>) target_semaphore(%run_scoped3A : memref<!tpu.dma_semaphore, #tpu.memory_space<semaphore_mem>>)
      %dma_wait3A = arith.constant 0 : i32
      %dma_wait3A_19 = tpu.memref_slice %arg6[%arg0, %mul3A_14, %dma_wait3A] : memref<2x10112x64xf32, #tpu.memory_space<hbm>> -> memref<1x632x64xf32, #tpu.memory_space<hbm>>
      %dma_wait3A_20 = tpu.memref_squeeze %dma_wait3A_19 : memref<1x632x64xf32, #tpu.memory_space<hbm>> -> memref<632x64xf32, #tpu.memory_space<hbm>>
      %dma_wait3A_21 = arith.constant 0 : i32
      %dma_wait3A_22 = tpu.memref_slice %arg10[%mul3A_12, %dma_wait3A_21] : memref<10112x64xf32, #tpu.memory_space<vmem_shared>> -> memref<632x64xf32, #tpu.memory_space<vmem_shared>>
      tpu.wait_dma2 semaphore(%run_scoped3A : memref<!tpu.dma_semaphore, #tpu.memory_space<semaphore_mem>>) src(%dma_wait3A_22 : memref<632x64xf32, #tpu.memory_space<vmem_shared>>) dst(%dma_wait3A_20 : memref<632x64xf32, #tpu.memory_space<hbm>>)
      tpu.yield
    }) : () -> ()
    return
  }
}

module attributes {stable_mosaic.version = 14 : i64} {
  func.func @body(%arg0: memref<10000x128xf32, #tpu.memory_space<vmem>>, %arg1: memref<128x64xf32, #tpu.memory_space<vmem>>, %arg2: memref<1x64xf32, #tpu.memory_space<vmem>>, %arg3: memref<10000x64xf32, #tpu.memory_space<vmem>>) attributes {dimension_semantics = [], scalar_prefetch = 0 : i64, scratch_operands = 0 : i64, tpu.core_type = #tpu.core_type<tc>} {
    %get3A = arith.constant 0 : index
    %get3A_0 = arith.constant 0 : index
    %get3A_1 = vector.load %arg0[%get3A, %get3A_0] : memref<10000x128xf32, #tpu.memory_space<vmem>>, vector<10000x128xf32>
    %get3A_2 = arith.constant 0 : index
    %get3A_3 = arith.constant 0 : index
    %get3A_4 = vector.load %arg1[%get3A_2, %get3A_3] : memref<128x64xf32, #tpu.memory_space<vmem>>, vector<128x64xf32>
    %dot_general3A = arith.constant dense<0.000000e+00> : vector<10000x64xf32>
    %dot_general3A_5 = tpu.matmul %get3A_1, %get3A_4, %dot_general3A {dimension_numbers = #tpu.dot_dimension_numbers<[1], [0], [0], [1], [0, 0, 1, 1], [], []>, transpose_lhs_hint = false} : vector<10000x128xf32>, vector<128x64xf32>, vector<10000x64xf32> -> vector<10000x64xf32>
    %get3A_6 = arith.constant 0 : index
    %get3A_7 = arith.constant 0 : index
    %get3A_8 = vector.load %arg2[%get3A_6, %get3A_7] : memref<1x64xf32, #tpu.memory_space<vmem>>, vector<1x64xf32>
    %add3A = vector.broadcast %get3A_8 : vector<1x64xf32> to vector<10000x64xf32>
    %add3A_9 = arith.addf %dot_general3A_5, %add3A : vector<10000x64xf32>
    %swap3A = arith.constant 0 : index
    %swap3A_10 = arith.constant 0 : index
    %swap3A_11 = vector.load %arg3[%swap3A, %swap3A_10] : memref<10000x64xf32, #tpu.memory_space<vmem>>, vector<10000x64xf32>
    tpu.vector_store %arg3[%swap3A, %swap3A_10], %add3A_9 {strides = array<i32>} : memref<10000x64xf32, #tpu.memory_space<vmem>>, vector<10000x64xf32>,
    return
  }
}

module attributes {stable_mosaic.version = 14 : i64} {
  func.func @body(%arg0: memref<10000x64xf32, #tpu.memory_space<vmem>>, %arg1: memref<2x10112x64xf32, #tpu.memory_space<vmem>>, %arg2: memref<64x64xf32, #tpu.memory_space<vmem>>, %arg3: memref<1x64xf32, #tpu.memory_space<vmem>>, %arg4: memref<64x64xf32, #tpu.memory_space<vmem>>, %arg5: memref<1x64xf32, #tpu.memory_space<vmem>>, %arg6: memref<1x64xf32, #tpu.memory_space<vmem>>, %arg7: memref<1x64xf32, #tpu.memory_space<vmem>>, %arg8: memref<10000x64xf32, #tpu.memory_space<vmem>>) attributes {dimension_semantics = [], scalar_prefetch = 0 : i64, scratch_operands = 0 : i64, tpu.core_type = #tpu.core_type<tc>} {
    %get3A = arith.constant 0 : index
    %get3A_0 = arith.constant 0 : index
    %get3A_1 = vector.load %arg0[%get3A, %get3A_0] : memref<10000x64xf32, #tpu.memory_space<vmem>>, vector<10000x64xf32>
    %get3A_2 = arith.constant 0 : index
    %get3A_3 = arith.constant 0 : index
    %get3A_4 = arith.constant 0 : index
    %get3A_5 = vector.load %arg1[%get3A_2, %get3A_3, %get3A_4] : memref<2x10112x64xf32, #tpu.memory_space<vmem>>, vector<1x10000x64xf32>
    %get3A_6 = vector.shape_cast %get3A_5 : vector<1x10000x64xf32> to vector<10000x64xf32>
    %add3A = arith.addf %get3A_1, %get3A_6 : vector<10000x64xf32>
    %get3A_7 = arith.constant 1 : index
    %get3A_8 = arith.constant 0 : index
    %get3A_9 = arith.constant 0 : index
    %get3A_10 = vector.load %arg1[%get3A_7, %get3A_8, %get3A_9] : memref<2x10112x64xf32, #tpu.memory_space<vmem>>, vector<1x10000x64xf32>
    %get3A_11 = vector.shape_cast %get3A_10 : vector<1x10000x64xf32> to vector<10000x64xf32>
    %add3A_12 = arith.addf %add3A, %get3A_11 : vector<10000x64xf32>
    %get3A_13 = arith.constant 0 : index
    %get3A_14 = arith.constant 0 : index
    %get3A_15 = vector.load %arg2[%get3A_13, %get3A_14] : memref<64x64xf32, #tpu.memory_space<vmem>>, vector<64x64xf32>
    %dot_general3A = arith.constant dense<0.000000e+00> : vector<10000x64xf32>
    %dot_general3A_16 = tpu.matmul %add3A_12, %get3A_15, %dot_general3A {dimension_numbers = #tpu.dot_dimension_numbers<[1], [0], [0], [1], [0, 0, 1, 1], [], []>, transpose_lhs_hint = false} : vector<10000x64xf32>, vector<64x64xf32>, vector<10000x64xf32> -> vector<10000x64xf32>
    %get3A_17 = arith.constant 0 : index
    %get3A_18 = arith.constant 0 : index
    %get3A_19 = vector.load %arg3[%get3A_17, %get3A_18] : memref<1x64xf32, #tpu.memory_space<vmem>>, vector<1x64xf32>
    %add3A_20 = vector.broadcast %get3A_19 : vector<1x64xf32> to vector<10000x64xf32>
    %add3A_21 = arith.addf %dot_general3A_16, %add3A_20 : vector<10000x64xf32>
    %max3A = arith.constant 0.000000e+00 : f32
    %max3A_22 = vector.broadcast %max3A : f32 to vector<10000x64xf32>
    %max3A_23 = arith.maximumf %add3A_21, %max3A_22 : vector<10000x64xf32>
    %get3A_24 = arith.constant 0 : index
    %get3A_25 = arith.constant 0 : index
    %get3A_26 = vector.load %arg4[%get3A_24, %get3A_25] : memref<64x64xf32, #tpu.memory_space<vmem>>, vector<64x64xf32>
    %dot_general3A_27 = arith.constant dense<0.000000e+00> : vector<10000x64xf32>
    %dot_general3A_28 = tpu.matmul %max3A_23, %get3A_26, %dot_general3A_27 {dimension_numbers = #tpu.dot_dimension_numbers<[1], [0], [0], [1], [0, 0, 1, 1], [], []>, transpose_lhs_hint = false} : vector<10000x64xf32>, vector<64x64xf32>, vector<10000x64xf32> -> vector<10000x64xf32>
    %get3A_29 = arith.constant 0 : index
    %get3A_30 = arith.constant 0 : index
    %get3A_31 = vector.load %arg5[%get3A_29, %get3A_30] : memref<1x64xf32, #tpu.memory_space<vmem>>, vector<1x64xf32>
    %add3A_32 = vector.broadcast %get3A_31 : vector<1x64xf32> to vector<10000x64xf32>
    %add3A_33 = arith.addf %dot_general3A_28, %add3A_32 : vector<10000x64xf32>
    %reduce_sum3A = arith.constant dense<0.000000e+00> : vector<64xf32>
    %reduce_sum3A_34 = vector.multi_reduction <add>, %add3A_33, %reduce_sum3A [0] : vector<10000x64xf32> to vector<64xf32>
    %broadcast_in_dim3A = vector.shape_cast %reduce_sum3A_34 : vector<64xf32> to vector<1x64xf32>
    %div3A = arith.constant 1.000000e+04 : f32
    %div3A_35 = vector.broadcast %div3A : f32 to vector<1x64xf32>
    %div3A_36 = arith.divf %broadcast_in_dim3A, %div3A_35 : vector<1x64xf32>
    %sub3A = vector.broadcast %div3A_36 : vector<1x64xf32> to vector<10000x64xf32>
    %sub3A_37 = arith.subf %add3A_33, %sub3A : vector<10000x64xf32>
    %integer_pow3A = arith.mulf %sub3A_37, %sub3A_37 : vector<10000x64xf32>
    %reduce_sum3A_38 = arith.constant dense<0.000000e+00> : vector<64xf32>
    %reduce_sum3A_39 = vector.multi_reduction <add>, %integer_pow3A, %reduce_sum3A_38 [0] : vector<10000x64xf32> to vector<64xf32>
    %broadcast_in_dim3A_40 = vector.shape_cast %reduce_sum3A_39 : vector<64xf32> to vector<1x64xf32>
    %div3A_41 = arith.constant 1.000000e+04 : f32
    %div3A_42 = vector.broadcast %div3A_41 : f32 to vector<1x64xf32>
    %div3A_43 = arith.divf %broadcast_in_dim3A_40, %div3A_42 : vector<1x64xf32>
    %sub3A_44 = vector.broadcast %div3A_36 : vector<1x64xf32> to vector<10000x64xf32>
    %sub3A_45 = arith.subf %add3A_33, %sub3A_44 : vector<10000x64xf32>
    %add3A_46 = arith.constant 9.99999974E-6 : f32
    %add3A_47 = vector.broadcast %add3A_46 : f32 to vector<1x64xf32>
    %add3A_48 = arith.addf %div3A_43, %add3A_47 : vector<1x64xf32>
    %rsqrt3A = math.rsqrt %add3A_48 : vector<1x64xf32>
    %mul3A = vector.broadcast %rsqrt3A : vector<1x64xf32> to vector<10000x64xf32>
    %mul3A_49 = arith.mulf %sub3A_45, %mul3A : vector<10000x64xf32>
    %get3A_50 = arith.constant 0 : index
    %get3A_51 = arith.constant 0 : index
    %get3A_52 = vector.load %arg6[%get3A_50, %get3A_51] : memref<1x64xf32, #tpu.memory_space<vmem>>, vector<1x64xf32>
    %mul3A_53 = vector.broadcast %get3A_52 : vector<1x64xf32> to vector<10000x64xf32>
    %mul3A_54 = arith.mulf %mul3A_49, %mul3A_53 : vector<10000x64xf32>
    %get3A_55 = arith.constant 0 : index
    %get3A_56 = arith.constant 0 : index
    %get3A_57 = vector.load %arg7[%get3A_55, %get3A_56] : memref<1x64xf32, #tpu.memory_space<vmem>>, vector<1x64xf32>
    %add3A_58 = vector.broadcast %get3A_57 : vector<1x64xf32> to vector<10000x64xf32>
    %add3A_59 = arith.addf %mul3A_54, %add3A_58 : vector<10000x64xf32>
    %max3A_60 = arith.constant 0.000000e+00 : f32
    %max3A_61 = vector.broadcast %max3A_60 : f32 to vector<10000x64xf32>
    %max3A_62 = arith.maximumf %add3A_59, %max3A_61 : vector<10000x64xf32>
    %swap3A = arith.constant 0 : index
    %swap3A_63 = arith.constant 0 : index
    %swap3A_64 = vector.load %arg8[%swap3A, %swap3A_63] : memref<10000x64xf32, #tpu.memory_space<vmem>>, vector<10000x64xf32>
    tpu.vector_store %arg8[%swap3A, %swap3A_63], %max3A_62 {strides = array<i32>} : memref<10000x64xf32, #tpu.memory_space<vmem>>, vector<10000x64xf32>,
    return
  }
}

module attributes {stable_mosaic.version = 14 : i64} {
  func.func @body(%arg0: memref<10000x64xf32, #tpu.memory_space<vmem>>, %arg1: memref<1x10000xi32, #tpu.memory_space<vmem>>, %arg2: memref<512x1xi32, #tpu.memory_space<vmem>>, %arg3: memref<28x64x16xf32, #tpu.memory_space<vmem>>, %arg4: memref<28x16xf32, #tpu.memory_space<vmem>>, %arg5: memref<28x16x64xf32, #tpu.memory_space<vmem>>, %arg6: memref<28x64xf32, #tpu.memory_space<vmem>>, %arg7: memref<1x28xf32, #tpu.memory_space<vmem>>, %arg8: memref<28x32xf32, #tpu.memory_space<vmem>>, %arg9: memref<32x32xf32, #tpu.memory_space<vmem>>, %arg10: memref<1x32xf32, #tpu.memory_space<vmem>>, %arg11: memref<32x128xf32, #tpu.memory_space<vmem>>, %arg12: memref<1x128xf32, #tpu.memory_space<vmem>>, %arg13: memref<32x32xf32, #tpu.memory_space<vmem>>, %arg14: memref<1x32xf32, #tpu.memory_space<vmem>>, %arg15: memref<32x128xf32, #tpu.memory_space<vmem>>, %arg16: memref<1x128xf32, #tpu.memory_space<vmem>>, %arg17: memref<64x64xf32, #tpu.memory_space<vmem>>, %arg18: memref<1x64xf32, #tpu.memory_space<vmem>>, %arg19: memref<64x64xf32, #tpu.memory_space<vmem>>, %arg20: memref<1x64xf32, #tpu.memory_space<vmem>>, %arg21: memref<64x1xf32, #tpu.memory_space<vmem>>, %arg22: memref<1x1xf32, #tpu.memory_space<vmem>>, %arg23: memref<512x1xf32, #tpu.memory_space<vmem>>) attributes {dimension_semantics = [], scalar_prefetch = 0 : i64, scratch_operands = 0 : i64, tpu.core_type = #tpu.core_type<tc>} {
    %iota3A = tpu.iota {dimensions = array<i32: 0>} : vector<512x1xi32>
    %broadcast_in_dim3A = arith.constant 0.000000e+00 : f32
    %broadcast_in_dim3A_0 = vector.broadcast %broadcast_in_dim3A : f32 to vector<512x64xf32>
    %get3A = arith.constant 0 : index
    %get3A_1 = arith.constant 0 : index
    %get3A_2 = vector.load %arg1[%get3A, %get3A_1] : memref<1x10000xi32, #tpu.memory_space<vmem>>, vector<1x1250xi32>
    %eq3A = vector.broadcast %iota3A : vector<512x1xi32> to vector<512x1250xi32>
    %eq3A_3 = vector.broadcast %get3A_2 : vector<1x1250xi32> to vector<512x1250xi32>
    %eq3A_4 = arith.cmpi eq, %eq3A, %eq3A_3 : vector<512x1250xi32>
    %convert_element_type3A = arith.extui %eq3A_4 : vector<512x1250xi1> to vector<512x1250xi32>
    %convert_element_type3A_5 = arith.sitofp %convert_element_type3A : vector<512x1250xi32> to vector<512x1250xf32>
    %get3A_6 = arith.constant 0 : index
    %get3A_7 = arith.constant 0 : index
    %get3A_8 = vector.load %arg0[%get3A_6, %get3A_7] : memref<10000x64xf32, #tpu.memory_space<vmem>>, vector<1250x64xf32>
    %dot_general3A = arith.constant dense<0.000000e+00> : vector<512x64xf32>
    %dot_general3A_9 = tpu.matmul %convert_element_type3A_5, %get3A_8, %dot_general3A {dimension_numbers = #tpu.dot_dimension_numbers<[1], [0], [0], [1], [0, 0, 1, 1], [], []>, transpose_lhs_hint = false} : vector<512x1250xf32>, vector<1250x64xf32>, vector<512x64xf32> -> vector<512x64xf32>
    %add3A = arith.addf %broadcast_in_dim3A_0, %dot_general3A_9 : vector<512x64xf32>
    %get3A_10 = arith.constant 0 : index
    %get3A_11 = arith.constant 1250 : index
    %get3A_12 = vector.load %arg1[%get3A_10, %get3A_11] : memref<1x10000xi32, #tpu.memory_space<vmem>>, vector<1x1250xi32>
    %eq3A_13 = vector.broadcast %iota3A : vector<512x1xi32> to vector<512x1250xi32>
    %eq3A_14 = vector.broadcast %get3A_12 : vector<1x1250xi32> to vector<512x1250xi32>
    %eq3A_15 = arith.cmpi eq, %eq3A_13, %eq3A_14 : vector<512x1250xi32>
    %convert_element_type3A_16 = arith.extui %eq3A_15 : vector<512x1250xi1> to vector<512x1250xi32>
    %convert_element_type3A_17 = arith.sitofp %convert_element_type3A_16 : vector<512x1250xi32> to vector<512x1250xf32>
    %get3A_18 = arith.constant 1250 : index
    %get3A_19 = arith.constant 0 : index
    %get3A_20 = vector.load %arg0[%get3A_18, %get3A_19] : memref<10000x64xf32, #tpu.memory_space<vmem>>, vector<1250x64xf32>
    %dot_general3A_21 = arith.constant dense<0.000000e+00> : vector<512x64xf32>
    %dot_general3A_22 = tpu.matmul %convert_element_type3A_17, %get3A_20, %dot_general3A_21 {dimension_numbers = #tpu.dot_dimension_numbers<[1], [0], [0], [1], [0, 0, 1, 1], [], []>, transpose_lhs_hint = false} : vector<512x1250xf32>, vector<1250x64xf32>, vector<512x64xf32> -> vector<512x64xf32>
    %add3A_23 = arith.addf %add3A, %dot_general3A_22 : vector<512x64xf32>
    %get3A_24 = arith.constant 0 : index
    %get3A_25 = arith.constant 2500 : index
    %get3A_26 = vector.load %arg1[%get3A_24, %get3A_25] : memref<1x10000xi32, #tpu.memory_space<vmem>>, vector<1x1250xi32>
    %eq3A_27 = vector.broadcast %iota3A : vector<512x1xi32> to vector<512x1250xi32>
    %eq3A_28 = vector.broadcast %get3A_26 : vector<1x1250xi32> to vector<512x1250xi32>
    %eq3A_29 = arith.cmpi eq, %eq3A_27, %eq3A_28 : vector<512x1250xi32>
    %convert_element_type3A_30 = arith.extui %eq3A_29 : vector<512x1250xi1> to vector<512x1250xi32>
    %convert_element_type3A_31 = arith.sitofp %convert_element_type3A_30 : vector<512x1250xi32> to vector<512x1250xf32>
    %get3A_32 = arith.constant 2500 : index
    %get3A_33 = arith.constant 0 : index
    %get3A_34 = vector.load %arg0[%get3A_32, %get3A_33] : memref<10000x64xf32, #tpu.memory_space<vmem>>, vector<1250x64xf32>
    %dot_general3A_35 = arith.constant dense<0.000000e+00> : vector<512x64xf32>
    %dot_general3A_36 = tpu.matmul %convert_element_type3A_31, %get3A_34, %dot_general3A_35 {dimension_numbers = #tpu.dot_dimension_numbers<[1], [0], [0], [1], [0, 0, 1, 1], [], []>, transpose_lhs_hint = false} : vector<512x1250xf32>, vector<1250x64xf32>, vector<512x64xf32> -> vector<512x64xf32>
    %add3A_37 = arith.addf %add3A_23, %dot_general3A_36 : vector<512x64xf32>
    %get3A_38 = arith.constant 0 : index
    %get3A_39 = arith.constant 3750 : index
    %get3A_40 = vector.load %arg1[%get3A_38, %get3A_39] : memref<1x10000xi32, #tpu.memory_space<vmem>>, vector<1x1250xi32>
    %eq3A_41 = vector.broadcast %iota3A : vector<512x1xi32> to vector<512x1250xi32>
    %eq3A_42 = vector.broadcast %get3A_40 : vector<1x1250xi32> to vector<512x1250xi32>
    %eq3A_43 = arith.cmpi eq, %eq3A_41, %eq3A_42 : vector<512x1250xi32>
    %convert_element_type3A_44 = arith.extui %eq3A_43 : vector<512x1250xi1> to vector<512x1250xi32>
    %convert_element_type3A_45 = arith.sitofp %convert_element_type3A_44 : vector<512x1250xi32> to vector<512x1250xf32>
    %get3A_46 = arith.constant 3750 : index
    %get3A_47 = arith.constant 0 : index
    %get3A_48 = vector.load %arg0[%get3A_46, %get3A_47] : memref<10000x64xf32, #tpu.memory_space<vmem>>, vector<1250x64xf32>
    %dot_general3A_49 = arith.constant dense<0.000000e+00> : vector<512x64xf32>
    %dot_general3A_50 = tpu.matmul %convert_element_type3A_45, %get3A_48, %dot_general3A_49 {dimension_numbers = #tpu.dot_dimension_numbers<[1], [0], [0], [1], [0, 0, 1, 1], [], []>, transpose_lhs_hint = false} : vector<512x1250xf32>, vector<1250x64xf32>, vector<512x64xf32> -> vector<512x64xf32>
    %add3A_51 = arith.addf %add3A_37, %dot_general3A_50 : vector<512x64xf32>
    %get3A_52 = arith.constant 0 : index
    %get3A_53 = arith.constant 5000 : index
    %get3A_54 = vector.load %arg1[%get3A_52, %get3A_53] : memref<1x10000xi32, #tpu.memory_space<vmem>>, vector<1x1250xi32>
    %eq3A_55 = vector.broadcast %iota3A : vector<512x1xi32> to vector<512x1250xi32>
    %eq3A_56 = vector.broadcast %get3A_54 : vector<1x1250xi32> to vector<512x1250xi32>
    %eq3A_57 = arith.cmpi eq, %eq3A_55, %eq3A_56 : vector<512x1250xi32>
    %convert_element_type3A_58 = arith.extui %eq3A_57 : vector<512x1250xi1> to vector<512x1250xi32>
    %convert_element_type3A_59 = arith.sitofp %convert_element_type3A_58 : vector<512x1250xi32> to vector<512x1250xf32>
    %get3A_60 = arith.constant 5000 : index
    %get3A_61 = arith.constant 0 : index
    %get3A_62 = vector.load %arg0[%get3A_60, %get3A_61] : memref<10000x64xf32, #tpu.memory_space<vmem>>, vector<1250x64xf32>
    %dot_general3A_63 = arith.constant dense<0.000000e+00> : vector<512x64xf32>
    %dot_general3A_64 = tpu.matmul %convert_element_type3A_59, %get3A_62, %dot_general3A_63 {dimension_numbers = #tpu.dot_dimension_numbers<[1], [0], [0], [1], [0, 0, 1, 1], [], []>, transpose_lhs_hint = false} : vector<512x1250xf32>, vector<1250x64xf32>, vector<512x64xf32> -> vector<512x64xf32>
    %add3A_65 = arith.addf %add3A_51, %dot_general3A_64 : vector<512x64xf32>
    %get3A_66 = arith.constant 0 : index
    %get3A_67 = arith.constant 6250 : index
    %get3A_68 = vector.load %arg1[%get3A_66, %get3A_67] : memref<1x10000xi32, #tpu.memory_space<vmem>>, vector<1x1250xi32>
    %eq3A_69 = vector.broadcast %iota3A : vector<512x1xi32> to vector<512x1250xi32>
    %eq3A_70 = vector.broadcast %get3A_68 : vector<1x1250xi32> to vector<512x1250xi32>
    %eq3A_71 = arith.cmpi eq, %eq3A_69, %eq3A_70 : vector<512x1250xi32>
    %convert_element_type3A_72 = arith.extui %eq3A_71 : vector<512x1250xi1> to vector<512x1250xi32>
    %convert_element_type3A_73 = arith.sitofp %convert_element_type3A_72 : vector<512x1250xi32> to vector<512x1250xf32>
    %get3A_74 = arith.constant 6250 : index
    %get3A_75 = arith.constant 0 : index
    %get3A_76 = vector.load %arg0[%get3A_74, %get3A_75] : memref<10000x64xf32, #tpu.memory_space<vmem>>, vector<1250x64xf32>
    %dot_general3A_77 = arith.constant dense<0.000000e+00> : vector<512x64xf32>
    %dot_general3A_78 = tpu.matmul %convert_element_type3A_73, %get3A_76, %dot_general3A_77 {dimension_numbers = #tpu.dot_dimension_numbers<[1], [0], [0], [1], [0, 0, 1, 1], [], []>, transpose_lhs_hint = false} : vector<512x1250xf32>, vector<1250x64xf32>, vector<512x64xf32> -> vector<512x64xf32>
    %add3A_79 = arith.addf %add3A_65, %dot_general3A_78 : vector<512x64xf32>
    %get3A_80 = arith.constant 0 : index
    %get3A_81 = arith.constant 7500 : index
    %get3A_82 = vector.load %arg1[%get3A_80, %get3A_81] : memref<1x10000xi32, #tpu.memory_space<vmem>>, vector<1x1250xi32>
    %eq3A_83 = vector.broadcast %iota3A : vector<512x1xi32> to vector<512x1250xi32>
    %eq3A_84 = vector.broadcast %get3A_82 : vector<1x1250xi32> to vector<512x1250xi32>
    %eq3A_85 = arith.cmpi eq, %eq3A_83, %eq3A_84 : vector<512x1250xi32>
    %convert_element_type3A_86 = arith.extui %eq3A_85 : vector<512x1250xi1> to vector<512x1250xi32>
    %convert_element_type3A_87 = arith.sitofp %convert_element_type3A_86 : vector<512x1250xi32> to vector<512x1250xf32>
    %get3A_88 = arith.constant 7500 : index
    %get3A_89 = arith.constant 0 : index
    %get3A_90 = vector.load %arg0[%get3A_88, %get3A_89] : memref<10000x64xf32, #tpu.memory_space<vmem>>, vector<1250x64xf32>
    %dot_general3A_91 = arith.constant dense<0.000000e+00> : vector<512x64xf32>
    %dot_general3A_92 = tpu.matmul %convert_element_type3A_87, %get3A_90, %dot_general3A_91 {dimension_numbers = #tpu.dot_dimension_numbers<[1], [0], [0], [1], [0, 0, 1, 1], [], []>, transpose_lhs_hint = false} : vector<512x1250xf32>, vector<1250x64xf32>, vector<512x64xf32> -> vector<512x64xf32>
    %add3A_93 = arith.addf %add3A_79, %dot_general3A_92 : vector<512x64xf32>
    %get3A_94 = arith.constant 0 : index
    %get3A_95 = arith.constant 8750 : index
    %get3A_96 = vector.load %arg1[%get3A_94, %get3A_95] : memref<1x10000xi32, #tpu.memory_space<vmem>>, vector<1x1250xi32>
    %eq3A_97 = vector.broadcast %iota3A : vector<512x1xi32> to vector<512x1250xi32>
    %eq3A_98 = vector.broadcast %get3A_96 : vector<1x1250xi32> to vector<512x1250xi32>
    %eq3A_99 = arith.cmpi eq, %eq3A_97, %eq3A_98 : vector<512x1250xi32>
    %convert_element_type3A_100 = arith.extui %eq3A_99 : vector<512x1250xi1> to vector<512x1250xi32>
    %convert_element_type3A_101 = arith.sitofp %convert_element_type3A_100 : vector<512x1250xi32> to vector<512x1250xf32>
    %get3A_102 = arith.constant 8750 : index
    %get3A_103 = arith.constant 0 : index
    %get3A_104 = vector.load %arg0[%get3A_102, %get3A_103] : memref<10000x64xf32, #tpu.memory_space<vmem>>, vector<1250x64xf32>
    %dot_general3A_105 = arith.constant dense<0.000000e+00> : vector<512x64xf32>
    %dot_general3A_106 = tpu.matmul %convert_element_type3A_101, %get3A_104, %dot_general3A_105 {dimension_numbers = #tpu.dot_dimension_numbers<[1], [0], [0], [1], [0, 0, 1, 1], [], []>, transpose_lhs_hint = false} : vector<512x1250xf32>, vector<1250x64xf32>, vector<512x64xf32> -> vector<512x64xf32>
    %add3A_107 = arith.addf %add3A_93, %dot_general3A_106 : vector<512x64xf32>
    %get3A_108 = arith.constant 0 : index
    %get3A_109 = arith.constant 0 : index
    %get3A_110 = vector.load %arg2[%get3A_108, %get3A_109] : memref<512x1xi32, #tpu.memory_space<vmem>>, vector<512x1xi32>
    %iota3A_111 = tpu.iota {dimensions = array<i32: 1>} : vector<1x28xi32>
    %eq3A_112 = vector.broadcast %get3A_110 : vector<512x1xi32> to vector<512x28xi32>
    %eq3A_113 = vector.broadcast %iota3A_111 : vector<1x28xi32> to vector<512x28xi32>
    %eq3A_114 = arith.cmpi eq, %eq3A_112, %eq3A_113 : vector<512x28xi32>
    %convert_element_type3A_115 = arith.extui %eq3A_114 : vector<512x28xi1> to vector<512x28xi32>
    %convert_element_type3A_116 = arith.sitofp %convert_element_type3A_115 : vector<512x28xi32> to vector<512x28xf32>
    %iota3A_117 = tpu.iota {dimensions = array<i32: 0>} : vector<28x1xi32>
    %reshape3A = vector.shape_cast %get3A_110 : vector<512x1xi32> to vector<1x512xi32>
    %eq3A_118 = vector.broadcast %iota3A_117 : vector<28x1xi32> to vector<28x512xi32>
    %eq3A_119 = vector.broadcast %reshape3A : vector<1x512xi32> to vector<28x512xi32>
    %eq3A_120 = arith.cmpi eq, %eq3A_118, %eq3A_119 : vector<28x512xi32>
    %convert_element_type3A_121 = arith.extui %eq3A_120 : vector<28x512xi1> to vector<28x512xi32>
    %convert_element_type3A_122 = arith.sitofp %convert_element_type3A_121 : vector<28x512xi32> to vector<28x512xf32>
    %get3A_123 = arith.constant 0 : index
    %get3A_124 = arith.constant 0 : index
    %get3A_125 = vector.load %arg4[%get3A_123, %get3A_124] : memref<28x16xf32, #tpu.memory_space<vmem>>, vector<28x16xf32>
    %dot_general3A_126 = arith.constant dense<0.000000e+00> : vector<512x16xf32>
    %dot_general3A_127 = tpu.matmul %convert_element_type3A_116, %get3A_125, %dot_general3A_126 {dimension_numbers = #tpu.dot_dimension_numbers<[1], [0], [0], [1], [0, 0, 1, 1], [], []>, transpose_lhs_hint = false} : vector<512x28xf32>, vector<28x16xf32>, vector<512x16xf32> -> vector<512x16xf32>
    %get3A_128 = arith.constant 0 : index
    %get3A_129 = arith.constant 0 : index
    %get3A_130 = vector.load %arg6[%get3A_128, %get3A_129] : memref<28x64xf32, #tpu.memory_space<vmem>>, vector<28x64xf32>
    %dot_general3A_131 = arith.constant dense<0.000000e+00> : vector<512x64xf32>
    %dot_general3A_132 = tpu.matmul %convert_element_type3A_116, %get3A_130, %dot_general3A_131 {dimension_numbers = #tpu.dot_dimension_numbers<[1], [0], [0], [1], [0, 0, 1, 1], [], []>, transpose_lhs_hint = false} : vector<512x28xf32>, vector<28x64xf32>, vector<512x64xf32> -> vector<512x64xf32>
    %broadcast_in_dim3A_133 = arith.constant 0.000000e+00 : f32
    %broadcast_in_dim3A_134 = vector.broadcast %broadcast_in_dim3A_133 : f32 to vector<512x16xf32>
    %slice3A = vector.extract_strided_slice %convert_element_type3A_116 {offsets = [0, 0], sizes = [512, 1], strides = [1, 1]} : vector<512x28xf32> to vector<512x1xf32>
    %get3A_135 = arith.constant 0 : index
    %get3A_136 = arith.constant 0 : index
    %get3A_137 = arith.constant 0 : index
    %get3A_138 = vector.load %arg3[%get3A_135, %get3A_136, %get3A_137] : memref<28x64x16xf32, #tpu.memory_space<vmem>>, vector<1x64x16xf32>
    %get3A_139 = vector.shape_cast %get3A_138 : vector<1x64x16xf32> to vector<64x16xf32>
    %dot_general3A_140 = arith.constant dense<0.000000e+00> : vector<512x16xf32>
    %dot_general3A_141 = tpu.matmul %add3A_107, %get3A_139, %dot_general3A_140 {dimension_numbers = #tpu.dot_dimension_numbers<[1], [0], [0], [1], [0, 0, 1, 1], [], []>, transpose_lhs_hint = false} : vector<512x64xf32>, vector<64x16xf32>, vector<512x16xf32> -> vector<512x16xf32>
    %mul3A = vector.broadcast %slice3A : vector<512x1xf32> to vector<512x16xf32>
    %mul3A_142 = arith.mulf %mul3A, %dot_general3A_141 : vector<512x16xf32>
    %add3A_143 = arith.addf %broadcast_in_dim3A_134, %mul3A_142 : vector<512x16xf32>
    %slice3A_144 = vector.extract_strided_slice %convert_element_type3A_116 {offsets = [0, 1], sizes = [512, 1], strides = [1, 1]} : vector<512x28xf32> to vector<512x1xf32>
    %get3A_145 = arith.constant 1 : index
    %get3A_146 = arith.constant 0 : index
    %get3A_147 = arith.constant 0 : index
    %get3A_148 = vector.load %arg3[%get3A_145, %get3A_146, %get3A_147] : memref<28x64x16xf32, #tpu.memory_space<vmem>>, vector<1x64x16xf32>
    %get3A_149 = vector.shape_cast %get3A_148 : vector<1x64x16xf32> to vector<64x16xf32>
    %dot_general3A_150 = arith.constant dense<0.000000e+00> : vector<512x16xf32>
    %dot_general3A_151 = tpu.matmul %add3A_107, %get3A_149, %dot_general3A_150 {dimension_numbers = #tpu.dot_dimension_numbers<[1], [0], [0], [1], [0, 0, 1, 1], [], []>, transpose_lhs_hint = false} : vector<512x64xf32>, vector<64x16xf32>, vector<512x16xf32> -> vector<512x16xf32>
    %mul3A_152 = vector.broadcast %slice3A_144 : vector<512x1xf32> to vector<512x16xf32>
    %mul3A_153 = arith.mulf %mul3A_152, %dot_general3A_151 : vector<512x16xf32>
    %add3A_154 = arith.addf %add3A_143, %mul3A_153 : vector<512x16xf32>
    %slice3A_155 = vector.extract_strided_slice %convert_element_type3A_116 {offsets = [0, 2], sizes = [512, 1], strides = [1, 1]} : vector<512x28xf32> to vector<512x1xf32>
    %get3A_156 = arith.constant 2 : index
    %get3A_157 = arith.constant 0 : index
    %get3A_158 = arith.constant 0 : index
    %get3A_159 = vector.load %arg3[%get3A_156, %get3A_157, %get3A_158] : memref<28x64x16xf32, #tpu.memory_space<vmem>>, vector<1x64x16xf32>
    %get3A_160 = vector.shape_cast %get3A_159 : vector<1x64x16xf32> to vector<64x16xf32>
    %dot_general3A_161 = arith.constant dense<0.000000e+00> : vector<512x16xf32>
    %dot_general3A_162 = tpu.matmul %add3A_107, %get3A_160, %dot_general3A_161 {dimension_numbers = #tpu.dot_dimension_numbers<[1], [0], [0], [1], [0, 0, 1, 1], [], []>, transpose_lhs_hint = false} : vector<512x64xf32>, vector<64x16xf32>, vector<512x16xf32> -> vector<512x16xf32>
    %mul3A_163 = vector.broadcast %slice3A_155 : vector<512x1xf32> to vector<512x16xf32>
    %mul3A_164 = arith.mulf %mul3A_163, %dot_general3A_162 : vector<512x16xf32>
    %add3A_165 = arith.addf %add3A_154, %mul3A_164 : vector<512x16xf32>
    %slice3A_166 = vector.extract_strided_slice %convert_element_type3A_116 {offsets = [0, 3], sizes = [512, 1], strides = [1, 1]} : vector<512x28xf32> to vector<512x1xf32>
    %get3A_167 = arith.constant 3 : index
    %get3A_168 = arith.constant 0 : index
    %get3A_169 = arith.constant 0 : index
    %get3A_170 = vector.load %arg3[%get3A_167, %get3A_168, %get3A_169] : memref<28x64x16xf32, #tpu.memory_space<vmem>>, vector<1x64x16xf32>
    %get3A_171 = vector.shape_cast %get3A_170 : vector<1x64x16xf32> to vector<64x16xf32>
    %dot_general3A_172 = arith.constant dense<0.000000e+00> : vector<512x16xf32>
    %dot_general3A_173 = tpu.matmul %add3A_107, %get3A_171, %dot_general3A_172 {dimension_numbers = #tpu.dot_dimension_numbers<[1], [0], [0], [1], [0, 0, 1, 1], [], []>, transpose_lhs_hint = false} : vector<512x64xf32>, vector<64x16xf32>, vector<512x16xf32> -> vector<512x16xf32>
    %mul3A_174 = vector.broadcast %slice3A_166 : vector<512x1xf32> to vector<512x16xf32>
    %mul3A_175 = arith.mulf %mul3A_174, %dot_general3A_173 : vector<512x16xf32>
    %add3A_176 = arith.addf %add3A_165, %mul3A_175 : vector<512x16xf32>
    %slice3A_177 = vector.extract_strided_slice %convert_element_type3A_116 {offsets = [0, 4], sizes = [512, 1], strides = [1, 1]} : vector<512x28xf32> to vector<512x1xf32>
    %get3A_178 = arith.constant 4 : index
    %get3A_179 = arith.constant 0 : index
    %get3A_180 = arith.constant 0 : index
    %get3A_181 = vector.load %arg3[%get3A_178, %get3A_179, %get3A_180] : memref<28x64x16xf32, #tpu.memory_space<vmem>>, vector<1x64x16xf32>
    %get3A_182 = vector.shape_cast %get3A_181 : vector<1x64x16xf32> to vector<64x16xf32>
    %dot_general3A_183 = arith.constant dense<0.000000e+00> : vector<512x16xf32>
    %dot_general3A_184 = tpu.matmul %add3A_107, %get3A_182, %dot_general3A_183 {dimension_numbers = #tpu.dot_dimension_numbers<[1], [0], [0], [1], [0, 0, 1, 1], [], []>, transpose_lhs_hint = false} : vector<512x64xf32>, vector<64x16xf32>, vector<512x16xf32> -> vector<512x16xf32>
    %mul3A_185 = vector.broadcast %slice3A_177 : vector<512x1xf32> to vector<512x16xf32>
    %mul3A_186 = arith.mulf %mul3A_185, %dot_general3A_184 : vector<512x16xf32>
    %add3A_187 = arith.addf %add3A_176, %mul3A_186 : vector<512x16xf32>
    %slice3A_188 = vector.extract_strided_slice %convert_element_type3A_116 {offsets = [0, 5], sizes = [512, 1], strides = [1, 1]} : vector<512x28xf32> to vector<512x1xf32>
    %get3A_189 = arith.constant 5 : index
    %get3A_190 = arith.constant 0 : index
    %get3A_191 = arith.constant 0 : index
    %get3A_192 = vector.load %arg3[%get3A_189, %get3A_190, %get3A_191] : memref<28x64x16xf32, #tpu.memory_space<vmem>>, vector<1x64x16xf32>
    %get3A_193 = vector.shape_cast %get3A_192 : vector<1x64x16xf32> to vector<64x16xf32>
    %dot_general3A_194 = arith.constant dense<0.000000e+00> : vector<512x16xf32>
    %dot_general3A_195 = tpu.matmul %add3A_107, %get3A_193, %dot_general3A_194 {dimension_numbers = #tpu.dot_dimension_numbers<[1], [0], [0], [1], [0, 0, 1, 1], [], []>, transpose_lhs_hint = false} : vector<512x64xf32>, vector<64x16xf32>, vector<512x16xf32> -> vector<512x16xf32>
    %mul3A_196 = vector.broadcast %slice3A_188 : vector<512x1xf32> to vector<512x16xf32>
    %mul3A_197 = arith.mulf %mul3A_196, %dot_general3A_195 : vector<512x16xf32>
    %add3A_198 = arith.addf %add3A_187, %mul3A_197 : vector<512x16xf32>
    %slice3A_199 = vector.extract_strided_slice %convert_element_type3A_116 {offsets = [0, 6], sizes = [512, 1], strides = [1, 1]} : vector<512x28xf32> to vector<512x1xf32>
    %get3A_200 = arith.constant 6 : index
    %get3A_201 = arith.constant 0 : index
    %get3A_202 = arith.constant 0 : index
    %get3A_203 = vector.load %arg3[%get3A_200, %get3A_201, %get3A_202] : memref<28x64x16xf32, #tpu.memory_space<vmem>>, vector<1x64x16xf32>
    %get3A_204 = vector.shape_cast %get3A_203 : vector<1x64x16xf32> to vector<64x16xf32>
    %dot_general3A_205 = arith.constant dense<0.000000e+00> : vector<512x16xf32>
    %dot_general3A_206 = tpu.matmul %add3A_107, %get3A_204, %dot_general3A_205 {dimension_numbers = #tpu.dot_dimension_numbers<[1], [0], [0], [1], [0, 0, 1, 1], [], []>, transpose_lhs_hint = false} : vector<512x64xf32>, vector<64x16xf32>, vector<512x16xf32> -> vector<512x16xf32>
    %mul3A_207 = vector.broadcast %slice3A_199 : vector<512x1xf32> to vector<512x16xf32>
    %mul3A_208 = arith.mulf %mul3A_207, %dot_general3A_206 : vector<512x16xf32>
    %add3A_209 = arith.addf %add3A_198, %mul3A_208 : vector<512x16xf32>
    %slice3A_210 = vector.extract_strided_slice %convert_element_type3A_116 {offsets = [0, 7], sizes = [512, 1], strides = [1, 1]} : vector<512x28xf32> to vector<512x1xf32>
    %get3A_211 = arith.constant 7 : index
    %get3A_212 = arith.constant 0 : index
    %get3A_213 = arith.constant 0 : index
    %get3A_214 = vector.load %arg3[%get3A_211, %get3A_212, %get3A_213] : memref<28x64x16xf32, #tpu.memory_space<vmem>>, vector<1x64x16xf32>
    %get3A_215 = vector.shape_cast %get3A_214 : vector<1x64x16xf32> to vector<64x16xf32>
    %dot_general3A_216 = arith.constant dense<0.000000e+00> : vector<512x16xf32>
    %dot_general3A_217 = tpu.matmul %add3A_107, %get3A_215, %dot_general3A_216 {dimension_numbers = #tpu.dot_dimension_numbers<[1], [0], [0], [1], [0, 0, 1, 1], [], []>, transpose_lhs_hint = false} : vector<512x64xf32>, vector<64x16xf32>, vector<512x16xf32> -> vector<512x16xf32>
    %mul3A_218 = vector.broadcast %slice3A_210 : vector<512x1xf32> to vector<512x16xf32>
    %mul3A_219 = arith.mulf %mul3A_218, %dot_general3A_217 : vector<512x16xf32>
    %add3A_220 = arith.addf %add3A_209, %mul3A_219 : vector<512x16xf32>
    %slice3A_221 = vector.extract_strided_slice %convert_element_type3A_116 {offsets = [0, 8], sizes = [512, 1], strides = [1, 1]} : vector<512x28xf32> to vector<512x1xf32>
    %get3A_222 = arith.constant 8 : index
    %get3A_223 = arith.constant 0 : index
    %get3A_224 = arith.constant 0 : index
    %get3A_225 = vector.load %arg3[%get3A_222, %get3A_223, %get3A_224] : memref<28x64x16xf32, #tpu.memory_space<vmem>>, vector<1x64x16xf32>
    %get3A_226 = vector.shape_cast %get3A_225 : vector<1x64x16xf32> to vector<64x16xf32>
    %dot_general3A_227 = arith.constant dense<0.000000e+00> : vector<512x16xf32>
    %dot_general3A_228 = tpu.matmul %add3A_107, %get3A_226, %dot_general3A_227 {dimension_numbers = #tpu.dot_dimension_numbers<[1], [0], [0], [1], [0, 0, 1, 1], [], []>, transpose_lhs_hint = false} : vector<512x64xf32>, vector<64x16xf32>, vector<512x16xf32> -> vector<512x16xf32>
    %mul3A_229 = vector.broadcast %slice3A_221 : vector<512x1xf32> to vector<512x16xf32>
    %mul3A_230 = arith.mulf %mul3A_229, %dot_general3A_228 : vector<512x16xf32>
    %add3A_231 = arith.addf %add3A_220, %mul3A_230 : vector<512x16xf32>
    %slice3A_232 = vector.extract_strided_slice %convert_element_type3A_116 {offsets = [0, 9], sizes = [512, 1], strides = [1, 1]} : vector<512x28xf32> to vector<512x1xf32>
    %get3A_233 = arith.constant 9 : index
    %get3A_234 = arith.constant 0 : index
    %get3A_235 = arith.constant 0 : index
    %get3A_236 = vector.load %arg3[%get3A_233, %get3A_234, %get3A_235] : memref<28x64x16xf32, #tpu.memory_space<vmem>>, vector<1x64x16xf32>
    %get3A_237 = vector.shape_cast %get3A_236 : vector<1x64x16xf32> to vector<64x16xf32>
    %dot_general3A_238 = arith.constant dense<0.000000e+00> : vector<512x16xf32>
    %dot_general3A_239 = tpu.matmul %add3A_107, %get3A_237, %dot_general3A_238 {dimension_numbers = #tpu.dot_dimension_numbers<[1], [0], [0], [1], [0, 0, 1, 1], [], []>, transpose_lhs_hint = false} : vector<512x64xf32>, vector<64x16xf32>, vector<512x16xf32> -> vector<512x16xf32>
    %mul3A_240 = vector.broadcast %slice3A_232 : vector<512x1xf32> to vector<512x16xf32>
    %mul3A_241 = arith.mulf %mul3A_240, %dot_general3A_239 : vector<512x16xf32>
    %add3A_242 = arith.addf %add3A_231, %mul3A_241 : vector<512x16xf32>
    %slice3A_243 = vector.extract_strided_slice %convert_element_type3A_116 {offsets = [0, 10], sizes = [512, 1], strides = [1, 1]} : vector<512x28xf32> to vector<512x1xf32>
    %get3A_244 = arith.constant 10 : index
    %get3A_245 = arith.constant 0 : index
    %get3A_246 = arith.constant 0 : index
    %get3A_247 = vector.load %arg3[%get3A_244, %get3A_245, %get3A_246] : memref<28x64x16xf32, #tpu.memory_space<vmem>>, vector<1x64x16xf32>
    %get3A_248 = vector.shape_cast %get3A_247 : vector<1x64x16xf32> to vector<64x16xf32>
    %dot_general3A_249 = arith.constant dense<0.000000e+00> : vector<512x16xf32>
    %dot_general3A_250 = tpu.matmul %add3A_107, %get3A_248, %dot_general3A_249 {dimension_numbers = #tpu.dot_dimension_numbers<[1], [0], [0], [1], [0, 0, 1, 1], [], []>, transpose_lhs_hint = false} : vector<512x64xf32>, vector<64x16xf32>, vector<512x16xf32> -> vector<512x16xf32>
    %mul3A_251 = vector.broadcast %slice3A_243 : vector<512x1xf32> to vector<512x16xf32>
    %mul3A_252 = arith.mulf %mul3A_251, %dot_general3A_250 : vector<512x16xf32>
    %add3A_253 = arith.addf %add3A_242, %mul3A_252 : vector<512x16xf32>
    %slice3A_254 = vector.extract_strided_slice %convert_element_type3A_116 {offsets = [0, 11], sizes = [512, 1], strides = [1, 1]} : vector<512x28xf32> to vector<512x1xf32>
    %get3A_255 = arith.constant 11 : index
    %get3A_256 = arith.constant 0 : index
    %get3A_257 = arith.constant 0 : index
    %get3A_258 = vector.load %arg3[%get3A_255, %get3A_256, %get3A_257] : memref<28x64x16xf32, #tpu.memory_space<vmem>>, vector<1x64x16xf32>
    %get3A_259 = vector.shape_cast %get3A_258 : vector<1x64x16xf32> to vector<64x16xf32>
    %dot_general3A_260 = arith.constant dense<0.000000e+00> : vector<512x16xf32>
    %dot_general3A_261 = tpu.matmul %add3A_107, %get3A_259, %dot_general3A_260 {dimension_numbers = #tpu.dot_dimension_numbers<[1], [0], [0], [1], [0, 0, 1, 1], [], []>, transpose_lhs_hint = false} : vector<512x64xf32>, vector<64x16xf32>, vector<512x16xf32> -> vector<512x16xf32>
    %mul3A_262 = vector.broadcast %slice3A_254 : vector<512x1xf32> to vector<512x16xf32>
    %mul3A_263 = arith.mulf %mul3A_262, %dot_general3A_261 : vector<512x16xf32>
    %add3A_264 = arith.addf %add3A_253, %mul3A_263 : vector<512x16xf32>
    %slice3A_265 = vector.extract_strided_slice %convert_element_type3A_116 {offsets = [0, 12], sizes = [512, 1], strides = [1, 1]} : vector<512x28xf32> to vector<512x1xf32>
    %get3A_266 = arith.constant 12 : index
    %get3A_267 = arith.constant 0 : index
    %get3A_268 = arith.constant 0 : index
    %get3A_269 = vector.load %arg3[%get3A_266, %get3A_267, %get3A_268] : memref<28x64x16xf32, #tpu.memory_space<vmem>>, vector<1x64x16xf32>
    %get3A_270 = vector.shape_cast %get3A_269 : vector<1x64x16xf32> to vector<64x16xf32>
    %dot_general3A_271 = arith.constant dense<0.000000e+00> : vector<512x16xf32>
    %dot_general3A_272 = tpu.matmul %add3A_107, %get3A_270, %dot_general3A_271 {dimension_numbers = #tpu.dot_dimension_numbers<[1], [0], [0], [1], [0, 0, 1, 1], [], []>, transpose_lhs_hint = false} : vector<512x64xf32>, vector<64x16xf32>, vector<512x16xf32> -> vector<512x16xf32>
    %mul3A_273 = vector.broadcast %slice3A_265 : vector<512x1xf32> to vector<512x16xf32>
    %mul3A_274 = arith.mulf %mul3A_273, %dot_general3A_272 : vector<512x16xf32>
    %add3A_275 = arith.addf %add3A_264, %mul3A_274 : vector<512x16xf32>
    %slice3A_276 = vector.extract_strided_slice %convert_element_type3A_116 {offsets = [0, 13], sizes = [512, 1], strides = [1, 1]} : vector<512x28xf32> to vector<512x1xf32>
    %get3A_277 = arith.constant 13 : index
    %get3A_278 = arith.constant 0 : index
    %get3A_279 = arith.constant 0 : index
    %get3A_280 = vector.load %arg3[%get3A_277, %get3A_278, %get3A_279] : memref<28x64x16xf32, #tpu.memory_space<vmem>>, vector<1x64x16xf32>
    %get3A_281 = vector.shape_cast %get3A_280 : vector<1x64x16xf32> to vector<64x16xf32>
    %dot_general3A_282 = arith.constant dense<0.000000e+00> : vector<512x16xf32>
    %dot_general3A_283 = tpu.matmul %add3A_107, %get3A_281, %dot_general3A_282 {dimension_numbers = #tpu.dot_dimension_numbers<[1], [0], [0], [1], [0, 0, 1, 1], [], []>, transpose_lhs_hint = false} : vector<512x64xf32>, vector<64x16xf32>, vector<512x16xf32> -> vector<512x16xf32>
    %mul3A_284 = vector.broadcast %slice3A_276 : vector<512x1xf32> to vector<512x16xf32>
    %mul3A_285 = arith.mulf %mul3A_284, %dot_general3A_283 : vector<512x16xf32>
    %add3A_286 = arith.addf %add3A_275, %mul3A_285 : vector<512x16xf32>
    %slice3A_287 = vector.extract_strided_slice %convert_element_type3A_116 {offsets = [0, 14], sizes = [512, 1], strides = [1, 1]} : vector<512x28xf32> to vector<512x1xf32>
    %get3A_288 = arith.constant 14 : index
    %get3A_289 = arith.constant 0 : index
    %get3A_290 = arith.constant 0 : index
    %get3A_291 = vector.load %arg3[%get3A_288, %get3A_289, %get3A_290] : memref<28x64x16xf32, #tpu.memory_space<vmem>>, vector<1x64x16xf32>
    %get3A_292 = vector.shape_cast %get3A_291 : vector<1x64x16xf32> to vector<64x16xf32>
    %dot_general3A_293 = arith.constant dense<0.000000e+00> : vector<512x16xf32>
    %dot_general3A_294 = tpu.matmul %add3A_107, %get3A_292, %dot_general3A_293 {dimension_numbers = #tpu.dot_dimension_numbers<[1], [0], [0], [1], [0, 0, 1, 1], [], []>, transpose_lhs_hint = false} : vector<512x64xf32>, vector<64x16xf32>, vector<512x16xf32> -> vector<512x16xf32>
    %mul3A_295 = vector.broadcast %slice3A_287 : vector<512x1xf32> to vector<512x16xf32>
    %mul3A_296 = arith.mulf %mul3A_295, %dot_general3A_294 : vector<512x16xf32>
    %add3A_297 = arith.addf %add3A_286, %mul3A_296 : vector<512x16xf32>
    %slice3A_298 = vector.extract_strided_slice %convert_element_type3A_116 {offsets = [0, 15], sizes = [512, 1], strides = [1, 1]} : vector<512x28xf32> to vector<512x1xf32>
    %get3A_299 = arith.constant 15 : index
    %get3A_300 = arith.constant 0 : index
    %get3A_301 = arith.constant 0 : index
    %get3A_302 = vector.load %arg3[%get3A_299, %get3A_300, %get3A_301] : memref<28x64x16xf32, #tpu.memory_space<vmem>>, vector<1x64x16xf32>
    %get3A_303 = vector.shape_cast %get3A_302 : vector<1x64x16xf32> to vector<64x16xf32>
    %dot_general3A_304 = arith.constant dense<0.000000e+00> : vector<512x16xf32>
    %dot_general3A_305 = tpu.matmul %add3A_107, %get3A_303, %dot_general3A_304 {dimension_numbers = #tpu.dot_dimension_numbers<[1], [0], [0], [1], [0, 0, 1, 1], [], []>, transpose_lhs_hint = false} : vector<512x64xf32>, vector<64x16xf32>, vector<512x16xf32> -> vector<512x16xf32>
    %mul3A_306 = vector.broadcast %slice3A_298 : vector<512x1xf32> to vector<512x16xf32>
    %mul3A_307 = arith.mulf %mul3A_306, %dot_general3A_305 : vector<512x16xf32>
    %add3A_308 = arith.addf %add3A_297, %mul3A_307 : vector<512x16xf32>
    %slice3A_309 = vector.extract_strided_slice %convert_element_type3A_116 {offsets = [0, 16], sizes = [512, 1], strides = [1, 1]} : vector<512x28xf32> to vector<512x1xf32>
    %get3A_310 = arith.constant 16 : index
    %get3A_311 = arith.constant 0 : index
    %get3A_312 = arith.constant 0 : index
    %get3A_313 = vector.load %arg3[%get3A_310, %get3A_311, %get3A_312] : memref<28x64x16xf32, #tpu.memory_space<vmem>>, vector<1x64x16xf32>
    %get3A_314 = vector.shape_cast %get3A_313 : vector<1x64x16xf32> to vector<64x16xf32>
    %dot_general3A_315 = arith.constant dense<0.000000e+00> : vector<512x16xf32>
    %dot_general3A_316 = tpu.matmul %add3A_107, %get3A_314, %dot_general3A_315 {dimension_numbers = #tpu.dot_dimension_numbers<[1], [0], [0], [1], [0, 0, 1, 1], [], []>, transpose_lhs_hint = false} : vector<512x64xf32>, vector<64x16xf32>, vector<512x16xf32> -> vector<512x16xf32>
    %mul3A_317 = vector.broadcast %slice3A_309 : vector<512x1xf32> to vector<512x16xf32>
    %mul3A_318 = arith.mulf %mul3A_317, %dot_general3A_316 : vector<512x16xf32>
    %add3A_319 = arith.addf %add3A_308, %mul3A_318 : vector<512x16xf32>
    %slice3A_320 = vector.extract_strided_slice %convert_element_type3A_116 {offsets = [0, 17], sizes = [512, 1], strides = [1, 1]} : vector<512x28xf32> to vector<512x1xf32>
    %get3A_321 = arith.constant 17 : index
    %get3A_322 = arith.constant 0 : index
    %get3A_323 = arith.constant 0 : index
    %get3A_324 = vector.load %arg3[%get3A_321, %get3A_322, %get3A_323] : memref<28x64x16xf32, #tpu.memory_space<vmem>>, vector<1x64x16xf32>
    %get3A_325 = vector.shape_cast %get3A_324 : vector<1x64x16xf32> to vector<64x16xf32>
    %dot_general3A_326 = arith.constant dense<0.000000e+00> : vector<512x16xf32>
    %dot_general3A_327 = tpu.matmul %add3A_107, %get3A_325, %dot_general3A_326 {dimension_numbers = #tpu.dot_dimension_numbers<[1], [0], [0], [1], [0, 0, 1, 1], [], []>, transpose_lhs_hint = false} : vector<512x64xf32>, vector<64x16xf32>, vector<512x16xf32> -> vector<512x16xf32>
    %mul3A_328 = vector.broadcast %slice3A_320 : vector<512x1xf32> to vector<512x16xf32>
    %mul3A_329 = arith.mulf %mul3A_328, %dot_general3A_327 : vector<512x16xf32>
    %add3A_330 = arith.addf %add3A_319, %mul3A_329 : vector<512x16xf32>
    %slice3A_331 = vector.extract_strided_slice %convert_element_type3A_116 {offsets = [0, 18], sizes = [512, 1], strides = [1, 1]} : vector<512x28xf32> to vector<512x1xf32>
    %get3A_332 = arith.constant 18 : index
    %get3A_333 = arith.constant 0 : index
    %get3A_334 = arith.constant 0 : index
    %get3A_335 = vector.load %arg3[%get3A_332, %get3A_333, %get3A_334] : memref<28x64x16xf32, #tpu.memory_space<vmem>>, vector<1x64x16xf32>
    %get3A_336 = vector.shape_cast %get3A_335 : vector<1x64x16xf32> to vector<64x16xf32>
    %dot_general3A_337 = arith.constant dense<0.000000e+00> : vector<512x16xf32>
    %dot_general3A_338 = tpu.matmul %add3A_107, %get3A_336, %dot_general3A_337 {dimension_numbers = #tpu.dot_dimension_numbers<[1], [0], [0], [1], [0, 0, 1, 1], [], []>, transpose_lhs_hint = false} : vector<512x64xf32>, vector<64x16xf32>, vector<512x16xf32> -> vector<512x16xf32>
    %mul3A_339 = vector.broadcast %slice3A_331 : vector<512x1xf32> to vector<512x16xf32>
    %mul3A_340 = arith.mulf %mul3A_339, %dot_general3A_338 : vector<512x16xf32>
    %add3A_341 = arith.addf %add3A_330, %mul3A_340 : vector<512x16xf32>
    %slice3A_342 = vector.extract_strided_slice %convert_element_type3A_116 {offsets = [0, 19], sizes = [512, 1], strides = [1, 1]} : vector<512x28xf32> to vector<512x1xf32>
    %get3A_343 = arith.constant 19 : index
    %get3A_344 = arith.constant 0 : index
    %get3A_345 = arith.constant 0 : index
    %get3A_346 = vector.load %arg3[%get3A_343, %get3A_344, %get3A_345] : memref<28x64x16xf32, #tpu.memory_space<vmem>>, vector<1x64x16xf32>
    %get3A_347 = vector.shape_cast %get3A_346 : vector<1x64x16xf32> to vector<64x16xf32>
    %dot_general3A_348 = arith.constant dense<0.000000e+00> : vector<512x16xf32>
    %dot_general3A_349 = tpu.matmul %add3A_107, %get3A_347, %dot_general3A_348 {dimension_numbers = #tpu.dot_dimension_numbers<[1], [0], [0], [1], [0, 0, 1, 1], [], []>, transpose_lhs_hint = false} : vector<512x64xf32>, vector<64x16xf32>, vector<512x16xf32> -> vector<512x16xf32>
    %mul3A_350 = vector.broadcast %slice3A_342 : vector<512x1xf32> to vector<512x16xf32>
    %mul3A_351 = arith.mulf %mul3A_350, %dot_general3A_349 : vector<512x16xf32>
    %add3A_352 = arith.addf %add3A_341, %mul3A_351 : vector<512x16xf32>
    %slice3A_353 = vector.extract_strided_slice %convert_element_type3A_116 {offsets = [0, 20], sizes = [512, 1], strides = [1, 1]} : vector<512x28xf32> to vector<512x1xf32>
    %get3A_354 = arith.constant 20 : index
    %get3A_355 = arith.constant 0 : index
    %get3A_356 = arith.constant 0 : index
    %get3A_357 = vector.load %arg3[%get3A_354, %get3A_355, %get3A_356] : memref<28x64x16xf32, #tpu.memory_space<vmem>>, vector<1x64x16xf32>
    %get3A_358 = vector.shape_cast %get3A_357 : vector<1x64x16xf32> to vector<64x16xf32>
    %dot_general3A_359 = arith.constant dense<0.000000e+00> : vector<512x16xf32>
    %dot_general3A_360 = tpu.matmul %add3A_107, %get3A_358, %dot_general3A_359 {dimension_numbers = #tpu.dot_dimension_numbers<[1], [0], [0], [1], [0, 0, 1, 1], [], []>, transpose_lhs_hint = false} : vector<512x64xf32>, vector<64x16xf32>, vector<512x16xf32> -> vector<512x16xf32>
    %mul3A_361 = vector.broadcast %slice3A_353 : vector<512x1xf32> to vector<512x16xf32>
    %mul3A_362 = arith.mulf %mul3A_361, %dot_general3A_360 : vector<512x16xf32>
    %add3A_363 = arith.addf %add3A_352, %mul3A_362 : vector<512x16xf32>
    %slice3A_364 = vector.extract_strided_slice %convert_element_type3A_116 {offsets = [0, 21], sizes = [512, 1], strides = [1, 1]} : vector<512x28xf32> to vector<512x1xf32>
    %get3A_365 = arith.constant 21 : index
    %get3A_366 = arith.constant 0 : index
    %get3A_367 = arith.constant 0 : index
    %get3A_368 = vector.load %arg3[%get3A_365, %get3A_366, %get3A_367] : memref<28x64x16xf32, #tpu.memory_space<vmem>>, vector<1x64x16xf32>
    %get3A_369 = vector.shape_cast %get3A_368 : vector<1x64x16xf32> to vector<64x16xf32>
    %dot_general3A_370 = arith.constant dense<0.000000e+00> : vector<512x16xf32>
    %dot_general3A_371 = tpu.matmul %add3A_107, %get3A_369, %dot_general3A_370 {dimension_numbers = #tpu.dot_dimension_numbers<[1], [0], [0], [1], [0, 0, 1, 1], [], []>, transpose_lhs_hint = false} : vector<512x64xf32>, vector<64x16xf32>, vector<512x16xf32> -> vector<512x16xf32>
    %mul3A_372 = vector.broadcast %slice3A_364 : vector<512x1xf32> to vector<512x16xf32>
    %mul3A_373 = arith.mulf %mul3A_372, %dot_general3A_371 : vector<512x16xf32>
    %add3A_374 = arith.addf %add3A_363, %mul3A_373 : vector<512x16xf32>
    %slice3A_375 = vector.extract_strided_slice %convert_element_type3A_116 {offsets = [0, 22], sizes = [512, 1], strides = [1, 1]} : vector<512x28xf32> to vector<512x1xf32>
    %get3A_376 = arith.constant 22 : index
    %get3A_377 = arith.constant 0 : index
    %get3A_378 = arith.constant 0 : index
    %get3A_379 = vector.load %arg3[%get3A_376, %get3A_377, %get3A_378] : memref<28x64x16xf32, #tpu.memory_space<vmem>>, vector<1x64x16xf32>
    %get3A_380 = vector.shape_cast %get3A_379 : vector<1x64x16xf32> to vector<64x16xf32>
    %dot_general3A_381 = arith.constant dense<0.000000e+00> : vector<512x16xf32>
    %dot_general3A_382 = tpu.matmul %add3A_107, %get3A_380, %dot_general3A_381 {dimension_numbers = #tpu.dot_dimension_numbers<[1], [0], [0], [1], [0, 0, 1, 1], [], []>, transpose_lhs_hint = false} : vector<512x64xf32>, vector<64x16xf32>, vector<512x16xf32> -> vector<512x16xf32>
    %mul3A_383 = vector.broadcast %slice3A_375 : vector<512x1xf32> to vector<512x16xf32>
    %mul3A_384 = arith.mulf %mul3A_383, %dot_general3A_382 : vector<512x16xf32>
    %add3A_385 = arith.addf %add3A_374, %mul3A_384 : vector<512x16xf32>
    %slice3A_386 = vector.extract_strided_slice %convert_element_type3A_116 {offsets = [0, 23], sizes = [512, 1], strides = [1, 1]} : vector<512x28xf32> to vector<512x1xf32>
    %get3A_387 = arith.constant 23 : index
    %get3A_388 = arith.constant 0 : index
    %get3A_389 = arith.constant 0 : index
    %get3A_390 = vector.load %arg3[%get3A_387, %get3A_388, %get3A_389] : memref<28x64x16xf32, #tpu.memory_space<vmem>>, vector<1x64x16xf32>
    %get3A_391 = vector.shape_cast %get3A_390 : vector<1x64x16xf32> to vector<64x16xf32>
    %dot_general3A_392 = arith.constant dense<0.000000e+00> : vector<512x16xf32>
    %dot_general3A_393 = tpu.matmul %add3A_107, %get3A_391, %dot_general3A_392 {dimension_numbers = #tpu.dot_dimension_numbers<[1], [0], [0], [1], [0, 0, 1, 1], [], []>, transpose_lhs_hint = false} : vector<512x64xf32>, vector<64x16xf32>, vector<512x16xf32> -> vector<512x16xf32>
    %mul3A_394 = vector.broadcast %slice3A_386 : vector<512x1xf32> to vector<512x16xf32>
    %mul3A_395 = arith.mulf %mul3A_394, %dot_general3A_393 : vector<512x16xf32>
    %add3A_396 = arith.addf %add3A_385, %mul3A_395 : vector<512x16xf32>
    %slice3A_397 = vector.extract_strided_slice %convert_element_type3A_116 {offsets = [0, 24], sizes = [512, 1], strides = [1, 1]} : vector<512x28xf32> to vector<512x1xf32>
    %get3A_398 = arith.constant 24 : index
    %get3A_399 = arith.constant 0 : index
    %get3A_400 = arith.constant 0 : index
    %get3A_401 = vector.load %arg3[%get3A_398, %get3A_399, %get3A_400] : memref<28x64x16xf32, #tpu.memory_space<vmem>>, vector<1x64x16xf32>
    %get3A_402 = vector.shape_cast %get3A_401 : vector<1x64x16xf32> to vector<64x16xf32>
    %dot_general3A_403 = arith.constant dense<0.000000e+00> : vector<512x16xf32>
    %dot_general3A_404 = tpu.matmul %add3A_107, %get3A_402, %dot_general3A_403 {dimension_numbers = #tpu.dot_dimension_numbers<[1], [0], [0], [1], [0, 0, 1, 1], [], []>, transpose_lhs_hint = false} : vector<512x64xf32>, vector<64x16xf32>, vector<512x16xf32> -> vector<512x16xf32>
    %mul3A_405 = vector.broadcast %slice3A_397 : vector<512x1xf32> to vector<512x16xf32>
    %mul3A_406 = arith.mulf %mul3A_405, %dot_general3A_404 : vector<512x16xf32>
    %add3A_407 = arith.addf %add3A_396, %mul3A_406 : vector<512x16xf32>
    %slice3A_408 = vector.extract_strided_slice %convert_element_type3A_116 {offsets = [0, 25], sizes = [512, 1], strides = [1, 1]} : vector<512x28xf32> to vector<512x1xf32>
    %get3A_409 = arith.constant 25 : index
    %get3A_410 = arith.constant 0 : index
    %get3A_411 = arith.constant 0 : index
    %get3A_412 = vector.load %arg3[%get3A_409, %get3A_410, %get3A_411] : memref<28x64x16xf32, #tpu.memory_space<vmem>>, vector<1x64x16xf32>
    %get3A_413 = vector.shape_cast %get3A_412 : vector<1x64x16xf32> to vector<64x16xf32>
    %dot_general3A_414 = arith.constant dense<0.000000e+00> : vector<512x16xf32>
    %dot_general3A_415 = tpu.matmul %add3A_107, %get3A_413, %dot_general3A_414 {dimension_numbers = #tpu.dot_dimension_numbers<[1], [0], [0], [1], [0, 0, 1, 1], [], []>, transpose_lhs_hint = false} : vector<512x64xf32>, vector<64x16xf32>, vector<512x16xf32> -> vector<512x16xf32>
    %mul3A_416 = vector.broadcast %slice3A_408 : vector<512x1xf32> to vector<512x16xf32>
    %mul3A_417 = arith.mulf %mul3A_416, %dot_general3A_415 : vector<512x16xf32>
    %add3A_418 = arith.addf %add3A_407, %mul3A_417 : vector<512x16xf32>
    %slice3A_419 = vector.extract_strided_slice %convert_element_type3A_116 {offsets = [0, 26], sizes = [512, 1], strides = [1, 1]} : vector<512x28xf32> to vector<512x1xf32>
    %get3A_420 = arith.constant 26 : index
    %get3A_421 = arith.constant 0 : index
    %get3A_422 = arith.constant 0 : index
    %get3A_423 = vector.load %arg3[%get3A_420, %get3A_421, %get3A_422] : memref<28x64x16xf32, #tpu.memory_space<vmem>>, vector<1x64x16xf32>
    %get3A_424 = vector.shape_cast %get3A_423 : vector<1x64x16xf32> to vector<64x16xf32>
    %dot_general3A_425 = arith.constant dense<0.000000e+00> : vector<512x16xf32>
    %dot_general3A_426 = tpu.matmul %add3A_107, %get3A_424, %dot_general3A_425 {dimension_numbers = #tpu.dot_dimension_numbers<[1], [0], [0], [1], [0, 0, 1, 1], [], []>, transpose_lhs_hint = false} : vector<512x64xf32>, vector<64x16xf32>, vector<512x16xf32> -> vector<512x16xf32>
    %mul3A_427 = vector.broadcast %slice3A_419 : vector<512x1xf32> to vector<512x16xf32>
    %mul3A_428 = arith.mulf %mul3A_427, %dot_general3A_426 : vector<512x16xf32>
    %add3A_429 = arith.addf %add3A_418, %mul3A_428 : vector<512x16xf32>
    %slice3A_430 = vector.extract_strided_slice %convert_element_type3A_116 {offsets = [0, 27], sizes = [512, 1], strides = [1, 1]} : vector<512x28xf32> to vector<512x1xf32>
    %get3A_431 = arith.constant 27 : index
    %get3A_432 = arith.constant 0 : index
    %get3A_433 = arith.constant 0 : index
    %get3A_434 = vector.load %arg3[%get3A_431, %get3A_432, %get3A_433] : memref<28x64x16xf32, #tpu.memory_space<vmem>>, vector<1x64x16xf32>
    %get3A_435 = vector.shape_cast %get3A_434 : vector<1x64x16xf32> to vector<64x16xf32>
    %dot_general3A_436 = arith.constant dense<0.000000e+00> : vector<512x16xf32>
    %dot_general3A_437 = tpu.matmul %add3A_107, %get3A_435, %dot_general3A_436 {dimension_numbers = #tpu.dot_dimension_numbers<[1], [0], [0], [1], [0, 0, 1, 1], [], []>, transpose_lhs_hint = false} : vector<512x64xf32>, vector<64x16xf32>, vector<512x16xf32> -> vector<512x16xf32>
    %mul3A_438 = vector.broadcast %slice3A_430 : vector<512x1xf32> to vector<512x16xf32>
    %mul3A_439 = arith.mulf %mul3A_438, %dot_general3A_437 : vector<512x16xf32>
    %add3A_440 = arith.addf %add3A_429, %mul3A_439 : vector<512x16xf32>
    %add3A_441 = arith.addf %add3A_440, %dot_general3A_127 : vector<512x16xf32>
    %max3A = arith.constant 0.000000e+00 : f32
    %max3A_442 = vector.broadcast %max3A : f32 to vector<512x16xf32>
    %max3A_443 = arith.maximumf %add3A_441, %max3A_442 : vector<512x16xf32>
    %broadcast_in_dim3A_444 = arith.constant 0.000000e+00 : f32
    %broadcast_in_dim3A_445 = vector.broadcast %broadcast_in_dim3A_444 : f32 to vector<512x64xf32>
    %slice3A_446 = vector.extract_strided_slice %convert_element_type3A_116 {offsets = [0, 0], sizes = [512, 1], strides = [1, 1]} : vector<512x28xf32> to vector<512x1xf32>
    %get3A_447 = arith.constant 0 : index
    %get3A_448 = arith.constant 0 : index
    %get3A_449 = arith.constant 0 : index
    %get3A_450 = vector.load %arg5[%get3A_447, %get3A_448, %get3A_449] : memref<28x16x64xf32, #tpu.memory_space<vmem>>, vector<1x16x64xf32>
    %get3A_451 = vector.shape_cast %get3A_450 : vector<1x16x64xf32> to vector<16x64xf32>
    %dot_general3A_452 = arith.constant dense<0.000000e+00> : vector<512x64xf32>
    %dot_general3A_453 = tpu.matmul %max3A_443, %get3A_451, %dot_general3A_452 {dimension_numbers = #tpu.dot_dimension_numbers<[1], [0], [0], [1], [0, 0, 1, 1], [], []>, transpose_lhs_hint = false} : vector<512x16xf32>, vector<16x64xf32>, vector<512x64xf32> -> vector<512x64xf32>
    %mul3A_454 = vector.broadcast %slice3A_446 : vector<512x1xf32> to vector<512x64xf32>
    %mul3A_455 = arith.mulf %mul3A_454, %dot_general3A_453 : vector<512x64xf32>
    %add3A_456 = arith.addf %broadcast_in_dim3A_445, %mul3A_455 : vector<512x64xf32>
    %slice3A_457 = vector.extract_strided_slice %convert_element_type3A_116 {offsets = [0, 1], sizes = [512, 1], strides = [1, 1]} : vector<512x28xf32> to vector<512x1xf32>
    %get3A_458 = arith.constant 1 : index
    %get3A_459 = arith.constant 0 : index
    %get3A_460 = arith.constant 0 : index
    %get3A_461 = vector.load %arg5[%get3A_458, %get3A_459, %get3A_460] : memref<28x16x64xf32, #tpu.memory_space<vmem>>, vector<1x16x64xf32>
    %get3A_462 = vector.shape_cast %get3A_461 : vector<1x16x64xf32> to vector<16x64xf32>
    %dot_general3A_463 = arith.constant dense<0.000000e+00> : vector<512x64xf32>
    %dot_general3A_464 = tpu.matmul %max3A_443, %get3A_462, %dot_general3A_463 {dimension_numbers = #tpu.dot_dimension_numbers<[1], [0], [0], [1], [0, 0, 1, 1], [], []>, transpose_lhs_hint = false} : vector<512x16xf32>, vector<16x64xf32>, vector<512x64xf32> -> vector<512x64xf32>
    %mul3A_465 = vector.broadcast %slice3A_457 : vector<512x1xf32> to vector<512x64xf32>
    %mul3A_466 = arith.mulf %mul3A_465, %dot_general3A_464 : vector<512x64xf32>
    %add3A_467 = arith.addf %add3A_456, %mul3A_466 : vector<512x64xf32>
    %slice3A_468 = vector.extract_strided_slice %convert_element_type3A_116 {offsets = [0, 2], sizes = [512, 1], strides = [1, 1]} : vector<512x28xf32> to vector<512x1xf32>
    %get3A_469 = arith.constant 2 : index
    %get3A_470 = arith.constant 0 : index
    %get3A_471 = arith.constant 0 : index
    %get3A_472 = vector.load %arg5[%get3A_469, %get3A_470, %get3A_471] : memref<28x16x64xf32, #tpu.memory_space<vmem>>, vector<1x16x64xf32>
    %get3A_473 = vector.shape_cast %get3A_472 : vector<1x16x64xf32> to vector<16x64xf32>
    %dot_general3A_474 = arith.constant dense<0.000000e+00> : vector<512x64xf32>
    %dot_general3A_475 = tpu.matmul %max3A_443, %get3A_473, %dot_general3A_474 {dimension_numbers = #tpu.dot_dimension_numbers<[1], [0], [0], [1], [0, 0, 1, 1], [], []>, transpose_lhs_hint = false} : vector<512x16xf32>, vector<16x64xf32>, vector<512x64xf32> -> vector<512x64xf32>
    %mul3A_476 = vector.broadcast %slice3A_468 : vector<512x1xf32> to vector<512x64xf32>
    %mul3A_477 = arith.mulf %mul3A_476, %dot_general3A_475 : vector<512x64xf32>
    %add3A_478 = arith.addf %add3A_467, %mul3A_477 : vector<512x64xf32>
    %slice3A_479 = vector.extract_strided_slice %convert_element_type3A_116 {offsets = [0, 3], sizes = [512, 1], strides = [1, 1]} : vector<512x28xf32> to vector<512x1xf32>
    %get3A_480 = arith.constant 3 : index
    %get3A_481 = arith.constant 0 : index
    %get3A_482 = arith.constant 0 : index
    %get3A_483 = vector.load %arg5[%get3A_480, %get3A_481, %get3A_482] : memref<28x16x64xf32, #tpu.memory_space<vmem>>, vector<1x16x64xf32>
    %get3A_484 = vector.shape_cast %get3A_483 : vector<1x16x64xf32> to vector<16x64xf32>
    %dot_general3A_485 = arith.constant dense<0.000000e+00> : vector<512x64xf32>
    %dot_general3A_486 = tpu.matmul %max3A_443, %get3A_484, %dot_general3A_485 {dimension_numbers = #tpu.dot_dimension_numbers<[1], [0], [0], [1], [0, 0, 1, 1], [], []>, transpose_lhs_hint = false} : vector<512x16xf32>, vector<16x64xf32>, vector<512x64xf32> -> vector<512x64xf32>
    %mul3A_487 = vector.broadcast %slice3A_479 : vector<512x1xf32> to vector<512x64xf32>
    %mul3A_488 = arith.mulf %mul3A_487, %dot_general3A_486 : vector<512x64xf32>
    %add3A_489 = arith.addf %add3A_478, %mul3A_488 : vector<512x64xf32>
    %slice3A_490 = vector.extract_strided_slice %convert_element_type3A_116 {offsets = [0, 4], sizes = [512, 1], strides = [1, 1]} : vector<512x28xf32> to vector<512x1xf32>
    %get3A_491 = arith.constant 4 : index
    %get3A_492 = arith.constant 0 : index
    %get3A_493 = arith.constant 0 : index
    %get3A_494 = vector.load %arg5[%get3A_491, %get3A_492, %get3A_493] : memref<28x16x64xf32, #tpu.memory_space<vmem>>, vector<1x16x64xf32>
    %get3A_495 = vector.shape_cast %get3A_494 : vector<1x16x64xf32> to vector<16x64xf32>
    %dot_general3A_496 = arith.constant dense<0.000000e+00> : vector<512x64xf32>
    %dot_general3A_497 = tpu.matmul %max3A_443, %get3A_495, %dot_general3A_496 {dimension_numbers = #tpu.dot_dimension_numbers<[1], [0], [0], [1], [0, 0, 1, 1], [], []>, transpose_lhs_hint = false} : vector<512x16xf32>, vector<16x64xf32>, vector<512x64xf32> -> vector<512x64xf32>
    %mul3A_498 = vector.broadcast %slice3A_490 : vector<512x1xf32> to vector<512x64xf32>
    %mul3A_499 = arith.mulf %mul3A_498, %dot_general3A_497 : vector<512x64xf32>
    %add3A_500 = arith.addf %add3A_489, %mul3A_499 : vector<512x64xf32>
    %slice3A_501 = vector.extract_strided_slice %convert_element_type3A_116 {offsets = [0, 5], sizes = [512, 1], strides = [1, 1]} : vector<512x28xf32> to vector<512x1xf32>
    %get3A_502 = arith.constant 5 : index
    %get3A_503 = arith.constant 0 : index
    %get3A_504 = arith.constant 0 : index
    %get3A_505 = vector.load %arg5[%get3A_502, %get3A_503, %get3A_504] : memref<28x16x64xf32, #tpu.memory_space<vmem>>, vector<1x16x64xf32>
    %get3A_506 = vector.shape_cast %get3A_505 : vector<1x16x64xf32> to vector<16x64xf32>
    %dot_general3A_507 = arith.constant dense<0.000000e+00> : vector<512x64xf32>
    %dot_general3A_508 = tpu.matmul %max3A_443, %get3A_506, %dot_general3A_507 {dimension_numbers = #tpu.dot_dimension_numbers<[1], [0], [0], [1], [0, 0, 1, 1], [], []>, transpose_lhs_hint = false} : vector<512x16xf32>, vector<16x64xf32>, vector<512x64xf32> -> vector<512x64xf32>
    %mul3A_509 = vector.broadcast %slice3A_501 : vector<512x1xf32> to vector<512x64xf32>
    %mul3A_510 = arith.mulf %mul3A_509, %dot_general3A_508 : vector<512x64xf32>
    %add3A_511 = arith.addf %add3A_500, %mul3A_510 : vector<512x64xf32>
    %slice3A_512 = vector.extract_strided_slice %convert_element_type3A_116 {offsets = [0, 6], sizes = [512, 1], strides = [1, 1]} : vector<512x28xf32> to vector<512x1xf32>
    %get3A_513 = arith.constant 6 : index
    %get3A_514 = arith.constant 0 : index
    %get3A_515 = arith.constant 0 : index
    %get3A_516 = vector.load %arg5[%get3A_513, %get3A_514, %get3A_515] : memref<28x16x64xf32, #tpu.memory_space<vmem>>, vector<1x16x64xf32>
    %get3A_517 = vector.shape_cast %get3A_516 : vector<1x16x64xf32> to vector<16x64xf32>
    %dot_general3A_518 = arith.constant dense<0.000000e+00> : vector<512x64xf32>
    %dot_general3A_519 = tpu.matmul %max3A_443, %get3A_517, %dot_general3A_518 {dimension_numbers = #tpu.dot_dimension_numbers<[1], [0], [0], [1], [0, 0, 1, 1], [], []>, transpose_lhs_hint = false} : vector<512x16xf32>, vector<16x64xf32>, vector<512x64xf32> -> vector<512x64xf32>
    %mul3A_520 = vector.broadcast %slice3A_512 : vector<512x1xf32> to vector<512x64xf32>
    %mul3A_521 = arith.mulf %mul3A_520, %dot_general3A_519 : vector<512x64xf32>
    %add3A_522 = arith.addf %add3A_511, %mul3A_521 : vector<512x64xf32>
    %slice3A_523 = vector.extract_strided_slice %convert_element_type3A_116 {offsets = [0, 7], sizes = [512, 1], strides = [1, 1]} : vector<512x28xf32> to vector<512x1xf32>
    %get3A_524 = arith.constant 7 : index
    %get3A_525 = arith.constant 0 : index
    %get3A_526 = arith.constant 0 : index
    %get3A_527 = vector.load %arg5[%get3A_524, %get3A_525, %get3A_526] : memref<28x16x64xf32, #tpu.memory_space<vmem>>, vector<1x16x64xf32>
    %get3A_528 = vector.shape_cast %get3A_527 : vector<1x16x64xf32> to vector<16x64xf32>
    %dot_general3A_529 = arith.constant dense<0.000000e+00> : vector<512x64xf32>
    %dot_general3A_530 = tpu.matmul %max3A_443, %get3A_528, %dot_general3A_529 {dimension_numbers = #tpu.dot_dimension_numbers<[1], [0], [0], [1], [0, 0, 1, 1], [], []>, transpose_lhs_hint = false} : vector<512x16xf32>, vector<16x64xf32>, vector<512x64xf32> -> vector<512x64xf32>
    %mul3A_531 = vector.broadcast %slice3A_523 : vector<512x1xf32> to vector<512x64xf32>
    %mul3A_532 = arith.mulf %mul3A_531, %dot_general3A_530 : vector<512x64xf32>
    %add3A_533 = arith.addf %add3A_522, %mul3A_532 : vector<512x64xf32>
    %slice3A_534 = vector.extract_strided_slice %convert_element_type3A_116 {offsets = [0, 8], sizes = [512, 1], strides = [1, 1]} : vector<512x28xf32> to vector<512x1xf32>
    %get3A_535 = arith.constant 8 : index
    %get3A_536 = arith.constant 0 : index
    %get3A_537 = arith.constant 0 : index
    %get3A_538 = vector.load %arg5[%get3A_535, %get3A_536, %get3A_537] : memref<28x16x64xf32, #tpu.memory_space<vmem>>, vector<1x16x64xf32>
    %get3A_539 = vector.shape_cast %get3A_538 : vector<1x16x64xf32> to vector<16x64xf32>
    %dot_general3A_540 = arith.constant dense<0.000000e+00> : vector<512x64xf32>
    %dot_general3A_541 = tpu.matmul %max3A_443, %get3A_539, %dot_general3A_540 {dimension_numbers = #tpu.dot_dimension_numbers<[1], [0], [0], [1], [0, 0, 1, 1], [], []>, transpose_lhs_hint = false} : vector<512x16xf32>, vector<16x64xf32>, vector<512x64xf32> -> vector<512x64xf32>
    %mul3A_542 = vector.broadcast %slice3A_534 : vector<512x1xf32> to vector<512x64xf32>
    %mul3A_543 = arith.mulf %mul3A_542, %dot_general3A_541 : vector<512x64xf32>
    %add3A_544 = arith.addf %add3A_533, %mul3A_543 : vector<512x64xf32>
    %slice3A_545 = vector.extract_strided_slice %convert_element_type3A_116 {offsets = [0, 9], sizes = [512, 1], strides = [1, 1]} : vector<512x28xf32> to vector<512x1xf32>
    %get3A_546 = arith.constant 9 : index
    %get3A_547 = arith.constant 0 : index
    %get3A_548 = arith.constant 0 : index
    %get3A_549 = vector.load %arg5[%get3A_546, %get3A_547, %get3A_548] : memref<28x16x64xf32, #tpu.memory_space<vmem>>, vector<1x16x64xf32>
    %get3A_550 = vector.shape_cast %get3A_549 : vector<1x16x64xf32> to vector<16x64xf32>
    %dot_general3A_551 = arith.constant dense<0.000000e+00> : vector<512x64xf32>
    %dot_general3A_552 = tpu.matmul %max3A_443, %get3A_550, %dot_general3A_551 {dimension_numbers = #tpu.dot_dimension_numbers<[1], [0], [0], [1], [0, 0, 1, 1], [], []>, transpose_lhs_hint = false} : vector<512x16xf32>, vector<16x64xf32>, vector<512x64xf32> -> vector<512x64xf32>
    %mul3A_553 = vector.broadcast %slice3A_545 : vector<512x1xf32> to vector<512x64xf32>
    %mul3A_554 = arith.mulf %mul3A_553, %dot_general3A_552 : vector<512x64xf32>
    %add3A_555 = arith.addf %add3A_544, %mul3A_554 : vector<512x64xf32>
    %slice3A_556 = vector.extract_strided_slice %convert_element_type3A_116 {offsets = [0, 10], sizes = [512, 1], strides = [1, 1]} : vector<512x28xf32> to vector<512x1xf32>
    %get3A_557 = arith.constant 10 : index
    %get3A_558 = arith.constant 0 : index
    %get3A_559 = arith.constant 0 : index
    %get3A_560 = vector.load %arg5[%get3A_557, %get3A_558, %get3A_559] : memref<28x16x64xf32, #tpu.memory_space<vmem>>, vector<1x16x64xf32>
    %get3A_561 = vector.shape_cast %get3A_560 : vector<1x16x64xf32> to vector<16x64xf32>
    %dot_general3A_562 = arith.constant dense<0.000000e+00> : vector<512x64xf32>
    %dot_general3A_563 = tpu.matmul %max3A_443, %get3A_561, %dot_general3A_562 {dimension_numbers = #tpu.dot_dimension_numbers<[1], [0], [0], [1], [0, 0, 1, 1], [], []>, transpose_lhs_hint = false} : vector<512x16xf32>, vector<16x64xf32>, vector<512x64xf32> -> vector<512x64xf32>
    %mul3A_564 = vector.broadcast %slice3A_556 : vector<512x1xf32> to vector<512x64xf32>
    %mul3A_565 = arith.mulf %mul3A_564, %dot_general3A_563 : vector<512x64xf32>
    %add3A_566 = arith.addf %add3A_555, %mul3A_565 : vector<512x64xf32>
    %slice3A_567 = vector.extract_strided_slice %convert_element_type3A_116 {offsets = [0, 11], sizes = [512, 1], strides = [1, 1]} : vector<512x28xf32> to vector<512x1xf32>
    %get3A_568 = arith.constant 11 : index
    %get3A_569 = arith.constant 0 : index
    %get3A_570 = arith.constant 0 : index
    %get3A_571 = vector.load %arg5[%get3A_568, %get3A_569, %get3A_570] : memref<28x16x64xf32, #tpu.memory_space<vmem>>, vector<1x16x64xf32>
    %get3A_572 = vector.shape_cast %get3A_571 : vector<1x16x64xf32> to vector<16x64xf32>
    %dot_general3A_573 = arith.constant dense<0.000000e+00> : vector<512x64xf32>
    %dot_general3A_574 = tpu.matmul %max3A_443, %get3A_572, %dot_general3A_573 {dimension_numbers = #tpu.dot_dimension_numbers<[1], [0], [0], [1], [0, 0, 1, 1], [], []>, transpose_lhs_hint = false} : vector<512x16xf32>, vector<16x64xf32>, vector<512x64xf32> -> vector<512x64xf32>
    %mul3A_575 = vector.broadcast %slice3A_567 : vector<512x1xf32> to vector<512x64xf32>
    %mul3A_576 = arith.mulf %mul3A_575, %dot_general3A_574 : vector<512x64xf32>
    %add3A_577 = arith.addf %add3A_566, %mul3A_576 : vector<512x64xf32>
    %slice3A_578 = vector.extract_strided_slice %convert_element_type3A_116 {offsets = [0, 12], sizes = [512, 1], strides = [1, 1]} : vector<512x28xf32> to vector<512x1xf32>
    %get3A_579 = arith.constant 12 : index
    %get3A_580 = arith.constant 0 : index
    %get3A_581 = arith.constant 0 : index
    %get3A_582 = vector.load %arg5[%get3A_579, %get3A_580, %get3A_581] : memref<28x16x64xf32, #tpu.memory_space<vmem>>, vector<1x16x64xf32>
    %get3A_583 = vector.shape_cast %get3A_582 : vector<1x16x64xf32> to vector<16x64xf32>
    %dot_general3A_584 = arith.constant dense<0.000000e+00> : vector<512x64xf32>
    %dot_general3A_585 = tpu.matmul %max3A_443, %get3A_583, %dot_general3A_584 {dimension_numbers = #tpu.dot_dimension_numbers<[1], [0], [0], [1], [0, 0, 1, 1], [], []>, transpose_lhs_hint = false} : vector<512x16xf32>, vector<16x64xf32>, vector<512x64xf32> -> vector<512x64xf32>
    %mul3A_586 = vector.broadcast %slice3A_578 : vector<512x1xf32> to vector<512x64xf32>
    %mul3A_587 = arith.mulf %mul3A_586, %dot_general3A_585 : vector<512x64xf32>
    %add3A_588 = arith.addf %add3A_577, %mul3A_587 : vector<512x64xf32>
    %slice3A_589 = vector.extract_strided_slice %convert_element_type3A_116 {offsets = [0, 13], sizes = [512, 1], strides = [1, 1]} : vector<512x28xf32> to vector<512x1xf32>
    %get3A_590 = arith.constant 13 : index
    %get3A_591 = arith.constant 0 : index
    %get3A_592 = arith.constant 0 : index
    %get3A_593 = vector.load %arg5[%get3A_590, %get3A_591, %get3A_592] : memref<28x16x64xf32, #tpu.memory_space<vmem>>, vector<1x16x64xf32>
    %get3A_594 = vector.shape_cast %get3A_593 : vector<1x16x64xf32> to vector<16x64xf32>
    %dot_general3A_595 = arith.constant dense<0.000000e+00> : vector<512x64xf32>
    %dot_general3A_596 = tpu.matmul %max3A_443, %get3A_594, %dot_general3A_595 {dimension_numbers = #tpu.dot_dimension_numbers<[1], [0], [0], [1], [0, 0, 1, 1], [], []>, transpose_lhs_hint = false} : vector<512x16xf32>, vector<16x64xf32>, vector<512x64xf32> -> vector<512x64xf32>
    %mul3A_597 = vector.broadcast %slice3A_589 : vector<512x1xf32> to vector<512x64xf32>
    %mul3A_598 = arith.mulf %mul3A_597, %dot_general3A_596 : vector<512x64xf32>
    %add3A_599 = arith.addf %add3A_588, %mul3A_598 : vector<512x64xf32>
    %slice3A_600 = vector.extract_strided_slice %convert_element_type3A_116 {offsets = [0, 14], sizes = [512, 1], strides = [1, 1]} : vector<512x28xf32> to vector<512x1xf32>
    %get3A_601 = arith.constant 14 : index
    %get3A_602 = arith.constant 0 : index
    %get3A_603 = arith.constant 0 : index
    %get3A_604 = vector.load %arg5[%get3A_601, %get3A_602, %get3A_603] : memref<28x16x64xf32, #tpu.memory_space<vmem>>, vector<1x16x64xf32>
    %get3A_605 = vector.shape_cast %get3A_604 : vector<1x16x64xf32> to vector<16x64xf32>
    %dot_general3A_606 = arith.constant dense<0.000000e+00> : vector<512x64xf32>
    %dot_general3A_607 = tpu.matmul %max3A_443, %get3A_605, %dot_general3A_606 {dimension_numbers = #tpu.dot_dimension_numbers<[1], [0], [0], [1], [0, 0, 1, 1], [], []>, transpose_lhs_hint = false} : vector<512x16xf32>, vector<16x64xf32>, vector<512x64xf32> -> vector<512x64xf32>
    %mul3A_608 = vector.broadcast %slice3A_600 : vector<512x1xf32> to vector<512x64xf32>
    %mul3A_609 = arith.mulf %mul3A_608, %dot_general3A_607 : vector<512x64xf32>
    %add3A_610 = arith.addf %add3A_599, %mul3A_609 : vector<512x64xf32>
    %slice3A_611 = vector.extract_strided_slice %convert_element_type3A_116 {offsets = [0, 15], sizes = [512, 1], strides = [1, 1]} : vector<512x28xf32> to vector<512x1xf32>
    %get3A_612 = arith.constant 15 : index
    %get3A_613 = arith.constant 0 : index
    %get3A_614 = arith.constant 0 : index
    %get3A_615 = vector.load %arg5[%get3A_612, %get3A_613, %get3A_614] : memref<28x16x64xf32, #tpu.memory_space<vmem>>, vector<1x16x64xf32>
    %get3A_616 = vector.shape_cast %get3A_615 : vector<1x16x64xf32> to vector<16x64xf32>
    %dot_general3A_617 = arith.constant dense<0.000000e+00> : vector<512x64xf32>
    %dot_general3A_618 = tpu.matmul %max3A_443, %get3A_616, %dot_general3A_617 {dimension_numbers = #tpu.dot_dimension_numbers<[1], [0], [0], [1], [0, 0, 1, 1], [], []>, transpose_lhs_hint = false} : vector<512x16xf32>, vector<16x64xf32>, vector<512x64xf32> -> vector<512x64xf32>
    %mul3A_619 = vector.broadcast %slice3A_611 : vector<512x1xf32> to vector<512x64xf32>
    %mul3A_620 = arith.mulf %mul3A_619, %dot_general3A_618 : vector<512x64xf32>
    %add3A_621 = arith.addf %add3A_610, %mul3A_620 : vector<512x64xf32>
    %slice3A_622 = vector.extract_strided_slice %convert_element_type3A_116 {offsets = [0, 16], sizes = [512, 1], strides = [1, 1]} : vector<512x28xf32> to vector<512x1xf32>
    %get3A_623 = arith.constant 16 : index
    %get3A_624 = arith.constant 0 : index
    %get3A_625 = arith.constant 0 : index
    %get3A_626 = vector.load %arg5[%get3A_623, %get3A_624, %get3A_625] : memref<28x16x64xf32, #tpu.memory_space<vmem>>, vector<1x16x64xf32>
    %get3A_627 = vector.shape_cast %get3A_626 : vector<1x16x64xf32> to vector<16x64xf32>
    %dot_general3A_628 = arith.constant dense<0.000000e+00> : vector<512x64xf32>
    %dot_general3A_629 = tpu.matmul %max3A_443, %get3A_627, %dot_general3A_628 {dimension_numbers = #tpu.dot_dimension_numbers<[1], [0], [0], [1], [0, 0, 1, 1], [], []>, transpose_lhs_hint = false} : vector<512x16xf32>, vector<16x64xf32>, vector<512x64xf32> -> vector<512x64xf32>
    %mul3A_630 = vector.broadcast %slice3A_622 : vector<512x1xf32> to vector<512x64xf32>
    %mul3A_631 = arith.mulf %mul3A_630, %dot_general3A_629 : vector<512x64xf32>
    %add3A_632 = arith.addf %add3A_621, %mul3A_631 : vector<512x64xf32>
    %slice3A_633 = vector.extract_strided_slice %convert_element_type3A_116 {offsets = [0, 17], sizes = [512, 1], strides = [1, 1]} : vector<512x28xf32> to vector<512x1xf32>
    %get3A_634 = arith.constant 17 : index
    %get3A_635 = arith.constant 0 : index
    %get3A_636 = arith.constant 0 : index
    %get3A_637 = vector.load %arg5[%get3A_634, %get3A_635, %get3A_636] : memref<28x16x64xf32, #tpu.memory_space<vmem>>, vector<1x16x64xf32>
    %get3A_638 = vector.shape_cast %get3A_637 : vector<1x16x64xf32> to vector<16x64xf32>
    %dot_general3A_639 = arith.constant dense<0.000000e+00> : vector<512x64xf32>
    %dot_general3A_640 = tpu.matmul %max3A_443, %get3A_638, %dot_general3A_639 {dimension_numbers = #tpu.dot_dimension_numbers<[1], [0], [0], [1], [0, 0, 1, 1], [], []>, transpose_lhs_hint = false} : vector<512x16xf32>, vector<16x64xf32>, vector<512x64xf32> -> vector<512x64xf32>
    %mul3A_641 = vector.broadcast %slice3A_633 : vector<512x1xf32> to vector<512x64xf32>
    %mul3A_642 = arith.mulf %mul3A_641, %dot_general3A_640 : vector<512x64xf32>
    %add3A_643 = arith.addf %add3A_632, %mul3A_642 : vector<512x64xf32>
    %slice3A_644 = vector.extract_strided_slice %convert_element_type3A_116 {offsets = [0, 18], sizes = [512, 1], strides = [1, 1]} : vector<512x28xf32> to vector<512x1xf32>
    %get3A_645 = arith.constant 18 : index
    %get3A_646 = arith.constant 0 : index
    %get3A_647 = arith.constant 0 : index
    %get3A_648 = vector.load %arg5[%get3A_645, %get3A_646, %get3A_647] : memref<28x16x64xf32, #tpu.memory_space<vmem>>, vector<1x16x64xf32>
    %get3A_649 = vector.shape_cast %get3A_648 : vector<1x16x64xf32> to vector<16x64xf32>
    %dot_general3A_650 = arith.constant dense<0.000000e+00> : vector<512x64xf32>
    %dot_general3A_651 = tpu.matmul %max3A_443, %get3A_649, %dot_general3A_650 {dimension_numbers = #tpu.dot_dimension_numbers<[1], [0], [0], [1], [0, 0, 1, 1], [], []>, transpose_lhs_hint = false} : vector<512x16xf32>, vector<16x64xf32>, vector<512x64xf32> -> vector<512x64xf32>
    %mul3A_652 = vector.broadcast %slice3A_644 : vector<512x1xf32> to vector<512x64xf32>
    %mul3A_653 = arith.mulf %mul3A_652, %dot_general3A_651 : vector<512x64xf32>
    %add3A_654 = arith.addf %add3A_643, %mul3A_653 : vector<512x64xf32>
    %slice3A_655 = vector.extract_strided_slice %convert_element_type3A_116 {offsets = [0, 19], sizes = [512, 1], strides = [1, 1]} : vector<512x28xf32> to vector<512x1xf32>
    %get3A_656 = arith.constant 19 : index
    %get3A_657 = arith.constant 0 : index
    %get3A_658 = arith.constant 0 : index
    %get3A_659 = vector.load %arg5[%get3A_656, %get3A_657, %get3A_658] : memref<28x16x64xf32, #tpu.memory_space<vmem>>, vector<1x16x64xf32>
    %get3A_660 = vector.shape_cast %get3A_659 : vector<1x16x64xf32> to vector<16x64xf32>
    %dot_general3A_661 = arith.constant dense<0.000000e+00> : vector<512x64xf32>
    %dot_general3A_662 = tpu.matmul %max3A_443, %get3A_660, %dot_general3A_661 {dimension_numbers = #tpu.dot_dimension_numbers<[1], [0], [0], [1], [0, 0, 1, 1], [], []>, transpose_lhs_hint = false} : vector<512x16xf32>, vector<16x64xf32>, vector<512x64xf32> -> vector<512x64xf32>
    %mul3A_663 = vector.broadcast %slice3A_655 : vector<512x1xf32> to vector<512x64xf32>
    %mul3A_664 = arith.mulf %mul3A_663, %dot_general3A_662 : vector<512x64xf32>
    %add3A_665 = arith.addf %add3A_654, %mul3A_664 : vector<512x64xf32>
    %slice3A_666 = vector.extract_strided_slice %convert_element_type3A_116 {offsets = [0, 20], sizes = [512, 1], strides = [1, 1]} : vector<512x28xf32> to vector<512x1xf32>
    %get3A_667 = arith.constant 20 : index
    %get3A_668 = arith.constant 0 : index
    %get3A_669 = arith.constant 0 : index
    %get3A_670 = vector.load %arg5[%get3A_667, %get3A_668, %get3A_669] : memref<28x16x64xf32, #tpu.memory_space<vmem>>, vector<1x16x64xf32>
    %get3A_671 = vector.shape_cast %get3A_670 : vector<1x16x64xf32> to vector<16x64xf32>
    %dot_general3A_672 = arith.constant dense<0.000000e+00> : vector<512x64xf32>
    %dot_general3A_673 = tpu.matmul %max3A_443, %get3A_671, %dot_general3A_672 {dimension_numbers = #tpu.dot_dimension_numbers<[1], [0], [0], [1], [0, 0, 1, 1], [], []>, transpose_lhs_hint = false} : vector<512x16xf32>, vector<16x64xf32>, vector<512x64xf32> -> vector<512x64xf32>
    %mul3A_674 = vector.broadcast %slice3A_666 : vector<512x1xf32> to vector<512x64xf32>
    %mul3A_675 = arith.mulf %mul3A_674, %dot_general3A_673 : vector<512x64xf32>
    %add3A_676 = arith.addf %add3A_665, %mul3A_675 : vector<512x64xf32>
    %slice3A_677 = vector.extract_strided_slice %convert_element_type3A_116 {offsets = [0, 21], sizes = [512, 1], strides = [1, 1]} : vector<512x28xf32> to vector<512x1xf32>
    %get3A_678 = arith.constant 21 : index
    %get3A_679 = arith.constant 0 : index
    %get3A_680 = arith.constant 0 : index
    %get3A_681 = vector.load %arg5[%get3A_678, %get3A_679, %get3A_680] : memref<28x16x64xf32, #tpu.memory_space<vmem>>, vector<1x16x64xf32>
    %get3A_682 = vector.shape_cast %get3A_681 : vector<1x16x64xf32> to vector<16x64xf32>
    %dot_general3A_683 = arith.constant dense<0.000000e+00> : vector<512x64xf32>
    %dot_general3A_684 = tpu.matmul %max3A_443, %get3A_682, %dot_general3A_683 {dimension_numbers = #tpu.dot_dimension_numbers<[1], [0], [0], [1], [0, 0, 1, 1], [], []>, transpose_lhs_hint = false} : vector<512x16xf32>, vector<16x64xf32>, vector<512x64xf32> -> vector<512x64xf32>
    %mul3A_685 = vector.broadcast %slice3A_677 : vector<512x1xf32> to vector<512x64xf32>
    %mul3A_686 = arith.mulf %mul3A_685, %dot_general3A_684 : vector<512x64xf32>
    %add3A_687 = arith.addf %add3A_676, %mul3A_686 : vector<512x64xf32>
    %slice3A_688 = vector.extract_strided_slice %convert_element_type3A_116 {offsets = [0, 22], sizes = [512, 1], strides = [1, 1]} : vector<512x28xf32> to vector<512x1xf32>
    %get3A_689 = arith.constant 22 : index
    %get3A_690 = arith.constant 0 : index
    %get3A_691 = arith.constant 0 : index
    %get3A_692 = vector.load %arg5[%get3A_689, %get3A_690, %get3A_691] : memref<28x16x64xf32, #tpu.memory_space<vmem>>, vector<1x16x64xf32>
    %get3A_693 = vector.shape_cast %get3A_692 : vector<1x16x64xf32> to vector<16x64xf32>
    %dot_general3A_694 = arith.constant dense<0.000000e+00> : vector<512x64xf32>
    %dot_general3A_695 = tpu.matmul %max3A_443, %get3A_693, %dot_general3A_694 {dimension_numbers = #tpu.dot_dimension_numbers<[1], [0], [0], [1], [0, 0, 1, 1], [], []>, transpose_lhs_hint = false} : vector<512x16xf32>, vector<16x64xf32>, vector<512x64xf32> -> vector<512x64xf32>
    %mul3A_696 = vector.broadcast %slice3A_688 : vector<512x1xf32> to vector<512x64xf32>
    %mul3A_697 = arith.mulf %mul3A_696, %dot_general3A_695 : vector<512x64xf32>
    %add3A_698 = arith.addf %add3A_687, %mul3A_697 : vector<512x64xf32>
    %slice3A_699 = vector.extract_strided_slice %convert_element_type3A_116 {offsets = [0, 23], sizes = [512, 1], strides = [1, 1]} : vector<512x28xf32> to vector<512x1xf32>
    %get3A_700 = arith.constant 23 : index
    %get3A_701 = arith.constant 0 : index
    %get3A_702 = arith.constant 0 : index
    %get3A_703 = vector.load %arg5[%get3A_700, %get3A_701, %get3A_702] : memref<28x16x64xf32, #tpu.memory_space<vmem>>, vector<1x16x64xf32>
    %get3A_704 = vector.shape_cast %get3A_703 : vector<1x16x64xf32> to vector<16x64xf32>
    %dot_general3A_705 = arith.constant dense<0.000000e+00> : vector<512x64xf32>
    %dot_general3A_706 = tpu.matmul %max3A_443, %get3A_704, %dot_general3A_705 {dimension_numbers = #tpu.dot_dimension_numbers<[1], [0], [0], [1], [0, 0, 1, 1], [], []>, transpose_lhs_hint = false} : vector<512x16xf32>, vector<16x64xf32>, vector<512x64xf32> -> vector<512x64xf32>
    %mul3A_707 = vector.broadcast %slice3A_699 : vector<512x1xf32> to vector<512x64xf32>
    %mul3A_708 = arith.mulf %mul3A_707, %dot_general3A_706 : vector<512x64xf32>
    %add3A_709 = arith.addf %add3A_698, %mul3A_708 : vector<512x64xf32>
    %slice3A_710 = vector.extract_strided_slice %convert_element_type3A_116 {offsets = [0, 24], sizes = [512, 1], strides = [1, 1]} : vector<512x28xf32> to vector<512x1xf32>
    %get3A_711 = arith.constant 24 : index
    %get3A_712 = arith.constant 0 : index
    %get3A_713 = arith.constant 0 : index
    %get3A_714 = vector.load %arg5[%get3A_711, %get3A_712, %get3A_713] : memref<28x16x64xf32, #tpu.memory_space<vmem>>, vector<1x16x64xf32>
    %get3A_715 = vector.shape_cast %get3A_714 : vector<1x16x64xf32> to vector<16x64xf32>
    %dot_general3A_716 = arith.constant dense<0.000000e+00> : vector<512x64xf32>
    %dot_general3A_717 = tpu.matmul %max3A_443, %get3A_715, %dot_general3A_716 {dimension_numbers = #tpu.dot_dimension_numbers<[1], [0], [0], [1], [0, 0, 1, 1], [], []>, transpose_lhs_hint = false} : vector<512x16xf32>, vector<16x64xf32>, vector<512x64xf32> -> vector<512x64xf32>
    %mul3A_718 = vector.broadcast %slice3A_710 : vector<512x1xf32> to vector<512x64xf32>
    %mul3A_719 = arith.mulf %mul3A_718, %dot_general3A_717 : vector<512x64xf32>
    %add3A_720 = arith.addf %add3A_709, %mul3A_719 : vector<512x64xf32>
    %slice3A_721 = vector.extract_strided_slice %convert_element_type3A_116 {offsets = [0, 25], sizes = [512, 1], strides = [1, 1]} : vector<512x28xf32> to vector<512x1xf32>
    %get3A_722 = arith.constant 25 : index
    %get3A_723 = arith.constant 0 : index
    %get3A_724 = arith.constant 0 : index
    %get3A_725 = vector.load %arg5[%get3A_722, %get3A_723, %get3A_724] : memref<28x16x64xf32, #tpu.memory_space<vmem>>, vector<1x16x64xf32>
    %get3A_726 = vector.shape_cast %get3A_725 : vector<1x16x64xf32> to vector<16x64xf32>
    %dot_general3A_727 = arith.constant dense<0.000000e+00> : vector<512x64xf32>
    %dot_general3A_728 = tpu.matmul %max3A_443, %get3A_726, %dot_general3A_727 {dimension_numbers = #tpu.dot_dimension_numbers<[1], [0], [0], [1], [0, 0, 1, 1], [], []>, transpose_lhs_hint = false} : vector<512x16xf32>, vector<16x64xf32>, vector<512x64xf32> -> vector<512x64xf32>
    %mul3A_729 = vector.broadcast %slice3A_721 : vector<512x1xf32> to vector<512x64xf32>
    %mul3A_730 = arith.mulf %mul3A_729, %dot_general3A_728 : vector<512x64xf32>
    %add3A_731 = arith.addf %add3A_720, %mul3A_730 : vector<512x64xf32>
    %slice3A_732 = vector.extract_strided_slice %convert_element_type3A_116 {offsets = [0, 26], sizes = [512, 1], strides = [1, 1]} : vector<512x28xf32> to vector<512x1xf32>
    %get3A_733 = arith.constant 26 : index
    %get3A_734 = arith.constant 0 : index
    %get3A_735 = arith.constant 0 : index
    %get3A_736 = vector.load %arg5[%get3A_733, %get3A_734, %get3A_735] : memref<28x16x64xf32, #tpu.memory_space<vmem>>, vector<1x16x64xf32>
    %get3A_737 = vector.shape_cast %get3A_736 : vector<1x16x64xf32> to vector<16x64xf32>
    %dot_general3A_738 = arith.constant dense<0.000000e+00> : vector<512x64xf32>
    %dot_general3A_739 = tpu.matmul %max3A_443, %get3A_737, %dot_general3A_738 {dimension_numbers = #tpu.dot_dimension_numbers<[1], [0], [0], [1], [0, 0, 1, 1], [], []>, transpose_lhs_hint = false} : vector<512x16xf32>, vector<16x64xf32>, vector<512x64xf32> -> vector<512x64xf32>
    %mul3A_740 = vector.broadcast %slice3A_732 : vector<512x1xf32> to vector<512x64xf32>
    %mul3A_741 = arith.mulf %mul3A_740, %dot_general3A_739 : vector<512x64xf32>
    %add3A_742 = arith.addf %add3A_731, %mul3A_741 : vector<512x64xf32>
    %slice3A_743 = vector.extract_strided_slice %convert_element_type3A_116 {offsets = [0, 27], sizes = [512, 1], strides = [1, 1]} : vector<512x28xf32> to vector<512x1xf32>
    %get3A_744 = arith.constant 27 : index
    %get3A_745 = arith.constant 0 : index
    %get3A_746 = arith.constant 0 : index
    %get3A_747 = vector.load %arg5[%get3A_744, %get3A_745, %get3A_746] : memref<28x16x64xf32, #tpu.memory_space<vmem>>, vector<1x16x64xf32>
    %get3A_748 = vector.shape_cast %get3A_747 : vector<1x16x64xf32> to vector<16x64xf32>
    %dot_general3A_749 = arith.constant dense<0.000000e+00> : vector<512x64xf32>
    %dot_general3A_750 = tpu.matmul %max3A_443, %get3A_748, %dot_general3A_749 {dimension_numbers = #tpu.dot_dimension_numbers<[1], [0], [0], [1], [0, 0, 1, 1], [], []>, transpose_lhs_hint = false} : vector<512x16xf32>, vector<16x64xf32>, vector<512x64xf32> -> vector<512x64xf32>
    %mul3A_751 = vector.broadcast %slice3A_743 : vector<512x1xf32> to vector<512x64xf32>
    %mul3A_752 = arith.mulf %mul3A_751, %dot_general3A_750 : vector<512x64xf32>
    %add3A_753 = arith.addf %add3A_742, %mul3A_752 : vector<512x64xf32>
    %add3A_754 = arith.addf %add3A_753, %dot_general3A_132 : vector<512x64xf32>
    %add3A_755 = arith.addf %add3A_754, %add3A_107 : vector<512x64xf32>
    %reduce_sum3A = arith.constant dense<0.000000e+00> : vector<28xf32>
    %reduce_sum3A_756 = vector.multi_reduction <add>, %convert_element_type3A_122, %reduce_sum3A [1] : vector<28x512xf32> to vector<28xf32>
    %broadcast_in_dim3A_757 = vector.shape_cast %reduce_sum3A_756 : vector<28xf32> to vector<28x1xf32>
    %dot_general3A_758 = arith.constant dense<0.000000e+00> : vector<28x64xf32>
    %dot_general3A_759 = tpu.matmul %convert_element_type3A_122, %add3A_755, %dot_general3A_758 {dimension_numbers = #tpu.dot_dimension_numbers<[1], [0], [0], [1], [0, 0, 1, 1], [], []>, transpose_lhs_hint = false} : vector<28x512xf32>, vector<512x64xf32>, vector<28x64xf32> -> vector<28x64xf32>
    %max3A_760 = arith.constant 1.000000e+00 : f32
    %max3A_761 = vector.broadcast %max3A_760 : f32 to vector<28x1xf32>
    %max3A_762 = arith.maximumf %broadcast_in_dim3A_757, %max3A_761 : vector<28x1xf32>
    %div3A = vector.broadcast %max3A_762 : vector<28x1xf32> to vector<28x64xf32>
    %div3A_763 = arith.divf %dot_general3A_759, %div3A : vector<28x64xf32>
    %gt3A = arith.constant 0.000000e+00 : f32
    %gt3A_764 = vector.broadcast %gt3A : f32 to vector<28x1xf32>
    %gt3A_765 = arith.cmpf ogt, %broadcast_in_dim3A_757, %gt3A_764 : vector<28x1xf32>
    %convert_element_type3A_766 = arith.extui %gt3A_765 : vector<28x1xi1> to vector<28x1xi32>
    %convert_element_type3A_767 = arith.sitofp %convert_element_type3A_766 : vector<28x1xi32> to vector<28x1xf32>
    %get3A_768 = arith.constant 0 : index
    %get3A_769 = arith.constant 0 : index
    %get3A_770 = vector.load %arg7[%get3A_768, %get3A_769] : memref<1x28xf32, #tpu.memory_space<vmem>>, vector<1x28xf32>
    %mul3A_771 = vector.broadcast %convert_element_type3A_767 : vector<28x1xf32> to vector<28x64xf32>
    %mul3A_772 = arith.mulf %div3A_763, %mul3A_771 : vector<28x64xf32>
    %dot_general3A_773 = arith.constant dense<0.000000e+00> : vector<1x64xf32>
    %dot_general3A_774 = tpu.matmul %get3A_770, %mul3A_772, %dot_general3A_773 {dimension_numbers = #tpu.dot_dimension_numbers<[1], [0], [0], [1], [0, 0, 1, 1], [], []>, transpose_lhs_hint = false} : vector<1x28xf32>, vector<28x64xf32>, vector<1x64xf32> -> vector<1x64xf32>
    %slice3A_775 = vector.extract_strided_slice %convert_element_type3A_116 {offsets = [0, 0], sizes = [512, 1], strides = [1, 1]} : vector<512x28xf32> to vector<512x1xf32>
    %mul3A_776 = vector.broadcast %slice3A_775 : vector<512x1xf32> to vector<512x64xf32>
    %mul3A_777 = vector.broadcast %dot_general3A_774 : vector<1x64xf32> to vector<512x64xf32>
    %mul3A_778 = arith.mulf %mul3A_776, %mul3A_777 : vector<512x64xf32>
    %add3A_779 = arith.addf %add3A_755, %mul3A_778 : vector<512x64xf32>
    %get3A_780 = arith.constant 0 : index
    %get3A_781 = arith.constant 0 : index
    %get3A_782 = vector.load %arg8[%get3A_780, %get3A_781] : memref<28x32xf32, #tpu.memory_space<vmem>>, vector<28x32xf32>
    %dot_general3A_783 = arith.constant dense<0.000000e+00> : vector<512x32xf32>
    %dot_general3A_784 = tpu.matmul %convert_element_type3A_116, %get3A_782, %dot_general3A_783 {dimension_numbers = #tpu.dot_dimension_numbers<[1], [0], [0], [1], [0, 0, 1, 1], [], []>, transpose_lhs_hint = false} : vector<512x28xf32>, vector<28x32xf32>, vector<512x32xf32> -> vector<512x32xf32>
    %get3A_785 = arith.constant 0 : index
    %get3A_786 = arith.constant 0 : index
    %get3A_787 = vector.load %arg9[%get3A_785, %get3A_786] : memref<32x32xf32, #tpu.memory_space<vmem>>, vector<32x32xf32>
    %get3A_788 = arith.constant 0 : index
    %get3A_789 = arith.constant 0 : index
    %get3A_790 = vector.load %arg10[%get3A_788, %get3A_789] : memref<1x32xf32, #tpu.memory_space<vmem>>, vector<1x32xf32>
    %get3A_791 = arith.constant 0 : index
    %get3A_792 = arith.constant 0 : index
    %get3A_793 = vector.load %arg11[%get3A_791, %get3A_792] : memref<32x128xf32, #tpu.memory_space<vmem>>, vector<32x128xf32>
    %get3A_794 = arith.constant 0 : index
    %get3A_795 = arith.constant 0 : index
    %get3A_796 = vector.load %arg12[%get3A_794, %get3A_795] : memref<1x128xf32, #tpu.memory_space<vmem>>, vector<1x128xf32>
    %dot_general3A_797 = arith.constant dense<0.000000e+00> : vector<512x32xf32>
    %dot_general3A_798 = tpu.matmul %dot_general3A_784, %get3A_787, %dot_general3A_797 {dimension_numbers = #tpu.dot_dimension_numbers<[1], [0], [0], [1], [0, 0, 1, 1], [], []>, transpose_lhs_hint = false} : vector<512x32xf32>, vector<32x32xf32>, vector<512x32xf32> -> vector<512x32xf32>
    %add3A_799 = vector.broadcast %get3A_790 : vector<1x32xf32> to vector<512x32xf32>
    %add3A_800 = arith.addf %dot_general3A_798, %add3A_799 : vector<512x32xf32>
    %max3A_801 = arith.constant 0.000000e+00 : f32
    %max3A_802 = vector.broadcast %max3A_801 : f32 to vector<512x32xf32>
    %max3A_803 = arith.maximumf %add3A_800, %max3A_802 : vector<512x32xf32>
    %dot_general3A_804 = arith.constant dense<0.000000e+00> : vector<512x128xf32>
    %dot_general3A_805 = tpu.matmul %max3A_803, %get3A_793, %dot_general3A_804 {dimension_numbers = #tpu.dot_dimension_numbers<[1], [0], [0], [1], [0, 0, 1, 1], [], []>, transpose_lhs_hint = false} : vector<512x32xf32>, vector<32x128xf32>, vector<512x128xf32> -> vector<512x128xf32>
    %add3A_806 = vector.broadcast %get3A_796 : vector<1x128xf32> to vector<512x128xf32>
    %add3A_807 = arith.addf %dot_general3A_805, %add3A_806 : vector<512x128xf32>
    %slice3A_808 = vector.extract_strided_slice %add3A_807 {offsets = [0, 0], sizes = [512, 64], strides = [1, 1]} : vector<512x128xf32> to vector<512x64xf32>
    %slice3A_809 = vector.extract_strided_slice %add3A_807 {offsets = [0, 64], sizes = [512, 64], strides = [1, 1]} : vector<512x128xf32> to vector<512x64xf32>
    %tanh3A = math.tanh %slice3A_808 : vector<512x64xf32>
    %mul3A_810 = arith.constant 5.000000e-01 : f32
    %mul3A_811 = vector.broadcast %mul3A_810 : f32 to vector<512x64xf32>
    %mul3A_812 = arith.mulf %mul3A_811, %tanh3A : vector<512x64xf32>
    %add3A_813 = arith.constant 1.000000e+00 : f32
    %add3A_814 = vector.broadcast %add3A_813 : f32 to vector<512x64xf32>
    %add3A_815 = arith.addf %add3A_814, %mul3A_812 : vector<512x64xf32>
    %tanh3A_816 = math.tanh %slice3A_809 : vector<512x64xf32>
    %mul3A_817 = arith.mulf %add3A_815, %add3A_779 : vector<512x64xf32>
    %add3A_818 = arith.addf %mul3A_817, %tanh3A_816 : vector<512x64xf32>
    %get3A_819 = arith.constant 0 : index
    %get3A_820 = arith.constant 0 : index
    %get3A_821 = vector.load %arg17[%get3A_819, %get3A_820] : memref<64x64xf32, #tpu.memory_space<vmem>>, vector<64x64xf32>
    %dot_general3A_822 = arith.constant dense<0.000000e+00> : vector<512x64xf32>
    %dot_general3A_823 = tpu.matmul %add3A_818, %get3A_821, %dot_general3A_822 {dimension_numbers = #tpu.dot_dimension_numbers<[1], [0], [0], [1], [0, 0, 1, 1], [], []>, transpose_lhs_hint = false} : vector<512x64xf32>, vector<64x64xf32>, vector<512x64xf32> -> vector<512x64xf32>
    %get3A_824 = arith.constant 0 : index
    %get3A_825 = arith.constant 0 : index
    %get3A_826 = vector.load %arg18[%get3A_824, %get3A_825] : memref<1x64xf32, #tpu.memory_space<vmem>>, vector<1x64xf32>
    %add3A_827 = vector.broadcast %get3A_826 : vector<1x64xf32> to vector<512x64xf32>
    %add3A_828 = arith.addf %dot_general3A_823, %add3A_827 : vector<512x64xf32>
    %max3A_829 = arith.constant 0.000000e+00 : f32
    %max3A_830 = vector.broadcast %max3A_829 : f32 to vector<512x64xf32>
    %max3A_831 = arith.maximumf %add3A_828, %max3A_830 : vector<512x64xf32>
    %get3A_832 = arith.constant 0 : index
    %get3A_833 = arith.constant 0 : index
    %get3A_834 = vector.load %arg13[%get3A_832, %get3A_833] : memref<32x32xf32, #tpu.memory_space<vmem>>, vector<32x32xf32>
    %get3A_835 = arith.constant 0 : index
    %get3A_836 = arith.constant 0 : index
    %get3A_837 = vector.load %arg14[%get3A_835, %get3A_836] : memref<1x32xf32, #tpu.memory_space<vmem>>, vector<1x32xf32>
    %get3A_838 = arith.constant 0 : index
    %get3A_839 = arith.constant 0 : index
    %get3A_840 = vector.load %arg15[%get3A_838, %get3A_839] : memref<32x128xf32, #tpu.memory_space<vmem>>, vector<32x128xf32>
    %get3A_841 = arith.constant 0 : index
    %get3A_842 = arith.constant 0 : index
    %get3A_843 = vector.load %arg16[%get3A_841, %get3A_842] : memref<1x128xf32, #tpu.memory_space<vmem>>, vector<1x128xf32>
    %dot_general3A_844 = arith.constant dense<0.000000e+00> : vector<512x32xf32>
    %dot_general3A_845 = tpu.matmul %dot_general3A_784, %get3A_834, %dot_general3A_844 {dimension_numbers = #tpu.dot_dimension_numbers<[1], [0], [0], [1], [0, 0, 1, 1], [], []>, transpose_lhs_hint = false} : vector<512x32xf32>, vector<32x32xf32>, vector<512x32xf32> -> vector<512x32xf32>
    %add3A_846 = vector.broadcast %get3A_837 : vector<1x32xf32> to vector<512x32xf32>
    %add3A_847 = arith.addf %dot_general3A_845, %add3A_846 : vector<512x32xf32>
    %max3A_848 = arith.constant 0.000000e+00 : f32
    %max3A_849 = vector.broadcast %max3A_848 : f32 to vector<512x32xf32>
    %max3A_850 = arith.maximumf %add3A_847, %max3A_849 : vector<512x32xf32>
    %dot_general3A_851 = arith.constant dense<0.000000e+00> : vector<512x128xf32>
    %dot_general3A_852 = tpu.matmul %max3A_850, %get3A_840, %dot_general3A_851 {dimension_numbers = #tpu.dot_dimension_numbers<[1], [0], [0], [1], [0, 0, 1, 1], [], []>, transpose_lhs_hint = false} : vector<512x32xf32>, vector<32x128xf32>, vector<512x128xf32> -> vector<512x128xf32>
    %add3A_853 = vector.broadcast %get3A_843 : vector<1x128xf32> to vector<512x128xf32>
    %add3A_854 = arith.addf %dot_general3A_852, %add3A_853 : vector<512x128xf32>
    %slice3A_855 = vector.extract_strided_slice %add3A_854 {offsets = [0, 0], sizes = [512, 64], strides = [1, 1]} : vector<512x128xf32> to vector<512x64xf32>
    %slice3A_856 = vector.extract_strided_slice %add3A_854 {offsets = [0, 64], sizes = [512, 64], strides = [1, 1]} : vector<512x128xf32> to vector<512x64xf32>
    %tanh3A_857 = math.tanh %slice3A_855 : vector<512x64xf32>
    %mul3A_858 = arith.constant 5.000000e-01 : f32
    %mul3A_859 = vector.broadcast %mul3A_858 : f32 to vector<512x64xf32>
    %mul3A_860 = arith.mulf %mul3A_859, %tanh3A_857 : vector<512x64xf32>
    %add3A_861 = arith.constant 1.000000e+00 : f32
    %add3A_862 = vector.broadcast %add3A_861 : f32 to vector<512x64xf32>
    %add3A_863 = arith.addf %add3A_862, %mul3A_860 : vector<512x64xf32>
    %tanh3A_864 = math.tanh %slice3A_856 : vector<512x64xf32>
    %mul3A_865 = arith.mulf %add3A_863, %max3A_831 : vector<512x64xf32>
    %add3A_866 = arith.addf %mul3A_865, %tanh3A_864 : vector<512x64xf32>
    %get3A_867 = arith.constant 0 : index
    %get3A_868 = arith.constant 0 : index
    %get3A_869 = vector.load %arg19[%get3A_867, %get3A_868] : memref<64x64xf32, #tpu.memory_space<vmem>>, vector<64x64xf32>
    %dot_general3A_870 = arith.constant dense<0.000000e+00> : vector<512x64xf32>
    %dot_general3A_871 = tpu.matmul %add3A_866, %get3A_869, %dot_general3A_870 {dimension_numbers = #tpu.dot_dimension_numbers<[1], [0], [0], [1], [0, 0, 1, 1], [], []>, transpose_lhs_hint = false} : vector<512x64xf32>, vector<64x64xf32>, vector<512x64xf32> -> vector<512x64xf32>
    %get3A_872 = arith.constant 0 : index
    %get3A_873 = arith.constant 0 : index
    %get3A_874 = vector.load %arg20[%get3A_872, %get3A_873] : memref<1x64xf32, #tpu.memory_space<vmem>>, vector<1x64xf32>
    %add3A_875 = vector.broadcast %get3A_874 : vector<1x64xf32> to vector<512x64xf32>
    %add3A_876 = arith.addf %dot_general3A_871, %add3A_875 : vector<512x64xf32>
    %max3A_877 = arith.constant 0.000000e+00 : f32
    %max3A_878 = vector.broadcast %max3A_877 : f32 to vector<512x64xf32>
    %max3A_879 = arith.maximumf %add3A_876, %max3A_878 : vector<512x64xf32>
    %get3A_880 = arith.constant 0 : index
    %get3A_881 = arith.constant 0 : index
    %get3A_882 = vector.load %arg21[%get3A_880, %get3A_881] : memref<64x1xf32, #tpu.memory_space<vmem>>, vector<64x1xf32>
    %dot_general3A_883 = arith.constant dense<0.000000e+00> : vector<512x1xf32>
    %dot_general3A_884 = tpu.matmul %max3A_879, %get3A_882, %dot_general3A_883 {dimension_numbers = #tpu.dot_dimension_numbers<[1], [0], [0], [1], [0, 0, 1, 1], [], []>, transpose_lhs_hint = false} : vector<512x64xf32>, vector<64x1xf32>, vector<512x1xf32> -> vector<512x1xf32>
    %get3A_885 = arith.constant 0 : index
    %get3A_886 = arith.constant 0 : index
    %get3A_887 = vector.load %arg22[%get3A_885, %get3A_886] : memref<1x1xf32, #tpu.memory_space<vmem>>, vector<1x1xf32>
    %add3A_888 = vector.broadcast %get3A_887 : vector<1x1xf32> to vector<512x1xf32>
    %add3A_889 = arith.addf %dot_general3A_884, %add3A_888 : vector<512x1xf32>
    %swap3A = arith.constant 0 : index
    %swap3A_890 = arith.constant 0 : index
    %swap3A_891 = vector.load %arg23[%swap3A, %swap3A_890] : memref<512x1xf32, #tpu.memory_space<vmem>>, vector<512x1xf32>
    tpu.vector_store %arg23[%swap3A, %swap3A_890], %add3A_889 {strides = array<i32>} : memref<512x1xf32, #tpu.memory_space<vmem>>, vector<512x1xf32>,
    return
  }
}

</mosaic_0001>

<sc_bundles>
// kernel: kernel.12.cloned.1.call-start
scs
__scs_entry_jumppad:
0x0: {  	(pc) =	sbr.rel $0x88, $3  }
0x1: {  	(tag) =	ssettag $0x0;
	lr =	simm.s32 $0x1  }
0x2: {  	[smem:$0x3F81] =	sst lr;
	_ =	strace $0xD0000000  }
0x3: {  	_ = 	snop  }
0x4: {  	_ = 	snop  }
0x5: {  	_ = 	snop  }
0x6: {  	_ = 	snop  }
0x7: {  	_ = 	snop  }
__scs_overlays_trampoline_lowered:
0x8: {  	[smem:$0x3F90] =	sst s0  }
0x9: {  	[smem:$0x3F91] =	sst s1  }
0xa: {  	[smem:$0x3F92] =	sst s2  }
0xb: {  	[smem:$0x3F93] =	sst s3  }
0xc: {  	[smem:$0x3F94] =	sst s4  }
0xd: {  	[smem:$0x3F95] =	sst s5  }
0xe: {  	[smem:$0x3F96] =	sst s6  }
0xf: {  	[smem:$0x3F97] =	sst s7  }
0x10: {  	[smem:$0x3F98] =	sst s8  }
0x11: {  	[smem:$0x3F99] =	sst s9;
	s0 =	simm.s32 @!p0 $0x0  }
0x12: {  	s1 =	sld [smem:$0x3F7F];
	s0 =	simm.s32 @p0 $0x1  }
0x13: {  	[smem:$0x3F9A] =	sst s0;
	s0 =	simm.s32 @!p1 $0x0  }
0x14: {  	s2 =	sld [smem:$0x3F7E];
	s0 =	simm.s32 @p1 $0x1  }
0x15: {  	[smem:$0x3F9B] =	sst s0;
	s0 =	simm.s32 @!p2 $0x0  }
0x16: {  	s3 =	sld [smem:$0x3FDB];
	s0 =	simm.s32 @p2 $0x1  }
0x17: {  	s4 =	simm.s32 $0x1BF5;
	[smem:$0x3F9D] =	sst s0  }
0x18: {  	s0 =	sld [smem:$0x3F80];
	_ =	swait.ge [sflag:s4], $0x0  }
0x19: {  	s7 =	sld [smem:$0x3F81]  }
0x1a: {  	s8 =	sadd.s32 $0xFFFFE003, lr  }
0x1b: {  	s9 =	sadd.s32 $0xFFFFFEF7, lr;
	s5 =	simm.s32 $0xFFFFFFFF;
	p2 =	slt.u32 s8, $0xFFFFF086  }
0x1c: {  	p1 =	slt.u32 s9, $0xF7A;
	s5 =	simm.s32 @!p2 $0x0  }
0x1d: {  	s5 =	simm.s32 @p1 $0x1;
	p0 =	seq.s32 s7, s2  }
0x1e: {  	s7 =	smul.u32 @!p0 $0xF7A, s2;
	p2 =	seq.s32 @!p0 s5, $0x0  }
0x1f: {  	s9 =	smul.u32 $0xF7A, s1;
	s8 =	simm.s32 @!p0 $0x1BF5;
	p2 =	por !p2, p0  }
0x20: {  	[sflag:s8] =	ssyncset.s32 @!p0 $0xFFFFF086;
	s6 =	sadd.s32 @!p0 s3, s7;
	s7 =	simm.s32 @!p0 $0x108  }
0x21: {  	s3 =	sadd.s32 s3, s9;
	s6 =	sadd.s32 @!p0 $0x88, s6;
	s7 =	simm.s32 @p2 $0x1082  }
0x22: {  	[simem:s7], [sflag:s8] =	dma.local @!p0 [hbm:s6], $0xF7A  }
0x23: {  	s9 =	sor.u32 $0xD0000000, s2;
	s6 =	simm.s32 $0x108;
	_ =	swait.ge @!p0 [sflag:s8], $0x0  }
0x24: {  	s3 =	sadd.s32 $0x88, s3;
	s6 =	simm.s32 @!p1 $0x1082;
	[sflag:s4] =	ssyncset.s32 $0xFFFFF086  }
0x25: {  	[simem:s6], [sflag:s4] =	dma.local [hbm:s3], $0xF7A  }
0x26: {  	[smem:$0x3F81] =	sst s1;
	(tag) =	ssettag s2;
	_ =	strace s9  }
0x27: {  	s1 =	sld [smem:$0x3F91]  }
0x28: {  	s2 =	sld [smem:$0x3F92]  }
0x29: {  	s4 =	sld [smem:$0x3F94]  }
0x2a: {  	p0 =	seq.s32 s5, $0x0;
	s5 =	sld [smem:$0x3F95]  }
0x2b: {  	s6 =	sld [smem:$0x3F96]  }
0x2c: {  	s7 =	sld [smem:$0x3F97]  }
0x2d: {  	s3 =	simm.s32 $0x108;
	s8 =	sld [smem:$0x3F98]  }
0x2e: {  	s3 =	simm.s32 @!p0 $0x1082;
	s9 =	sld [smem:$0x3F99]  }
0x2f: {  	lr =	sadd.s32 s0, s3;
	s0 =	sld [smem:$0x3F90]  }
0x30: {  	s3 =	sld [smem:$0x3F93]  }
0x31: {  	[smem:$0x3F9C] =	sst s10  }
0x32: {  	s10 =	sld [smem:$0x3F9A];
	_ =	sdelay $0x3  }
0x33: {  	p0 =	seq.s32 s10, $0x1;
	s10 =	sld [smem:$0x3F9C];
	_ =	sdelay $0x3  }
0x34: {  	[smem:$0x3F9C] =	sst s10  }
0x35: {  	s10 =	sld [smem:$0x3F9B];
	_ =	sdelay $0x3  }
0x36: {  	p1 =	seq.s32 s10, $0x1;
	s10 =	sld [smem:$0x3F9C];
	_ =	sdelay $0x3  }
0x37: {  	[smem:$0x3F9C] =	sst s10  }
0x38: {  	s10 =	sld [smem:$0x3F9D]  }
0x39: {  	_ = 	snop;
	(pc) =	sbr.ind lr, $3  }
0x3a: {  	_ = 	snop  }
0x3b: {  	_ = 	snop  }
0x3c: {  	p2 =	seq.s32 s10, $0x1;
	s10 =	sld [smem:$0x3F9C]  }
0x3d: {  	_ =	shalt  }
0x3e: {  	_ =	shalt  }
0x3f: {  	_ =	shalt  }
0x40: {  	_ =	shalt  }
0x41: {  	_ =	shalt  }
0x42: {  	_ =	shalt  }
0x43: {  	_ =	shalt  }
0x44: {  	_ =	shalt  }
0x45: {  	_ =	shalt  }
0x46: {  	_ =	shalt  }
0x47: {  	_ =	shalt  }
0x48: {  	_ =	shalt  }
0x49: {  	_ =	shalt  }
0x4a: {  	_ =	shalt  }
0x4b: {  	_ =	shalt  }
0x4c: {  	_ =	shalt  }
0x4d: {  	_ =	shalt  }
0x4e: {  	_ =	shalt  }
0x4f: {  	_ =	shalt  }
0x50: {  	_ =	shalt  }
0x51: {  	_ =	shalt  }
0x52: {  	_ =	shalt  }
0x53: {  	_ =	shalt  }
0x54: {  	_ =	shalt  }
0x55: {  	_ =	shalt  }
0x56: {  	_ =	shalt  }
0x57: {  	_ =	shalt  }
0x58: {  	_ =	shalt  }
0x59: {  	_ =	shalt  }
0x5a: {  	_ =	shalt  }
0x5b: {  	_ =	shalt  }
0x5c: {  	_ =	shalt  }
0x5d: {  	_ =	shalt  }
0x5e: {  	_ =	shalt  }
0x5f: {  	_ =	shalt  }
0x60: {  	_ =	shalt  }
0x61: {  	_ =	shalt  }
0x62: {  	_ =	shalt  }
0x63: {  	_ =	shalt  }
0x64: {  	_ =	shalt  }
0x65: {  	_ =	shalt  }
0x66: {  	_ =	shalt  }
0x67: {  	_ =	shalt  }
0x68: {  	_ =	shalt  }
0x69: {  	_ =	shalt  }
0x6a: {  	_ =	shalt  }
0x6b: {  	_ =	shalt  }
0x6c: {  	_ =	shalt  }
0x6d: {  	_ =	shalt  }
0x6e: {  	_ =	shalt  }
0x6f: {  	_ =	shalt  }
0x70: {  	_ =	shalt  }
0x71: {  	_ =	shalt  }
0x72: {  	_ =	shalt  }
0x73: {  	_ =	shalt  }
0x74: {  	_ =	shalt  }
0x75: {  	_ =	shalt  }
0x76: {  	_ =	shalt  }
0x77: {  	_ =	shalt  }
0x78: {  	_ =	shalt  }
0x79: {  	_ =	shalt  }
0x7a: {  	_ =	shalt  }
0x7b: {  	_ =	shalt  }
0x7c: {  	_ =	shalt  }
0x7d: {  	_ =	shalt  }
0x7e: {  	_ =	shalt  }
0x7f: {  	_ =	shalt  }
0x80: {  	_ =	shalt  }
0x81: {  	_ =	shalt  }
0x82: {  	_ =	shalt  }
0x83: {  	_ =	shalt  }
0x84: {  	_ =	shalt  }
0x85: {  	_ =	shalt  }
0x86: {  	_ =	shalt  }
0x87: {  	_ =	shalt  }
.Lfunc_end0:
.L_simem_size_0:
called_computation_lowered:
.L_overlay_start_0:
0x88: {  	s2 =	sld [smem:$0x3FD9]  }
0x89: {  	s3 =	sld [smem:$0x3FFE];
	_ =	sdelay $0x1  }
0x8a: {  	s1 =	srdreg.scid  }
0x8b: {  	s0 =	sand.u32 $0x1, s1  }
0x8c: {  	s16 =	sshll.u32 s0, $0xA;
	s2 =	sadd.s32 s3, s2  }
0x8d: {  	s2 =	sadd.s32 s2, s16  }
0x8e: {  	[smem:$0x3FA8] =	sst s2  }
0x8f: {  	_ = 	snop  }
0x90: {  	(tm) =	ssettm $0x1  }
0x91: {  	s17 =	sld [smem:$0x3FFB];
	_ =	sdelay $0x3  }
0x92: {  	_ =	strace s17  }
0x93: {  	s2 =	sld [smem:$0x3FFC];
	_ =	sdelay $0x3  }
0x94: {  	_ =	strace s2  }
0x95: {  	s2 =	sld [smem:$0x3FFD];
	_ =	sdelay $0x3  }
0x96: {  	_ =	strace s2  }
0x97: {  	_ =	strace $0x8FFFFFFF  }
0x98: {  	s18 =	sld [smem:$0x3FDB];
	_ =	sdelay $0x1  }
0x99: {  	s19 =	simm.s32 $_scs_section_size  }
0x9a: {  	s4 =	simm.s32 $_size__tile_overlayer_lowered;
	s5 =	simm.s32 $_tile_overlayer_lowered  }
0x9b: {  	s22 =	simm.s32 $0x1BFF;
	s21 =	sshll.u32 s5, $0x1;
	s2 =	sadd.s32 s19, s18  }
0x9c: {  	s6 =	simm.s32 $0x0;
	s20 =	sshll.u32 s4, $0x1;
	s4 =	sadd.s32 s21, s2  }
0x9d: {  	[timem:s6], [sflag:s22] =	dma.local [hbm:s4], s20  }
0x9e: {  	_ =	swait.ge [sflag:s22], s20  }
0x9f: {  	s3 =	ssub.s32 $0x0, s20;
	[sflag:s22] =	ssyncset.done $0x0  }
0xa0: {  	[sflag:s22] =	ssyncadd.s32 s3;
	_ =	sdelay $0x1  }
0xa1: {  	s23 =	simm.s32 $0x1B8B  }
0xa2: {  	_ =	swait.ge [sflag:s23], $0x1  }
0xa3: {  	[sflag:s23] =	ssyncset.done $0x0  }
0xa4: {  	s25 =	simm.s32 $0x1B8E;
	s24 =	sld [smem:$0x3FFE];
	[sflag:s23] =	ssyncadd.s32 $0xFFFFFFFF  }
0xa5: {  	s26 =	simm.s32 $execute0_lowered;
	[smem:$0x3FD2] =	sst s25  }
0xa6: {  	s4 =	sshll.u32 s26, $0x1;
	_ =	strace $0x80000046;
	[dreg:$0x1] =	wrdreg $0xFFFFFFFF  }
0xa7: {  	s28 =	simm.s32 $_size_execute0_lowered;
	s2 =	sadd.s32 s2, s4;
	[dreg:$0x0] =	wrdreg $0x0  }
0xa8: {  	s4 =	sshll.u32 s28, $0x1;
	[dreg:$0x2] =	wrdreg s2  }
0xa9: {  	[dreg:$0x3] =	wrdreg s4  }
0xaa: {  	[dreg:$0x4] =	wrdreg $0xC0  }
0xab: {  	_ =	task [dreg:s6], $0x5FFFF  }
0xac: {  	[dreg:$0x1] =	wrdreg $0xFFFFFFFF  }
0xad: {  	[dreg:$0x0] =	wrdreg $0x60  }
0xae: {  	[dreg:$0x2] =	wrdreg s24  }
0xaf: {  	[dreg:$0x3] =	wrdreg $0xBD000  }
0xb0: {  	[dreg:$0x4] =	wrdreg $0x9  }
0xb1: {  	_ =	task.clear_ibuf [dreg:s6], $0x5FFFF;
	_ =	strace $0x90000046  }
0xb2: {  	s29 =	simm.s32 $0x9;
	_ =	strace $0x80000048  }
0xb3: {  	_ =	swait.ge [sflag:s29], $0x1  }
0xb4: {  	[sflag:s29] =	ssyncadd.s32 $0xFFFFFFFF  }
0xb5: {  	_ =	strace $0x90000048  }
0xb6: {  	_ =	sfence  }
0xb7: {  	s30 =	sld [smem:$0x0];
	_ =	sdelay $0x2  }
0xb8: {  	s31 =	sshll.u32 s1, $0xD;
	s1 =	sshrl.u32 s1, $0x2  }
0xb9: {  	s3 =	sand.u32 $0x4000, s31;
	s1 =	sadd.s32 s1, s30  }
0xba: {  	s0 =	sor.u32 s3, s0;
	s1 =	sshll.u32 s1, $0x11  }
0xbb: {  	s0 =	sor.u32 s1, s0  }
0xbc: {  	s0 =	sadd.s32 $0x8F2B, s0  }
0xbd: {  	[sflag:s0] =	ssyncadd.remote.s32 $0x1  }
0xbe: {  	_ =	sfence.sel $0xFFFF  }
0xbf: {  	[dreg:$0x0] =	wrdreg $0xFFFFFFFF;
	(pc) =	sbr.abs _section_cstart, $3  }
0xc0: {  	[dreg:$0x1] =	wrdreg $0xFFFFFFFF  }
0xc1: {  	_ =	task.clear_ibuf [dreg:s6], $0x2FFFF;
	_ =	strace $0x9FFFFFFF  }
0xc2: {  	(tm) =	ssettm $0x7FFFFFFF  }
0xc3: {  	_ =	shalt  }
tec
execute0_lowered:
.L_overlay_start_1:
0x0: {  	(tag) =	ssettag $0x1  }
0x1: {  	s6 =	rddreg [dreg:$0x0]  }
0x2: {  	s0 =	srdreg.scid;
	s2 =	rddreg [dreg:$0x1]  }
0x3: {  	s3 =	simm.s32 $0x0;
	s14 =	simm.s32 $0x80;
	s15 =	simm.s32 $0x9D00  }
0x4: {  	s16 =	simm.s32 $0x1;
	s5 =	sand.u32 $0x1, s0;
	s0 =	stileid.u32  }
0x5: {  	s17 =	simm.s32 $0x0;
	[smem:$0x7FF] =	sst s3;
	s8 =	smul.u32 $0x9E00, s0  }
0x6: {  	s4 =	sadd.s32 $0x4E00, s6;
	s1 =	sshll.u32 s5, $0x4;
	s9 =	smul.u32 $0x9E000, s5  }
0x7: {  	s5 =	ssub.s32 $0x2, s5;
	s12 =	sshll.u32 s0, $0x6;
	s1 =	sor.u32 s0, s1  }
0x8: {  	s11 =	sshrl.u32 s5, $0x1;
	s12 =	sor.u32 $0x1C02, s12;
	s7 =	smul.u32 $0x9D0, s1  }
0x9: {  	s1 =	rddreg [dreg:$0x2];
	_ =	strace $0x80000047;
	s9 =	sadd.s32 s8, s9  }
0xa: {  	s10 =	sshrl.u32 s8, $0x3;
	s11 =	ssub.s32 s5, s11;
	s13 =	sadd.s32 s8, s2  }
0xb: {  	s9 =	sshrl.u32 s9, $0x3;
	s10 =	sadd.s32 s10, s6;
	s7 =	sadd.s32 s7, s6  }
0xc: {  	s13 =	sshrl.u32 s13, $0x3;
	s9 =	sadd.s32 s9, s6;
	s5 =	sadd.s32 $0x2C200, s7  }
0xd: {  	s6 =	sadd.s32 $0x18800, s7;
	s7 =	sadd.s32 $0x3FC00, s10;
	s8 =	sadd.s32 $0x53800, s9  }
0xe: {  	s9 =	smax.u32 s11, $0x1;
	s10 =	simm.s32 $0x2;
	s11 =	simm.s32 $0x4E80  }
.LBB2_1:
0xf: {  	[tilespmem:s3], [sflag:$0x2] =	stream.linear.gather [hbm4b:s5+s3], $0x4E80, $0x38;
	[tilespmem:$0x15B00] =	vst v63  }
0x10: {  	_ =	swait.ge [sflag:s10], $0x4E80  }
0x11: {  	[sflag:s10] =	ssyncset.done $0x0  }
0x12: {  	[sflag:s10] =	ssyncadd.s32 $0xFFFFB180  }
0x13: {  	[tilespmem:s11], [sflag:$0x2] =	stream.linear.gather [hbm4b:s6+s3], $0x4E80, $0x38;
	[tilespmem:$0x15B00] =	vst v63  }
0x14: {  	_ =	swait.ge [sflag:s10], $0x4E80  }
0x15: {  	[sflag:s10] =	ssyncset.done $0x0  }
0x16: {  	[sflag:s10] =	ssyncadd.s32 $0xFFFFB180  }
0x17: {  	[spmem:s13], [sflag:s12] =	dma.local [hbm:s7], $0x13C0  }
0x18: {  	_ =	swait.ge [sflag:s10], $0x13C0  }
0x19: {  	[sflag:s10] =	ssyncset.done $0x0  }
0x1a: {  	[sflag:s10] =	ssyncadd.s32 $0xFFFFEC40  }
0x1b: {  	s18 =	simm.s32 $0x0;
	[bflag:$0x0] =	sbarrier.arrive $0xFFFF  }
0x1c: {  	[tilespmem:s15], [sflag:$0x1] =	stream.indirect.gather [hbm4b:s4+s14], $0x40, s18, s14, $0xb8;
	[tilespmem:$0x15B00] =	vst v63  }
0x1d: {  	_ =	swait.ge [sflag:s16], $0x2000  }
0x1e: {  	[sflag:s16] =	ssyncset.done $0x0  }
0x1f: {  	s31 =	simm.s32 $0x4E80;
	[sflag:s16] =	ssyncadd.s32 $0xFFFFE000  }
0x20: {  	[spmem:s2] =	stream.indirect.scatter.add.f32 [tilespmem:s15], [sflag:$0x2], $0x40, s31, s14, $0xb8;
	[tilespmem:$0x15B00] =	vst v63  }
0x21: {  	_ =	swait.ge [sflag:s10], $0x2000  }
0x22: {  	s19 =	simm.s32 $0x400;
	s18 =	simm.s32 $0x200;
	[sflag:s10] =	ssyncset.done $0x0  }
.LBB2_2:
0x23: {  	s20 =	sshra.s32 s18, $0x2  }
0x24: {  	[sflag:s10] =	ssyncadd.s32 $0xFFFFE000;
	s18 =	smov.u32 s19;
	s21 =	sadd.s32 $0x200, s19  }
0x25: {  	[tilespmem:s15], [sflag:$0x1] =	stream.indirect.gather [hbm4b:s4+s14], $0x40, s20, s14, $0xb8;
	[tilespmem:$0x15B00] =	vst v63  }
0x26: {  	p0 =	sne.s32 s19, $0x13800;
	_ =	swait.ge [sflag:s16], $0x2000  }
.Ltmp0:
0x27: {  	[sflag:s16] =	ssyncset.done $0x0;
	(pc) =	sbr.rel @p0 .LBB2_2-.Ltmp0, $4  }
0x28: {  	s19 =	sadd.s32 $0x4E80, s20;
	[sflag:s16] =	ssyncadd.s32 $0xFFFFE000  }
0x29: {  	[spmem:s2] =	stream.indirect.scatter.add.f32 [tilespmem:s15], [sflag:$0x2], $0x40, s19, s14, $0xb8;
	[tilespmem:$0x15B00] =	vst v63  }
0x2a: {  	_ =	swait.ge [sflag:s10], $0x2000  }
0x2b: {  	s19 =	smov.u32 s21;
	[sflag:s10] =	ssyncset.done $0x0  }
0x2c: {  	s18 =	sshra.s32 s18, $0x2;
	[sflag:s10] =	ssyncadd.s32 $0xFFFFE000  }
0x2d: {  	[tilespmem:s15], [sflag:$0x1] =	stream.indirect.gather [hbm4b:s4+s14], $0x40, s18, s14, $0xb8;
	[tilespmem:$0x15B00] =	vst v63  }
0x2e: {  	_ =	swait.ge [sflag:s16], $0x2000  }
0x2f: {  	[sflag:s16] =	ssyncset.done $0x0  }
0x30: {  	s18 =	sadd.s32 $0x4E80, s18;
	[sflag:s16] =	ssyncadd.s32 $0xFFFFE000  }
0x31: {  	[spmem:s2] =	stream.indirect.scatter.add.f32 [tilespmem:s15], [sflag:$0x2], $0x40, s18, s14, $0xb8;
	[tilespmem:$0x15B00] =	vst v63  }
0x32: {  	_ =	swait.ge [sflag:s10], $0x2000  }
0x33: {  	s17 =	sadd.s32 $0x1, s17;
	[sflag:s10] =	ssyncset.done $0x0  }
0x34: {  	p0 =	sne.s32 s17, s9;
	[sflag:s10] =	ssyncadd.s32 $0xFFFFE000  }
.Ltmp1:
0x35: {  	[bflag:$0x0] =	sbarrier.arrive $0xFFFF;
	(pc) =	sbr.rel @p0 .LBB2_1-.Ltmp1, $4  }
0x36: {  	[hbm:s8], [sflag:s12] =	dma.local [spmem:s13], $0x13C0  }
0x37: {  	_ =	swait.ge [sflag:s10], $0x13C0  }
0x38: {  	[sflag:s10] =	ssyncset.done $0x0  }
0x39: {  	[sflag:s10] =	ssyncadd.s32 $0xFFFFEC40  }
0x3a: {  	_ =	sfence.sel $0x180000  }
0x3b: {  	[bflag:$0x0] =	sbarrier.arrive $0xFFFF  }
0x3c: {  	p0 =	sne.s32 s0, $0x0;
	_ =	strace $0x90000047  }
0x3d: {  	s0 =	sadd.s32 @!p0 $0x100000, s1;
	[bflag:$0x2] =	sbarrier.arrive $0xFFFF  }
0x3e: {  	[sflag:s0] =	ssyncadd.tile.s32 @!p0 $0x1;
	_ =	shalt  }
.Lfunc_end2:
_tile_overlayer_lowered:
.L_overlay_start_2:
0x3f: {  	(tag) =	ssettag $0x2  }
0x40: {  	s0 =	rddreg [dreg:$0x0];
	s2 =	stileid.u32  }
0x41: {  	s1 =	rddreg [dreg:$0x1];
	p0 =	sne.s32 s2, $0x0  }
0x42: {  	s3 =	rddreg [dreg:$0x2];
	[bflag:$0x3] =	sbarrier.arrive $0xFFFF;
	s2 =	simm.s32 @!p0 $0x1C02  }
0x43: {  	[timem:s3], [sflag:s2] =	dma.local @!p0 [hbm:s0], s1  }
0x44: {  	s0 =	simm.s32 @!p0 $0x2  }
0x45: {  	_ =	swait.ge @!p0 [sflag:s0], s1  }
0x46: {  	s1 =	ssub.s32 @!p0 $0x0, s1;
	[sflag:s0] =	ssyncset.done @!p0 $0x0  }
0x47: {  	[sflag:s0] =	ssyncadd.s32 @!p0 s1  }
0x48: {  	[bflag:$0x3] =	sbarrier.arrive $0xFFFF  }
0x49: {  	_ =	shalt  }

// kernel: kernel.15.cloned.1.call-start
scs
__scs_entry_jumppad:
0x0: {  	(pc) =	sbr.rel $0x88, $3  }
0x1: {  	(tag) =	ssettag $0x0;
	lr =	simm.s32 $0x1  }
0x2: {  	[smem:$0x3F81] =	sst lr;
	_ =	strace $0xD0000000  }
0x3: {  	_ = 	snop  }
0x4: {  	_ = 	snop  }
0x5: {  	_ = 	snop  }
0x6: {  	_ = 	snop  }
0x7: {  	_ = 	snop  }
__scs_overlays_trampoline_lowered:
0x8: {  	[smem:$0x3F90] =	sst s0  }
0x9: {  	[smem:$0x3F91] =	sst s1  }
0xa: {  	[smem:$0x3F92] =	sst s2  }
0xb: {  	[smem:$0x3F93] =	sst s3  }
0xc: {  	[smem:$0x3F94] =	sst s4  }
0xd: {  	[smem:$0x3F95] =	sst s5  }
0xe: {  	[smem:$0x3F96] =	sst s6  }
0xf: {  	[smem:$0x3F97] =	sst s7  }
0x10: {  	[smem:$0x3F98] =	sst s8  }
0x11: {  	[smem:$0x3F99] =	sst s9;
	s0 =	simm.s32 @!p0 $0x0  }
0x12: {  	s1 =	sld [smem:$0x3F7F];
	s0 =	simm.s32 @p0 $0x1  }
0x13: {  	[smem:$0x3F9A] =	sst s0;
	s0 =	simm.s32 @!p1 $0x0  }
0x14: {  	s2 =	sld [smem:$0x3F7E];
	s0 =	simm.s32 @p1 $0x1  }
0x15: {  	[smem:$0x3F9B] =	sst s0;
	s0 =	simm.s32 @!p2 $0x0  }
0x16: {  	s3 =	sld [smem:$0x3FDB];
	s0 =	simm.s32 @p2 $0x1  }
0x17: {  	s4 =	simm.s32 $0x1BF5;
	[smem:$0x3F9D] =	sst s0  }
0x18: {  	s0 =	sld [smem:$0x3F80];
	_ =	swait.ge [sflag:s4], $0x0  }
0x19: {  	s7 =	sld [smem:$0x3F81]  }
0x1a: {  	s8 =	sadd.s32 $0xFFFFE003, lr  }
0x1b: {  	s9 =	sadd.s32 $0xFFFFFEF7, lr;
	s5 =	simm.s32 $0xFFFFFFFF;
	p2 =	slt.u32 s8, $0xFFFFF086  }
0x1c: {  	p1 =	slt.u32 s9, $0xF7A;
	s5 =	simm.s32 @!p2 $0x0  }
0x1d: {  	s5 =	simm.s32 @p1 $0x1;
	p0 =	seq.s32 s7, s2  }
0x1e: {  	s7 =	smul.u32 @!p0 $0xF7A, s2;
	p2 =	seq.s32 @!p0 s5, $0x0  }
0x1f: {  	s9 =	smul.u32 $0xF7A, s1;
	s8 =	simm.s32 @!p0 $0x1BF5;
	p2 =	por !p2, p0  }
0x20: {  	[sflag:s8] =	ssyncset.s32 @!p0 $0xFFFFF086;
	s6 =	sadd.s32 @!p0 s3, s7;
	s7 =	simm.s32 @!p0 $0x108  }
0x21: {  	s3 =	sadd.s32 s3, s9;
	s6 =	sadd.s32 @!p0 $0x88, s6;
	s7 =	simm.s32 @p2 $0x1082  }
0x22: {  	[simem:s7], [sflag:s8] =	dma.local @!p0 [hbm:s6], $0xF7A  }
0x23: {  	s9 =	sor.u32 $0xD0000000, s2;
	s6 =	simm.s32 $0x108;
	_ =	swait.ge @!p0 [sflag:s8], $0x0  }
0x24: {  	s3 =	sadd.s32 $0x88, s3;
	s6 =	simm.s32 @!p1 $0x1082;
	[sflag:s4] =	ssyncset.s32 $0xFFFFF086  }
0x25: {  	[simem:s6], [sflag:s4] =	dma.local [hbm:s3], $0xF7A  }
0x26: {  	[smem:$0x3F81] =	sst s1;
	(tag) =	ssettag s2;
	_ =	strace s9  }
0x27: {  	s1 =	sld [smem:$0x3F91]  }
0x28: {  	s2 =	sld [smem:$0x3F92]  }
0x29: {  	s4 =	sld [smem:$0x3F94]  }
0x2a: {  	p0 =	seq.s32 s5, $0x0;
	s5 =	sld [smem:$0x3F95]  }
0x2b: {  	s6 =	sld [smem:$0x3F96]  }
0x2c: {  	s7 =	sld [smem:$0x3F97]  }
0x2d: {  	s3 =	simm.s32 $0x108;
	s8 =	sld [smem:$0x3F98]  }
0x2e: {  	s3 =	simm.s32 @!p0 $0x1082;
	s9 =	sld [smem:$0x3F99]  }
0x2f: {  	lr =	sadd.s32 s0, s3;
	s0 =	sld [smem:$0x3F90]  }
0x30: {  	s3 =	sld [smem:$0x3F93]  }
0x31: {  	[smem:$0x3F9C] =	sst s10  }
0x32: {  	s10 =	sld [smem:$0x3F9A];
	_ =	sdelay $0x3  }
0x33: {  	p0 =	seq.s32 s10, $0x1;
	s10 =	sld [smem:$0x3F9C];
	_ =	sdelay $0x3  }
0x34: {  	[smem:$0x3F9C] =	sst s10  }
0x35: {  	s10 =	sld [smem:$0x3F9B];
	_ =	sdelay $0x3  }
0x36: {  	p1 =	seq.s32 s10, $0x1;
	s10 =	sld [smem:$0x3F9C];
	_ =	sdelay $0x3  }
0x37: {  	[smem:$0x3F9C] =	sst s10  }
0x38: {  	s10 =	sld [smem:$0x3F9D]  }
0x39: {  	_ = 	snop;
	(pc) =	sbr.ind lr, $3  }
0x3a: {  	_ = 	snop  }
0x3b: {  	_ = 	snop  }
0x3c: {  	p2 =	seq.s32 s10, $0x1;
	s10 =	sld [smem:$0x3F9C]  }
0x3d: {  	_ =	shalt  }
0x3e: {  	_ =	shalt  }
0x3f: {  	_ =	shalt  }
0x40: {  	_ =	shalt  }
0x41: {  	_ =	shalt  }
0x42: {  	_ =	shalt  }
0x43: {  	_ =	shalt  }
0x44: {  	_ =	shalt  }
0x45: {  	_ =	shalt  }
0x46: {  	_ =	shalt  }
0x47: {  	_ =	shalt  }
0x48: {  	_ =	shalt  }
0x49: {  	_ =	shalt  }
0x4a: {  	_ =	shalt  }
0x4b: {  	_ =	shalt  }
0x4c: {  	_ =	shalt  }
0x4d: {  	_ =	shalt  }
0x4e: {  	_ =	shalt  }
0x4f: {  	_ =	shalt  }
0x50: {  	_ =	shalt  }
0x51: {  	_ =	shalt  }
0x52: {  	_ =	shalt  }
0x53: {  	_ =	shalt  }
0x54: {  	_ =	shalt  }
0x55: {  	_ =	shalt  }
0x56: {  	_ =	shalt  }
0x57: {  	_ =	shalt  }
0x58: {  	_ =	shalt  }
0x59: {  	_ =	shalt  }
0x5a: {  	_ =	shalt  }
0x5b: {  	_ =	shalt  }
0x5c: {  	_ =	shalt  }
0x5d: {  	_ =	shalt  }
0x5e: {  	_ =	shalt  }
0x5f: {  	_ =	shalt  }
0x60: {  	_ =	shalt  }
0x61: {  	_ =	shalt  }
0x62: {  	_ =	shalt  }
0x63: {  	_ =	shalt  }
0x64: {  	_ =	shalt  }
0x65: {  	_ =	shalt  }
0x66: {  	_ =	shalt  }
0x67: {  	_ =	shalt  }
0x68: {  	_ =	shalt  }
0x69: {  	_ =	shalt  }
0x6a: {  	_ =	shalt  }
0x6b: {  	_ =	shalt  }
0x6c: {  	_ =	shalt  }
0x6d: {  	_ =	shalt  }
0x6e: {  	_ =	shalt  }
0x6f: {  	_ =	shalt  }
0x70: {  	_ =	shalt  }
0x71: {  	_ =	shalt  }
0x72: {  	_ =	shalt  }
0x73: {  	_ =	shalt  }
0x74: {  	_ =	shalt  }
0x75: {  	_ =	shalt  }
0x76: {  	_ =	shalt  }
0x77: {  	_ =	shalt  }
0x78: {  	_ =	shalt  }
0x79: {  	_ =	shalt  }
0x7a: {  	_ =	shalt  }
0x7b: {  	_ =	shalt  }
0x7c: {  	_ =	shalt  }
0x7d: {  	_ =	shalt  }
0x7e: {  	_ =	shalt  }
0x7f: {  	_ =	shalt  }
0x80: {  	_ =	shalt  }
0x81: {  	_ =	shalt  }
0x82: {  	_ =	shalt  }
0x83: {  	_ =	shalt  }
0x84: {  	_ =	shalt  }
0x85: {  	_ =	shalt  }
0x86: {  	_ =	shalt  }
0x87: {  	_ =	shalt  }
.Lfunc_end0:
.L_simem_size_0:
called_computation.1_lowered:
.L_overlay_start_0:
0x88: {  	s2 =	sld [smem:$0x3FD9]  }
0x89: {  	s3 =	sld [smem:$0x3FFE];
	_ =	sdelay $0x1  }
0x8a: {  	s1 =	srdreg.scid  }
0x8b: {  	s0 =	sand.u32 $0x1, s1  }
0x8c: {  	s16 =	sshll.u32 s0, $0xA;
	s2 =	sadd.s32 s3, s2  }
0x8d: {  	s2 =	sadd.s32 s2, s16  }
0x8e: {  	[smem:$0x3FA8] =	sst s2  }
0x8f: {  	_ = 	snop  }
0x90: {  	(tm) =	ssettm $0x1  }
0x91: {  	s17 =	sld [smem:$0x3FFB];
	_ =	sdelay $0x3  }
0x92: {  	_ =	strace s17  }
0x93: {  	s2 =	sld [smem:$0x3FFC];
	_ =	sdelay $0x3  }
0x94: {  	_ =	strace s2  }
0x95: {  	s2 =	sld [smem:$0x3FFD];
	_ =	sdelay $0x3  }
0x96: {  	_ =	strace s2  }
0x97: {  	_ =	strace $0x8FFFFFFF  }
0x98: {  	s18 =	sld [smem:$0x3FDB];
	_ =	sdelay $0x1  }
0x99: {  	s19 =	simm.s32 $_scs_section_size  }
0x9a: {  	s4 =	simm.s32 $_size__tile_overlayer_lowered;
	s5 =	simm.s32 $_tile_overlayer_lowered  }
0x9b: {  	s22 =	simm.s32 $0x1BFF;
	s21 =	sshll.u32 s5, $0x1;
	s2 =	sadd.s32 s19, s18  }
0x9c: {  	s6 =	simm.s32 $0x0;
	s20 =	sshll.u32 s4, $0x1;
	s4 =	sadd.s32 s21, s2  }
0x9d: {  	[timem:s6], [sflag:s22] =	dma.local [hbm:s4], s20  }
0x9e: {  	_ =	swait.ge [sflag:s22], s20  }
0x9f: {  	s3 =	ssub.s32 $0x0, s20;
	[sflag:s22] =	ssyncset.done $0x0  }
0xa0: {  	[sflag:s22] =	ssyncadd.s32 s3;
	_ =	sdelay $0x1  }
0xa1: {  	s23 =	simm.s32 $0x1B8B  }
0xa2: {  	_ =	swait.ge [sflag:s23], $0x1  }
0xa3: {  	[sflag:s23] =	ssyncset.done $0x0  }
0xa4: {  	s25 =	simm.s32 $0x1B8E;
	s24 =	sld [smem:$0x3FFE];
	[sflag:s23] =	ssyncadd.s32 $0xFFFFFFFF  }
0xa5: {  	s26 =	simm.s32 $execute0_lowered;
	[smem:$0x3FD2] =	sst s25  }
0xa6: {  	s4 =	sshll.u32 s26, $0x1;
	_ =	strace $0x80000049;
	[dreg:$0x1] =	wrdreg $0xFFFFFFFF  }
0xa7: {  	s28 =	simm.s32 $_size_execute0_lowered;
	s2 =	sadd.s32 s2, s4;
	[dreg:$0x0] =	wrdreg $0x0  }
0xa8: {  	s4 =	sshll.u32 s28, $0x1;
	[dreg:$0x2] =	wrdreg s2  }
0xa9: {  	[dreg:$0x3] =	wrdreg s4  }
0xaa: {  	[dreg:$0x4] =	wrdreg $0xC0  }
0xab: {  	_ =	task [dreg:s6], $0x5FFFF  }
0xac: {  	[dreg:$0x1] =	wrdreg $0xFFFFFFFF  }
0xad: {  	[dreg:$0x0] =	wrdreg $0x60  }
0xae: {  	[dreg:$0x2] =	wrdreg s24  }
0xaf: {  	[dreg:$0x3] =	wrdreg $0xBD000  }
0xb0: {  	[dreg:$0x4] =	wrdreg $0x9  }
0xb1: {  	_ =	task.clear_ibuf [dreg:s6], $0x5FFFF;
	_ =	strace $0x90000049  }
0xb2: {  	s29 =	simm.s32 $0x9;
	_ =	strace $0x8000004B  }
0xb3: {  	_ =	swait.ge [sflag:s29], $0x1  }
0xb4: {  	[sflag:s29] =	ssyncadd.s32 $0xFFFFFFFF  }
0xb5: {  	_ =	strace $0x9000004B  }
0xb6: {  	_ =	sfence  }
0xb7: {  	s30 =	sld [smem:$0x0];
	_ =	sdelay $0x2  }
0xb8: {  	s31 =	sshll.u32 s1, $0xD;
	s1 =	sshrl.u32 s1, $0x2  }
0xb9: {  	s3 =	sand.u32 $0x4000, s31;
	s1 =	sadd.s32 s1, s30  }
0xba: {  	s0 =	sor.u32 s3, s0;
	s1 =	sshll.u32 s1, $0x11  }
0xbb: {  	s0 =	sor.u32 s1, s0  }
0xbc: {  	s0 =	sadd.s32 $0x8F2B, s0  }
0xbd: {  	[sflag:s0] =	ssyncadd.remote.s32 $0x1  }
0xbe: {  	_ =	sfence.sel $0xFFFF  }
0xbf: {  	[dreg:$0x0] =	wrdreg $0xFFFFFFFF;
	(pc) =	sbr.abs _section_cstart, $3  }
0xc0: {  	[dreg:$0x1] =	wrdreg $0xFFFFFFFF  }
0xc1: {  	_ =	task.clear_ibuf [dreg:s6], $0x2FFFF;
	_ =	strace $0x9FFFFFFF  }
0xc2: {  	(tm) =	ssettm $0x7FFFFFFF  }
0xc3: {  	_ =	shalt  }
tec
execute0_lowered:
.L_overlay_start_1:
0x0: {  	(tag) =	ssettag $0x1  }
0x1: {  	s6 =	rddreg [dreg:$0x0]  }
0x2: {  	s0 =	srdreg.scid;
	s2 =	rddreg [dreg:$0x1]  }
0x3: {  	s3 =	simm.s32 $0x0;
	s14 =	simm.s32 $0x80;
	s15 =	simm.s32 $0x9D00  }
0x4: {  	s16 =	simm.s32 $0x1;
	s5 =	sand.u32 $0x1, s0;
	s0 =	stileid.u32  }
0x5: {  	s17 =	simm.s32 $0x0;
	[smem:$0x7FF] =	sst s3;
	s8 =	smul.u32 $0x9E00, s0  }
0x6: {  	s4 =	sadd.s32 $0x4E00, s6;
	s1 =	sshll.u32 s5, $0x4;
	s9 =	smul.u32 $0x9E000, s5  }
0x7: {  	s5 =	ssub.s32 $0x2, s5;
	s12 =	sshll.u32 s0, $0x6;
	s1 =	sor.u32 s0, s1  }
0x8: {  	s11 =	sshrl.u32 s5, $0x1;
	s12 =	sor.u32 $0x1C02, s12;
	s7 =	smul.u32 $0x9D0, s1  }
0x9: {  	s1 =	rddreg [dreg:$0x2];
	_ =	strace $0x8000004A;
	s9 =	sadd.s32 s8, s9  }
0xa: {  	s10 =	sshrl.u32 s8, $0x3;
	s11 =	ssub.s32 s5, s11;
	s13 =	sadd.s32 s8, s2  }
0xb: {  	s9 =	sshrl.u32 s9, $0x3;
	s10 =	sadd.s32 s10, s6;
	s7 =	sadd.s32 s7, s6  }
0xc: {  	s13 =	sshrl.u32 s13, $0x3;
	s9 =	sadd.s32 s9, s6;
	s5 =	sadd.s32 $0x2C200, s7  }
0xd: {  	s6 =	sadd.s32 $0x18800, s7;
	s7 =	sadd.s32 $0x3FC00, s10;
	s8 =	sadd.s32 $0x53800, s9  }
0xe: {  	s9 =	smax.u32 s11, $0x1;
	s10 =	simm.s32 $0x2;
	s11 =	simm.s32 $0x4E80  }
.LBB2_1:
0xf: {  	[tilespmem:s3], [sflag:$0x2] =	stream.linear.gather [hbm4b:s5+s3], $0x4E80, $0x38;
	[tilespmem:$0x15B00] =	vst v63  }
0x10: {  	_ =	swait.ge [sflag:s10], $0x4E80  }
0x11: {  	[sflag:s10] =	ssyncset.done $0x0  }
0x12: {  	[sflag:s10] =	ssyncadd.s32 $0xFFFFB180  }
0x13: {  	[tilespmem:s11], [sflag:$0x2] =	stream.linear.gather [hbm4b:s6+s3], $0x4E80, $0x38;
	[tilespmem:$0x15B00] =	vst v63  }
0x14: {  	_ =	swait.ge [sflag:s10], $0x4E80  }
0x15: {  	[sflag:s10] =	ssyncset.done $0x0  }
0x16: {  	[sflag:s10] =	ssyncadd.s32 $0xFFFFB180  }
0x17: {  	[spmem:s13], [sflag:s12] =	dma.local [hbm:s7], $0x13C0  }
0x18: {  	_ =	swait.ge [sflag:s10], $0x13C0  }
0x19: {  	[sflag:s10] =	ssyncset.done $0x0  }
0x1a: {  	[sflag:s10] =	ssyncadd.s32 $0xFFFFEC40  }
0x1b: {  	s18 =	simm.s32 $0x0;
	[bflag:$0x0] =	sbarrier.arrive $0xFFFF  }
0x1c: {  	[tilespmem:s15], [sflag:$0x1] =	stream.indirect.gather [hbm4b:s4+s14], $0x40, s18, s14, $0xb8;
	[tilespmem:$0x15B00] =	vst v63  }
0x1d: {  	_ =	swait.ge [sflag:s16], $0x2000  }
0x1e: {  	[sflag:s16] =	ssyncset.done $0x0  }
0x1f: {  	s31 =	simm.s32 $0x4E80;
	[sflag:s16] =	ssyncadd.s32 $0xFFFFE000  }
0x20: {  	[spmem:s2] =	stream.indirect.scatter.add.f32 [tilespmem:s15], [sflag:$0x2], $0x40, s31, s14, $0xb8;
	[tilespmem:$0x15B00] =	vst v63  }
0x21: {  	_ =	swait.ge [sflag:s10], $0x2000  }
0x22: {  	s19 =	simm.s32 $0x400;
	s18 =	simm.s32 $0x200;
	[sflag:s10] =	ssyncset.done $0x0  }
.LBB2_2:
0x23: {  	s20 =	sshra.s32 s18, $0x2  }
0x24: {  	[sflag:s10] =	ssyncadd.s32 $0xFFFFE000;
	s18 =	smov.u32 s19;
	s21 =	sadd.s32 $0x200, s19  }
0x25: {  	[tilespmem:s15], [sflag:$0x1] =	stream.indirect.gather [hbm4b:s4+s14], $0x40, s20, s14, $0xb8;
	[tilespmem:$0x15B00] =	vst v63  }
0x26: {  	p0 =	sne.s32 s19, $0x13800;
	_ =	swait.ge [sflag:s16], $0x2000  }
.Ltmp0:
0x27: {  	[sflag:s16] =	ssyncset.done $0x0;
	(pc) =	sbr.rel @p0 .LBB2_2-.Ltmp0, $4  }
0x28: {  	s19 =	sadd.s32 $0x4E80, s20;
	[sflag:s16] =	ssyncadd.s32 $0xFFFFE000  }
0x29: {  	[spmem:s2] =	stream.indirect.scatter.add.f32 [tilespmem:s15], [sflag:$0x2], $0x40, s19, s14, $0xb8;
	[tilespmem:$0x15B00] =	vst v63  }
0x2a: {  	_ =	swait.ge [sflag:s10], $0x2000  }
0x2b: {  	s19 =	smov.u32 s21;
	[sflag:s10] =	ssyncset.done $0x0  }
0x2c: {  	s18 =	sshra.s32 s18, $0x2;
	[sflag:s10] =	ssyncadd.s32 $0xFFFFE000  }
0x2d: {  	[tilespmem:s15], [sflag:$0x1] =	stream.indirect.gather [hbm4b:s4+s14], $0x40, s18, s14, $0xb8;
	[tilespmem:$0x15B00] =	vst v63  }
0x2e: {  	_ =	swait.ge [sflag:s16], $0x2000  }
0x2f: {  	[sflag:s16] =	ssyncset.done $0x0  }
0x30: {  	s18 =	sadd.s32 $0x4E80, s18;
	[sflag:s16] =	ssyncadd.s32 $0xFFFFE000  }
0x31: {  	[spmem:s2] =	stream.indirect.scatter.add.f32 [tilespmem:s15], [sflag:$0x2], $0x40, s18, s14, $0xb8;
	[tilespmem:$0x15B00] =	vst v63  }
0x32: {  	_ =	swait.ge [sflag:s10], $0x2000  }
0x33: {  	s17 =	sadd.s32 $0x1, s17;
	[sflag:s10] =	ssyncset.done $0x0  }
0x34: {  	p0 =	sne.s32 s17, s9;
	[sflag:s10] =	ssyncadd.s32 $0xFFFFE000  }
.Ltmp1:
0x35: {  	[bflag:$0x0] =	sbarrier.arrive $0xFFFF;
	(pc) =	sbr.rel @p0 .LBB2_1-.Ltmp1, $4  }
0x36: {  	[hbm:s8], [sflag:s12] =	dma.local [spmem:s13], $0x13C0  }
0x37: {  	_ =	swait.ge [sflag:s10], $0x13C0  }
0x38: {  	[sflag:s10] =	ssyncset.done $0x0  }
0x39: {  	[sflag:s10] =	ssyncadd.s32 $0xFFFFEC40  }
0x3a: {  	_ =	sfence.sel $0x180000  }
0x3b: {  	[bflag:$0x0] =	sbarrier.arrive $0xFFFF  }
0x3c: {  	p0 =	sne.s32 s0, $0x0;
	_ =	strace $0x9000004A  }
0x3d: {  	s0 =	sadd.s32 @!p0 $0x100000, s1;
	[bflag:$0x2] =	sbarrier.arrive $0xFFFF  }
0x3e: {  	[sflag:s0] =	ssyncadd.tile.s32 @!p0 $0x1;
	_ =	shalt  }
.Lfunc_end2:
_tile_overlayer_lowered:
.L_overlay_start_2:
0x3f: {  	(tag) =	ssettag $0x2  }
0x40: {  	s0 =	rddreg [dreg:$0x0];
	s2 =	stileid.u32  }
0x41: {  	s1 =	rddreg [dreg:$0x1];
	p0 =	sne.s32 s2, $0x0  }
0x42: {  	s3 =	rddreg [dreg:$0x2];
	[bflag:$0x3] =	sbarrier.arrive $0xFFFF;
	s2 =	simm.s32 @!p0 $0x1C02  }
0x43: {  	[timem:s3], [sflag:s2] =	dma.local @!p0 [hbm:s0], s1  }
0x44: {  	s0 =	simm.s32 @!p0 $0x2  }
0x45: {  	_ =	swait.ge @!p0 [sflag:s0], s1  }
0x46: {  	s1 =	ssub.s32 @!p0 $0x0, s1;
	[sflag:s0] =	ssyncset.done @!p0 $0x0  }
0x47: {  	[sflag:s0] =	ssyncadd.s32 @!p0 s1  }
0x48: {  	[bflag:$0x3] =	sbarrier.arrive $0xFFFF  }
0x49: {  	_ =	shalt  }

// kernel: kernel.18.cloned.1.call-start
scs
__scs_entry_jumppad:
0x0: {  	(pc) =	sbr.rel $0x88, $3  }
0x1: {  	(tag) =	ssettag $0x0;
	lr =	simm.s32 $0x1  }
0x2: {  	[smem:$0x3F81] =	sst lr;
	_ =	strace $0xD0000000  }
0x3: {  	_ = 	snop  }
0x4: {  	_ = 	snop  }
0x5: {  	_ = 	snop  }
0x6: {  	_ = 	snop  }
0x7: {  	_ = 	snop  }
__scs_overlays_trampoline_lowered:
0x8: {  	[smem:$0x3F90] =	sst s0  }
0x9: {  	[smem:$0x3F91] =	sst s1  }
0xa: {  	[smem:$0x3F92] =	sst s2  }
0xb: {  	[smem:$0x3F93] =	sst s3  }
0xc: {  	[smem:$0x3F94] =	sst s4  }
0xd: {  	[smem:$0x3F95] =	sst s5  }
0xe: {  	[smem:$0x3F96] =	sst s6  }
0xf: {  	[smem:$0x3F97] =	sst s7  }
0x10: {  	[smem:$0x3F98] =	sst s8  }
0x11: {  	[smem:$0x3F99] =	sst s9;
	s0 =	simm.s32 @!p0 $0x0  }
0x12: {  	s1 =	sld [smem:$0x3F7F];
	s0 =	simm.s32 @p0 $0x1  }
0x13: {  	[smem:$0x3F9A] =	sst s0;
	s0 =	simm.s32 @!p1 $0x0  }
0x14: {  	s2 =	sld [smem:$0x3F7E];
	s0 =	simm.s32 @p1 $0x1  }
0x15: {  	[smem:$0x3F9B] =	sst s0;
	s0 =	simm.s32 @!p2 $0x0  }
0x16: {  	s3 =	sld [smem:$0x3FDB];
	s0 =	simm.s32 @p2 $0x1  }
0x17: {  	s4 =	simm.s32 $0x1BF5;
	[smem:$0x3F9D] =	sst s0  }
0x18: {  	s0 =	sld [smem:$0x3F80];
	_ =	swait.ge [sflag:s4], $0x0  }
0x19: {  	s7 =	sld [smem:$0x3F81]  }
0x1a: {  	s8 =	sadd.s32 $0xFFFFE003, lr  }
0x1b: {  	s9 =	sadd.s32 $0xFFFFFEF7, lr;
	s5 =	simm.s32 $0xFFFFFFFF;
	p2 =	slt.u32 s8, $0xFFFFF086  }
0x1c: {  	p1 =	slt.u32 s9, $0xF7A;
	s5 =	simm.s32 @!p2 $0x0  }
0x1d: {  	s5 =	simm.s32 @p1 $0x1;
	p0 =	seq.s32 s7, s2  }
0x1e: {  	s7 =	smul.u32 @!p0 $0xF7A, s2;
	p2 =	seq.s32 @!p0 s5, $0x0  }
0x1f: {  	s9 =	smul.u32 $0xF7A, s1;
	s8 =	simm.s32 @!p0 $0x1BF5;
	p2 =	por !p2, p0  }
0x20: {  	[sflag:s8] =	ssyncset.s32 @!p0 $0xFFFFF086;
	s6 =	sadd.s32 @!p0 s3, s7;
	s7 =	simm.s32 @!p0 $0x108  }
0x21: {  	s3 =	sadd.s32 s3, s9;
	s6 =	sadd.s32 @!p0 $0x88, s6;
	s7 =	simm.s32 @p2 $0x1082  }
0x22: {  	[simem:s7], [sflag:s8] =	dma.local @!p0 [hbm:s6], $0xF7A  }
0x23: {  	s9 =	sor.u32 $0xD0000000, s2;
	s6 =	simm.s32 $0x108;
	_ =	swait.ge @!p0 [sflag:s8], $0x0  }
0x24: {  	s3 =	sadd.s32 $0x88, s3;
	s6 =	simm.s32 @!p1 $0x1082;
	[sflag:s4] =	ssyncset.s32 $0xFFFFF086  }
0x25: {  	[simem:s6], [sflag:s4] =	dma.local [hbm:s3], $0xF7A  }
0x26: {  	[smem:$0x3F81] =	sst s1;
	(tag) =	ssettag s2;
	_ =	strace s9  }
0x27: {  	s1 =	sld [smem:$0x3F91]  }
0x28: {  	s2 =	sld [smem:$0x3F92]  }
0x29: {  	s4 =	sld [smem:$0x3F94]  }
0x2a: {  	p0 =	seq.s32 s5, $0x0;
	s5 =	sld [smem:$0x3F95]  }
0x2b: {  	s6 =	sld [smem:$0x3F96]  }
0x2c: {  	s7 =	sld [smem:$0x3F97]  }
0x2d: {  	s3 =	simm.s32 $0x108;
	s8 =	sld [smem:$0x3F98]  }
0x2e: {  	s3 =	simm.s32 @!p0 $0x1082;
	s9 =	sld [smem:$0x3F99]  }
0x2f: {  	lr =	sadd.s32 s0, s3;
	s0 =	sld [smem:$0x3F90]  }
0x30: {  	s3 =	sld [smem:$0x3F93]  }
0x31: {  	[smem:$0x3F9C] =	sst s10  }
0x32: {  	s10 =	sld [smem:$0x3F9A];
	_ =	sdelay $0x3  }
0x33: {  	p0 =	seq.s32 s10, $0x1;
	s10 =	sld [smem:$0x3F9C];
	_ =	sdelay $0x3  }
0x34: {  	[smem:$0x3F9C] =	sst s10  }
0x35: {  	s10 =	sld [smem:$0x3F9B];
	_ =	sdelay $0x3  }
0x36: {  	p1 =	seq.s32 s10, $0x1;
	s10 =	sld [smem:$0x3F9C];
	_ =	sdelay $0x3  }
0x37: {  	[smem:$0x3F9C] =	sst s10  }
0x38: {  	s10 =	sld [smem:$0x3F9D]  }
0x39: {  	_ = 	snop;
	(pc) =	sbr.ind lr, $3  }
0x3a: {  	_ = 	snop  }
0x3b: {  	_ = 	snop  }
0x3c: {  	p2 =	seq.s32 s10, $0x1;
	s10 =	sld [smem:$0x3F9C]  }
0x3d: {  	_ =	shalt  }
0x3e: {  	_ =	shalt  }
0x3f: {  	_ =	shalt  }
0x40: {  	_ =	shalt  }
0x41: {  	_ =	shalt  }
0x42: {  	_ =	shalt  }
0x43: {  	_ =	shalt  }
0x44: {  	_ =	shalt  }
0x45: {  	_ =	shalt  }
0x46: {  	_ =	shalt  }
0x47: {  	_ =	shalt  }
0x48: {  	_ =	shalt  }
0x49: {  	_ =	shalt  }
0x4a: {  	_ =	shalt  }
0x4b: {  	_ =	shalt  }
0x4c: {  	_ =	shalt  }
0x4d: {  	_ =	shalt  }
0x4e: {  	_ =	shalt  }
0x4f: {  	_ =	shalt  }
0x50: {  	_ =	shalt  }
0x51: {  	_ =	shalt  }
0x52: {  	_ =	shalt  }
0x53: {  	_ =	shalt  }
0x54: {  	_ =	shalt  }
0x55: {  	_ =	shalt  }
0x56: {  	_ =	shalt  }
0x57: {  	_ =	shalt  }
0x58: {  	_ =	shalt  }
0x59: {  	_ =	shalt  }
0x5a: {  	_ =	shalt  }
0x5b: {  	_ =	shalt  }
0x5c: {  	_ =	shalt  }
0x5d: {  	_ =	shalt  }
0x5e: {  	_ =	shalt  }
0x5f: {  	_ =	shalt  }
0x60: {  	_ =	shalt  }
0x61: {  	_ =	shalt  }
0x62: {  	_ =	shalt  }
0x63: {  	_ =	shalt  }
0x64: {  	_ =	shalt  }
0x65: {  	_ =	shalt  }
0x66: {  	_ =	shalt  }
0x67: {  	_ =	shalt  }
0x68: {  	_ =	shalt  }
0x69: {  	_ =	shalt  }
0x6a: {  	_ =	shalt  }
0x6b: {  	_ =	shalt  }
0x6c: {  	_ =	shalt  }
0x6d: {  	_ =	shalt  }
0x6e: {  	_ =	shalt  }
0x6f: {  	_ =	shalt  }
0x70: {  	_ =	shalt  }
0x71: {  	_ =	shalt  }
0x72: {  	_ =	shalt  }
0x73: {  	_ =	shalt  }
0x74: {  	_ =	shalt  }
0x75: {  	_ =	shalt  }
0x76: {  	_ =	shalt  }
0x77: {  	_ =	shalt  }
0x78: {  	_ =	shalt  }
0x79: {  	_ =	shalt  }
0x7a: {  	_ =	shalt  }
0x7b: {  	_ =	shalt  }
0x7c: {  	_ =	shalt  }
0x7d: {  	_ =	shalt  }
0x7e: {  	_ =	shalt  }
0x7f: {  	_ =	shalt  }
0x80: {  	_ =	shalt  }
0x81: {  	_ =	shalt  }
0x82: {  	_ =	shalt  }
0x83: {  	_ =	shalt  }
0x84: {  	_ =	shalt  }
0x85: {  	_ =	shalt  }
0x86: {  	_ =	shalt  }
0x87: {  	_ =	shalt  }
.Lfunc_end0:
.L_simem_size_0:
called_computation.2_lowered:
.L_overlay_start_0:
0x88: {  	s2 =	sld [smem:$0x3FD9]  }
0x89: {  	s3 =	sld [smem:$0x3FFE];
	_ =	sdelay $0x1  }
0x8a: {  	s1 =	srdreg.scid  }
0x8b: {  	s0 =	sand.u32 $0x1, s1  }
0x8c: {  	s16 =	sshll.u32 s0, $0xA;
	s2 =	sadd.s32 s3, s2  }
0x8d: {  	s2 =	sadd.s32 s2, s16  }
0x8e: {  	[smem:$0x3FA8] =	sst s2  }
0x8f: {  	_ = 	snop  }
0x90: {  	(tm) =	ssettm $0x1  }
0x91: {  	s17 =	sld [smem:$0x3FFB];
	_ =	sdelay $0x3  }
0x92: {  	_ =	strace s17  }
0x93: {  	s2 =	sld [smem:$0x3FFC];
	_ =	sdelay $0x3  }
0x94: {  	_ =	strace s2  }
0x95: {  	s2 =	sld [smem:$0x3FFD];
	_ =	sdelay $0x3  }
0x96: {  	_ =	strace s2  }
0x97: {  	_ =	strace $0x8FFFFFFF  }
0x98: {  	s18 =	sld [smem:$0x3FDB];
	_ =	sdelay $0x1  }
0x99: {  	s19 =	simm.s32 $_scs_section_size  }
0x9a: {  	s4 =	simm.s32 $_size__tile_overlayer_lowered;
	s5 =	simm.s32 $_tile_overlayer_lowered  }
0x9b: {  	s22 =	simm.s32 $0x1BFF;
	s21 =	sshll.u32 s5, $0x1;
	s2 =	sadd.s32 s19, s18  }
0x9c: {  	s6 =	simm.s32 $0x0;
	s20 =	sshll.u32 s4, $0x1;
	s4 =	sadd.s32 s21, s2  }
0x9d: {  	[timem:s6], [sflag:s22] =	dma.local [hbm:s4], s20  }
0x9e: {  	_ =	swait.ge [sflag:s22], s20  }
0x9f: {  	s3 =	ssub.s32 $0x0, s20;
	[sflag:s22] =	ssyncset.done $0x0  }
0xa0: {  	[sflag:s22] =	ssyncadd.s32 s3;
	_ =	sdelay $0x1  }
0xa1: {  	s23 =	simm.s32 $0x1B8B  }
0xa2: {  	_ =	swait.ge [sflag:s23], $0x1  }
0xa3: {  	[sflag:s23] =	ssyncset.done $0x0  }
0xa4: {  	s25 =	simm.s32 $0x1B8E;
	s24 =	sld [smem:$0x3FFE];
	[sflag:s23] =	ssyncadd.s32 $0xFFFFFFFF  }
0xa5: {  	s26 =	simm.s32 $execute0_lowered;
	[smem:$0x3FD2] =	sst s25  }
0xa6: {  	s4 =	sshll.u32 s26, $0x1;
	_ =	strace $0x8000004C;
	[dreg:$0x1] =	wrdreg $0xFFFFFFFF  }
0xa7: {  	s28 =	simm.s32 $_size_execute0_lowered;
	s2 =	sadd.s32 s2, s4;
	[dreg:$0x0] =	wrdreg $0x0  }
0xa8: {  	s4 =	sshll.u32 s28, $0x1;
	[dreg:$0x2] =	wrdreg s2  }
0xa9: {  	[dreg:$0x3] =	wrdreg s4  }
0xaa: {  	[dreg:$0x4] =	wrdreg $0xC0  }
0xab: {  	_ =	task [dreg:s6], $0x5FFFF  }
0xac: {  	[dreg:$0x1] =	wrdreg $0xFFFFFFFF  }
0xad: {  	[dreg:$0x0] =	wrdreg $0x60  }
0xae: {  	[dreg:$0x2] =	wrdreg s24  }
0xaf: {  	[dreg:$0x3] =	wrdreg $0xBD000  }
0xb0: {  	[dreg:$0x4] =	wrdreg $0x9  }
0xb1: {  	_ =	task.clear_ibuf [dreg:s6], $0x5FFFF;
	_ =	strace $0x9000004C  }
0xb2: {  	s29 =	simm.s32 $0x9;
	_ =	strace $0x8000004E  }
0xb3: {  	_ =	swait.ge [sflag:s29], $0x1  }
0xb4: {  	[sflag:s29] =	ssyncadd.s32 $0xFFFFFFFF  }
0xb5: {  	_ =	strace $0x9000004E  }
0xb6: {  	_ =	sfence  }
0xb7: {  	s30 =	sld [smem:$0x0];
	_ =	sdelay $0x2  }
0xb8: {  	s31 =	sshll.u32 s1, $0xD;
	s1 =	sshrl.u32 s1, $0x2  }
0xb9: {  	s3 =	sand.u32 $0x4000, s31;
	s1 =	sadd.s32 s1, s30  }
0xba: {  	s0 =	sor.u32 s3, s0;
	s1 =	sshll.u32 s1, $0x11  }
0xbb: {  	s0 =	sor.u32 s1, s0  }
0xbc: {  	s0 =	sadd.s32 $0x8F2B, s0  }
0xbd: {  	[sflag:s0] =	ssyncadd.remote.s32 $0x1  }
0xbe: {  	_ =	sfence.sel $0xFFFF  }
0xbf: {  	[dreg:$0x0] =	wrdreg $0xFFFFFFFF;
	(pc) =	sbr.abs _section_cstart, $3  }
0xc0: {  	[dreg:$0x1] =	wrdreg $0xFFFFFFFF  }
0xc1: {  	_ =	task.clear_ibuf [dreg:s6], $0x2FFFF;
	_ =	strace $0x9FFFFFFF  }
0xc2: {  	(tm) =	ssettm $0x7FFFFFFF  }
0xc3: {  	_ =	shalt  }
tec
execute0_lowered:
.L_overlay_start_1:
0x0: {  	(tag) =	ssettag $0x1  }
0x1: {  	s6 =	rddreg [dreg:$0x0]  }
0x2: {  	s0 =	srdreg.scid;
	s2 =	rddreg [dreg:$0x1]  }
0x3: {  	s3 =	simm.s32 $0x0;
	s14 =	simm.s32 $0x80;
	s15 =	simm.s32 $0x9D00  }
0x4: {  	s16 =	simm.s32 $0x1;
	s5 =	sand.u32 $0x1, s0;
	s0 =	stileid.u32  }
0x5: {  	s17 =	simm.s32 $0x0;
	[smem:$0x7FF] =	sst s3;
	s8 =	smul.u32 $0x9E00, s0  }
0x6: {  	s4 =	sadd.s32 $0x4E00, s6;
	s1 =	sshll.u32 s5, $0x4;
	s9 =	smul.u32 $0x9E000, s5  }
0x7: {  	s5 =	ssub.s32 $0x2, s5;
	s12 =	sshll.u32 s0, $0x6;
	s1 =	sor.u32 s0, s1  }
0x8: {  	s11 =	sshrl.u32 s5, $0x1;
	s12 =	sor.u32 $0x1C02, s12;
	s7 =	smul.u32 $0x9D0, s1  }
0x9: {  	s1 =	rddreg [dreg:$0x2];
	_ =	strace $0x8000004D;
	s9 =	sadd.s32 s8, s9  }
0xa: {  	s10 =	sshrl.u32 s8, $0x3;
	s11 =	ssub.s32 s5, s11;
	s13 =	sadd.s32 s8, s2  }
0xb: {  	s9 =	sshrl.u32 s9, $0x3;
	s10 =	sadd.s32 s10, s6;
	s7 =	sadd.s32 s7, s6  }
0xc: {  	s13 =	sshrl.u32 s13, $0x3;
	s9 =	sadd.s32 s9, s6;
	s5 =	sadd.s32 $0x2C200, s7  }
0xd: {  	s6 =	sadd.s32 $0x18800, s7;
	s7 =	sadd.s32 $0x3FC00, s10;
	s8 =	sadd.s32 $0x53800, s9  }
0xe: {  	s9 =	smax.u32 s11, $0x1;
	s10 =	simm.s32 $0x2;
	s11 =	simm.s32 $0x4E80  }
.LBB2_1:
0xf: {  	[tilespmem:s3], [sflag:$0x2] =	stream.linear.gather [hbm4b:s5+s3], $0x4E80, $0x38;
	[tilespmem:$0x15B00] =	vst v63  }
0x10: {  	_ =	swait.ge [sflag:s10], $0x4E80  }
0x11: {  	[sflag:s10] =	ssyncset.done $0x0  }
0x12: {  	[sflag:s10] =	ssyncadd.s32 $0xFFFFB180  }
0x13: {  	[tilespmem:s11], [sflag:$0x2] =	stream.linear.gather [hbm4b:s6+s3], $0x4E80, $0x38;
	[tilespmem:$0x15B00] =	vst v63  }
0x14: {  	_ =	swait.ge [sflag:s10], $0x4E80  }
0x15: {  	[sflag:s10] =	ssyncset.done $0x0  }
0x16: {  	[sflag:s10] =	ssyncadd.s32 $0xFFFFB180  }
0x17: {  	[spmem:s13], [sflag:s12] =	dma.local [hbm:s7], $0x13C0  }
0x18: {  	_ =	swait.ge [sflag:s10], $0x13C0  }
0x19: {  	[sflag:s10] =	ssyncset.done $0x0  }
0x1a: {  	[sflag:s10] =	ssyncadd.s32 $0xFFFFEC40  }
0x1b: {  	s18 =	simm.s32 $0x0;
	[bflag:$0x0] =	sbarrier.arrive $0xFFFF  }
0x1c: {  	[tilespmem:s15], [sflag:$0x1] =	stream.indirect.gather [hbm4b:s4+s14], $0x40, s18, s14, $0xb8;
	[tilespmem:$0x15B00] =	vst v63  }
0x1d: {  	_ =	swait.ge [sflag:s16], $0x2000  }
0x1e: {  	[sflag:s16] =	ssyncset.done $0x0  }
0x1f: {  	s31 =	simm.s32 $0x4E80;
	[sflag:s16] =	ssyncadd.s32 $0xFFFFE000  }
0x20: {  	[spmem:s2] =	stream.indirect.scatter.add.f32 [tilespmem:s15], [sflag:$0x2], $0x40, s31, s14, $0xb8;
	[tilespmem:$0x15B00] =	vst v63  }
0x21: {  	_ =	swait.ge [sflag:s10], $0x2000  }
0x22: {  	s19 =	simm.s32 $0x400;
	s18 =	simm.s32 $0x200;
	[sflag:s10] =	ssyncset.done $0x0  }
.LBB2_2:
0x23: {  	s20 =	sshra.s32 s18, $0x2  }
0x24: {  	[sflag:s10] =	ssyncadd.s32 $0xFFFFE000;
	s18 =	smov.u32 s19;
	s21 =	sadd.s32 $0x200, s19  }
0x25: {  	[tilespmem:s15], [sflag:$0x1] =	stream.indirect.gather [hbm4b:s4+s14], $0x40, s20, s14, $0xb8;
	[tilespmem:$0x15B00] =	vst v63  }
0x26: {  	p0 =	sne.s32 s19, $0x13800;
	_ =	swait.ge [sflag:s16], $0x2000  }
.Ltmp0:
0x27: {  	[sflag:s16] =	ssyncset.done $0x0;
	(pc) =	sbr.rel @p0 .LBB2_2-.Ltmp0, $4  }
0x28: {  	s19 =	sadd.s32 $0x4E80, s20;
	[sflag:s16] =	ssyncadd.s32 $0xFFFFE000  }
0x29: {  	[spmem:s2] =	stream.indirect.scatter.add.f32 [tilespmem:s15], [sflag:$0x2], $0x40, s19, s14, $0xb8;
	[tilespmem:$0x15B00] =	vst v63  }
0x2a: {  	_ =	swait.ge [sflag:s10], $0x2000  }
0x2b: {  	s19 =	smov.u32 s21;
	[sflag:s10] =	ssyncset.done $0x0  }
0x2c: {  	s18 =	sshra.s32 s18, $0x2;
	[sflag:s10] =	ssyncadd.s32 $0xFFFFE000  }
0x2d: {  	[tilespmem:s15], [sflag:$0x1] =	stream.indirect.gather [hbm4b:s4+s14], $0x40, s18, s14, $0xb8;
	[tilespmem:$0x15B00] =	vst v63  }
0x2e: {  	_ =	swait.ge [sflag:s16], $0x2000  }
0x2f: {  	[sflag:s16] =	ssyncset.done $0x0  }
0x30: {  	s18 =	sadd.s32 $0x4E80, s18;
	[sflag:s16] =	ssyncadd.s32 $0xFFFFE000  }
0x31: {  	[spmem:s2] =	stream.indirect.scatter.add.f32 [tilespmem:s15], [sflag:$0x2], $0x40, s18, s14, $0xb8;
	[tilespmem:$0x15B00] =	vst v63  }
0x32: {  	_ =	swait.ge [sflag:s10], $0x2000  }
0x33: {  	s17 =	sadd.s32 $0x1, s17;
	[sflag:s10] =	ssyncset.done $0x0  }
0x34: {  	p0 =	sne.s32 s17, s9;
	[sflag:s10] =	ssyncadd.s32 $0xFFFFE000  }
.Ltmp1:
0x35: {  	[bflag:$0x0] =	sbarrier.arrive $0xFFFF;
	(pc) =	sbr.rel @p0 .LBB2_1-.Ltmp1, $4  }
0x36: {  	[hbm:s8], [sflag:s12] =	dma.local [spmem:s13], $0x13C0  }
0x37: {  	_ =	swait.ge [sflag:s10], $0x13C0  }
0x38: {  	[sflag:s10] =	ssyncset.done $0x0  }
0x39: {  	[sflag:s10] =	ssyncadd.s32 $0xFFFFEC40  }
0x3a: {  	_ =	sfence.sel $0x180000  }
0x3b: {  	[bflag:$0x0] =	sbarrier.arrive $0xFFFF  }
0x3c: {  	p0 =	sne.s32 s0, $0x0;
	_ =	strace $0x9000004D  }
0x3d: {  	s0 =	sadd.s32 @!p0 $0x100000, s1;
	[bflag:$0x2] =	sbarrier.arrive $0xFFFF  }
0x3e: {  	[sflag:s0] =	ssyncadd.tile.s32 @!p0 $0x1;
	_ =	shalt  }
.Lfunc_end2:
_tile_overlayer_lowered:
.L_overlay_start_2:
0x3f: {  	(tag) =	ssettag $0x2  }
0x40: {  	s0 =	rddreg [dreg:$0x0];
	s2 =	stileid.u32  }
0x41: {  	s1 =	rddreg [dreg:$0x1];
	p0 =	sne.s32 s2, $0x0  }
0x42: {  	s3 =	rddreg [dreg:$0x2];
	[bflag:$0x3] =	sbarrier.arrive $0xFFFF;
	s2 =	simm.s32 @!p0 $0x1C02  }
0x43: {  	[timem:s3], [sflag:s2] =	dma.local @!p0 [hbm:s0], s1  }
0x44: {  	s0 =	simm.s32 @!p0 $0x2  }
0x45: {  	_ =	swait.ge @!p0 [sflag:s0], s1  }
0x46: {  	s1 =	ssub.s32 @!p0 $0x0, s1;
	[sflag:s0] =	ssyncset.done @!p0 $0x0  }
0x47: {  	[sflag:s0] =	ssyncadd.s32 @!p0 s1  }
0x48: {  	[bflag:$0x3] =	sbarrier.arrive $0xFFFF  }
0x49: {  	_ =	shalt  }

// kernel: kernel.21.cloned.1.call-start
scs
__scs_entry_jumppad:
0x0: {  	(pc) =	sbr.rel $0x88, $3  }
0x1: {  	(tag) =	ssettag $0x0;
	lr =	simm.s32 $0x1  }
0x2: {  	[smem:$0x3F81] =	sst lr;
	_ =	strace $0xD0000000  }
0x3: {  	_ = 	snop  }
0x4: {  	_ = 	snop  }
0x5: {  	_ = 	snop  }
0x6: {  	_ = 	snop  }
0x7: {  	_ = 	snop  }
__scs_overlays_trampoline_lowered:
0x8: {  	[smem:$0x3F90] =	sst s0  }
0x9: {  	[smem:$0x3F91] =	sst s1  }
0xa: {  	[smem:$0x3F92] =	sst s2  }
0xb: {  	[smem:$0x3F93] =	sst s3  }
0xc: {  	[smem:$0x3F94] =	sst s4  }
0xd: {  	[smem:$0x3F95] =	sst s5  }
0xe: {  	[smem:$0x3F96] =	sst s6  }
0xf: {  	[smem:$0x3F97] =	sst s7  }
0x10: {  	[smem:$0x3F98] =	sst s8  }
0x11: {  	[smem:$0x3F99] =	sst s9;
	s0 =	simm.s32 @!p0 $0x0  }
0x12: {  	s1 =	sld [smem:$0x3F7F];
	s0 =	simm.s32 @p0 $0x1  }
0x13: {  	[smem:$0x3F9A] =	sst s0;
	s0 =	simm.s32 @!p1 $0x0  }
0x14: {  	s2 =	sld [smem:$0x3F7E];
	s0 =	simm.s32 @p1 $0x1  }
0x15: {  	[smem:$0x3F9B] =	sst s0;
	s0 =	simm.s32 @!p2 $0x0  }
0x16: {  	s3 =	sld [smem:$0x3FDB];
	s0 =	simm.s32 @p2 $0x1  }
0x17: {  	s4 =	simm.s32 $0x1BF5;
	[smem:$0x3F9D] =	sst s0  }
0x18: {  	s0 =	sld [smem:$0x3F80];
	_ =	swait.ge [sflag:s4], $0x0  }
0x19: {  	s7 =	sld [smem:$0x3F81]  }
0x1a: {  	s8 =	sadd.s32 $0xFFFFE003, lr  }
0x1b: {  	s9 =	sadd.s32 $0xFFFFFEF7, lr;
	s5 =	simm.s32 $0xFFFFFFFF;
	p2 =	slt.u32 s8, $0xFFFFF086  }
0x1c: {  	p1 =	slt.u32 s9, $0xF7A;
	s5 =	simm.s32 @!p2 $0x0  }
0x1d: {  	s5 =	simm.s32 @p1 $0x1;
	p0 =	seq.s32 s7, s2  }
0x1e: {  	s7 =	smul.u32 @!p0 $0xF7A, s2;
	p2 =	seq.s32 @!p0 s5, $0x0  }
0x1f: {  	s9 =	smul.u32 $0xF7A, s1;
	s8 =	simm.s32 @!p0 $0x1BF5;
	p2 =	por !p2, p0  }
0x20: {  	[sflag:s8] =	ssyncset.s32 @!p0 $0xFFFFF086;
	s6 =	sadd.s32 @!p0 s3, s7;
	s7 =	simm.s32 @!p0 $0x108  }
0x21: {  	s3 =	sadd.s32 s3, s9;
	s6 =	sadd.s32 @!p0 $0x88, s6;
	s7 =	simm.s32 @p2 $0x1082  }
0x22: {  	[simem:s7], [sflag:s8] =	dma.local @!p0 [hbm:s6], $0xF7A  }
0x23: {  	s9 =	sor.u32 $0xD0000000, s2;
	s6 =	simm.s32 $0x108;
	_ =	swait.ge @!p0 [sflag:s8], $0x0  }
0x24: {  	s3 =	sadd.s32 $0x88, s3;
	s6 =	simm.s32 @!p1 $0x1082;
	[sflag:s4] =	ssyncset.s32 $0xFFFFF086  }
0x25: {  	[simem:s6], [sflag:s4] =	dma.local [hbm:s3], $0xF7A  }
0x26: {  	[smem:$0x3F81] =	sst s1;
	(tag) =	ssettag s2;
	_ =	strace s9  }
0x27: {  	s1 =	sld [smem:$0x3F91]  }
0x28: {  	s2 =	sld [smem:$0x3F92]  }
0x29: {  	s4 =	sld [smem:$0x3F94]  }
0x2a: {  	p0 =	seq.s32 s5, $0x0;
	s5 =	sld [smem:$0x3F95]  }
0x2b: {  	s6 =	sld [smem:$0x3F96]  }
0x2c: {  	s7 =	sld [smem:$0x3F97]  }
0x2d: {  	s3 =	simm.s32 $0x108;
	s8 =	sld [smem:$0x3F98]  }
0x2e: {  	s3 =	simm.s32 @!p0 $0x1082;
	s9 =	sld [smem:$0x3F99]  }
0x2f: {  	lr =	sadd.s32 s0, s3;
	s0 =	sld [smem:$0x3F90]  }
0x30: {  	s3 =	sld [smem:$0x3F93]  }
0x31: {  	[smem:$0x3F9C] =	sst s10  }
0x32: {  	s10 =	sld [smem:$0x3F9A];
	_ =	sdelay $0x3  }
0x33: {  	p0 =	seq.s32 s10, $0x1;
	s10 =	sld [smem:$0x3F9C];
	_ =	sdelay $0x3  }
0x34: {  	[smem:$0x3F9C] =	sst s10  }
0x35: {  	s10 =	sld [smem:$0x3F9B];
	_ =	sdelay $0x3  }
0x36: {  	p1 =	seq.s32 s10, $0x1;
	s10 =	sld [smem:$0x3F9C];
	_ =	sdelay $0x3  }
0x37: {  	[smem:$0x3F9C] =	sst s10  }
0x38: {  	s10 =	sld [smem:$0x3F9D]  }
0x39: {  	_ = 	snop;
	(pc) =	sbr.ind lr, $3  }
0x3a: {  	_ = 	snop  }
0x3b: {  	_ = 	snop  }
0x3c: {  	p2 =	seq.s32 s10, $0x1;
	s10 =	sld [smem:$0x3F9C]  }
0x3d: {  	_ =	shalt  }
0x3e: {  	_ =	shalt  }
0x3f: {  	_ =	shalt  }
0x40: {  	_ =	shalt  }
0x41: {  	_ =	shalt  }
0x42: {  	_ =	shalt  }
0x43: {  	_ =	shalt  }
0x44: {  	_ =	shalt  }
0x45: {  	_ =	shalt  }
0x46: {  	_ =	shalt  }
0x47: {  	_ =	shalt  }
0x48: {  	_ =	shalt  }
0x49: {  	_ =	shalt  }
0x4a: {  	_ =	shalt  }
0x4b: {  	_ =	shalt  }
0x4c: {  	_ =	shalt  }
0x4d: {  	_ =	shalt  }
0x4e: {  	_ =	shalt  }
0x4f: {  	_ =	shalt  }
0x50: {  	_ =	shalt  }
0x51: {  	_ =	shalt  }
0x52: {  	_ =	shalt  }
0x53: {  	_ =	shalt  }
0x54: {  	_ =	shalt  }
0x55: {  	_ =	shalt  }
0x56: {  	_ =	shalt  }
0x57: {  	_ =	shalt  }
0x58: {  	_ =	shalt  }
0x59: {  	_ =	shalt  }
0x5a: {  	_ =	shalt  }
0x5b: {  	_ =	shalt  }
0x5c: {  	_ =	shalt  }
0x5d: {  	_ =	shalt  }
0x5e: {  	_ =	shalt  }
0x5f: {  	_ =	shalt  }
0x60: {  	_ =	shalt  }
0x61: {  	_ =	shalt  }
0x62: {  	_ =	shalt  }
0x63: {  	_ =	shalt  }
0x64: {  	_ =	shalt  }
0x65: {  	_ =	shalt  }
0x66: {  	_ =	shalt  }
0x67: {  	_ =	shalt  }
0x68: {  	_ =	shalt  }
0x69: {  	_ =	shalt  }
0x6a: {  	_ =	shalt  }
0x6b: {  	_ =	shalt  }
0x6c: {  	_ =	shalt  }
0x6d: {  	_ =	shalt  }
0x6e: {  	_ =	shalt  }
0x6f: {  	_ =	shalt  }
0x70: {  	_ =	shalt  }
0x71: {  	_ =	shalt  }
0x72: {  	_ =	shalt  }
0x73: {  	_ =	shalt  }
0x74: {  	_ =	shalt  }
0x75: {  	_ =	shalt  }
0x76: {  	_ =	shalt  }
0x77: {  	_ =	shalt  }
0x78: {  	_ =	shalt  }
0x79: {  	_ =	shalt  }
0x7a: {  	_ =	shalt  }
0x7b: {  	_ =	shalt  }
0x7c: {  	_ =	shalt  }
0x7d: {  	_ =	shalt  }
0x7e: {  	_ =	shalt  }
0x7f: {  	_ =	shalt  }
0x80: {  	_ =	shalt  }
0x81: {  	_ =	shalt  }
0x82: {  	_ =	shalt  }
0x83: {  	_ =	shalt  }
0x84: {  	_ =	shalt  }
0x85: {  	_ =	shalt  }
0x86: {  	_ =	shalt  }
0x87: {  	_ =	shalt  }
.Lfunc_end0:
.L_simem_size_0:
called_computation.3_lowered:
.L_overlay_start_0:
0x88: {  	s2 =	sld [smem:$0x3FD9]  }
0x89: {  	s3 =	sld [smem:$0x3FFE];
	_ =	sdelay $0x1  }
0x8a: {  	s1 =	srdreg.scid  }
0x8b: {  	s0 =	sand.u32 $0x1, s1  }
0x8c: {  	s16 =	sshll.u32 s0, $0xA;
	s2 =	sadd.s32 s3, s2  }
0x8d: {  	s2 =	sadd.s32 s2, s16  }
0x8e: {  	[smem:$0x3FA8] =	sst s2  }
0x8f: {  	_ = 	snop  }
0x90: {  	(tm) =	ssettm $0x1  }
0x91: {  	s17 =	sld [smem:$0x3FFB];
	_ =	sdelay $0x3  }
0x92: {  	_ =	strace s17  }
0x93: {  	s2 =	sld [smem:$0x3FFC];
	_ =	sdelay $0x3  }
0x94: {  	_ =	strace s2  }
0x95: {  	s2 =	sld [smem:$0x3FFD];
	_ =	sdelay $0x3  }
0x96: {  	_ =	strace s2  }
0x97: {  	_ =	strace $0x8FFFFFFF  }
0x98: {  	s18 =	sld [smem:$0x3FDB];
	_ =	sdelay $0x1  }
0x99: {  	s19 =	simm.s32 $_scs_section_size  }
0x9a: {  	s4 =	simm.s32 $_size__tile_overlayer_lowered;
	s5 =	simm.s32 $_tile_overlayer_lowered  }
0x9b: {  	s22 =	simm.s32 $0x1BFF;
	s21 =	sshll.u32 s5, $0x1;
	s2 =	sadd.s32 s19, s18  }
0x9c: {  	s6 =	simm.s32 $0x0;
	s20 =	sshll.u32 s4, $0x1;
	s4 =	sadd.s32 s21, s2  }
0x9d: {  	[timem:s6], [sflag:s22] =	dma.local [hbm:s4], s20  }
0x9e: {  	_ =	swait.ge [sflag:s22], s20  }
0x9f: {  	s3 =	ssub.s32 $0x0, s20;
	[sflag:s22] =	ssyncset.done $0x0  }
0xa0: {  	[sflag:s22] =	ssyncadd.s32 s3;
	_ =	sdelay $0x1  }
0xa1: {  	s23 =	simm.s32 $0x1B8B  }
0xa2: {  	_ =	swait.ge [sflag:s23], $0x1  }
0xa3: {  	[sflag:s23] =	ssyncset.done $0x0  }
0xa4: {  	s25 =	simm.s32 $0x1B8E;
	s24 =	sld [smem:$0x3FFE];
	[sflag:s23] =	ssyncadd.s32 $0xFFFFFFFF  }
0xa5: {  	s26 =	simm.s32 $execute0_lowered;
	[smem:$0x3FD2] =	sst s25  }
0xa6: {  	s4 =	sshll.u32 s26, $0x1;
	_ =	strace $0x8000004F;
	[dreg:$0x1] =	wrdreg $0xFFFFFFFF  }
0xa7: {  	s28 =	simm.s32 $_size_execute0_lowered;
	s2 =	sadd.s32 s2, s4;
	[dreg:$0x0] =	wrdreg $0x0  }
0xa8: {  	s4 =	sshll.u32 s28, $0x1;
	[dreg:$0x2] =	wrdreg s2  }
0xa9: {  	[dreg:$0x3] =	wrdreg s4  }
0xaa: {  	[dreg:$0x4] =	wrdreg $0xC0  }
0xab: {  	_ =	task [dreg:s6], $0x5FFFF  }
0xac: {  	[dreg:$0x1] =	wrdreg $0xFFFFFFFF  }
0xad: {  	[dreg:$0x0] =	wrdreg $0x60  }
0xae: {  	[dreg:$0x2] =	wrdreg s24  }
0xaf: {  	[dreg:$0x3] =	wrdreg $0xBD000  }
0xb0: {  	[dreg:$0x4] =	wrdreg $0x9  }
0xb1: {  	_ =	task.clear_ibuf [dreg:s6], $0x5FFFF;
	_ =	strace $0x9000004F  }
0xb2: {  	s29 =	simm.s32 $0x9;
	_ =	strace $0x80000051  }
0xb3: {  	_ =	swait.ge [sflag:s29], $0x1  }
0xb4: {  	[sflag:s29] =	ssyncadd.s32 $0xFFFFFFFF  }
0xb5: {  	_ =	strace $0x90000051  }
0xb6: {  	_ =	sfence  }
0xb7: {  	s30 =	sld [smem:$0x0];
	_ =	sdelay $0x2  }
0xb8: {  	s31 =	sshll.u32 s1, $0xD;
	s1 =	sshrl.u32 s1, $0x2  }
0xb9: {  	s3 =	sand.u32 $0x4000, s31;
	s1 =	sadd.s32 s1, s30  }
0xba: {  	s0 =	sor.u32 s3, s0;
	s1 =	sshll.u32 s1, $0x11  }
0xbb: {  	s0 =	sor.u32 s1, s0  }
0xbc: {  	s0 =	sadd.s32 $0x8F2B, s0  }
0xbd: {  	[sflag:s0] =	ssyncadd.remote.s32 $0x1  }
0xbe: {  	_ =	sfence.sel $0xFFFF  }
0xbf: {  	[dreg:$0x0] =	wrdreg $0xFFFFFFFF;
	(pc) =	sbr.abs _section_cstart, $3  }
0xc0: {  	[dreg:$0x1] =	wrdreg $0xFFFFFFFF  }
0xc1: {  	_ =	task.clear_ibuf [dreg:s6], $0x2FFFF;
	_ =	strace $0x9FFFFFFF  }
0xc2: {  	(tm) =	ssettm $0x7FFFFFFF  }
0xc3: {  	_ =	shalt  }
tec
execute0_lowered:
.L_overlay_start_1:
0x0: {  	(tag) =	ssettag $0x1  }
0x1: {  	s6 =	rddreg [dreg:$0x0]  }
0x2: {  	s0 =	srdreg.scid;
	s2 =	rddreg [dreg:$0x1]  }
0x3: {  	s3 =	simm.s32 $0x0;
	s14 =	simm.s32 $0x80;
	s15 =	simm.s32 $0x9D00  }
0x4: {  	s16 =	simm.s32 $0x1;
	s5 =	sand.u32 $0x1, s0;
	s0 =	stileid.u32  }
0x5: {  	s17 =	simm.s32 $0x0;
	[smem:$0x7FF] =	sst s3;
	s8 =	smul.u32 $0x9E00, s0  }
0x6: {  	s4 =	sadd.s32 $0x4E00, s6;
	s1 =	sshll.u32 s5, $0x4;
	s9 =	smul.u32 $0x9E000, s5  }
0x7: {  	s5 =	ssub.s32 $0x2, s5;
	s12 =	sshll.u32 s0, $0x6;
	s1 =	sor.u32 s0, s1  }
0x8: {  	s11 =	sshrl.u32 s5, $0x1;
	s12 =	sor.u32 $0x1C02, s12;
	s7 =	smul.u32 $0x9D0, s1  }
0x9: {  	s1 =	rddreg [dreg:$0x2];
	_ =	strace $0x80000050;
	s9 =	sadd.s32 s8, s9  }
0xa: {  	s10 =	sshrl.u32 s8, $0x3;
	s11 =	ssub.s32 s5, s11;
	s13 =	sadd.s32 s8, s2  }
0xb: {  	s9 =	sshrl.u32 s9, $0x3;
	s10 =	sadd.s32 s10, s6;
	s7 =	sadd.s32 s7, s6  }
0xc: {  	s13 =	sshrl.u32 s13, $0x3;
	s9 =	sadd.s32 s9, s6;
	s5 =	sadd.s32 $0x2C200, s7  }
0xd: {  	s6 =	sadd.s32 $0x18800, s7;
	s7 =	sadd.s32 $0x3FC00, s10;
	s8 =	sadd.s32 $0x53800, s9  }
0xe: {  	s9 =	smax.u32 s11, $0x1;
	s10 =	simm.s32 $0x2;
	s11 =	simm.s32 $0x4E80  }
.LBB2_1:
0xf: {  	[tilespmem:s3], [sflag:$0x2] =	stream.linear.gather [hbm4b:s5+s3], $0x4E80, $0x38;
	[tilespmem:$0x15B00] =	vst v63  }
0x10: {  	_ =	swait.ge [sflag:s10], $0x4E80  }
0x11: {  	[sflag:s10] =	ssyncset.done $0x0  }
0x12: {  	[sflag:s10] =	ssyncadd.s32 $0xFFFFB180  }
0x13: {  	[tilespmem:s11], [sflag:$0x2] =	stream.linear.gather [hbm4b:s6+s3], $0x4E80, $0x38;
	[tilespmem:$0x15B00] =	vst v63  }
0x14: {  	_ =	swait.ge [sflag:s10], $0x4E80  }
0x15: {  	[sflag:s10] =	ssyncset.done $0x0  }
0x16: {  	[sflag:s10] =	ssyncadd.s32 $0xFFFFB180  }
0x17: {  	[spmem:s13], [sflag:s12] =	dma.local [hbm:s7], $0x13C0  }
0x18: {  	_ =	swait.ge [sflag:s10], $0x13C0  }
0x19: {  	[sflag:s10] =	ssyncset.done $0x0  }
0x1a: {  	[sflag:s10] =	ssyncadd.s32 $0xFFFFEC40  }
0x1b: {  	s18 =	simm.s32 $0x0;
	[bflag:$0x0] =	sbarrier.arrive $0xFFFF  }
0x1c: {  	[tilespmem:s15], [sflag:$0x1] =	stream.indirect.gather [hbm4b:s4+s14], $0x40, s18, s14, $0xb8;
	[tilespmem:$0x15B00] =	vst v63  }
0x1d: {  	_ =	swait.ge [sflag:s16], $0x2000  }
0x1e: {  	[sflag:s16] =	ssyncset.done $0x0  }
0x1f: {  	s31 =	simm.s32 $0x4E80;
	[sflag:s16] =	ssyncadd.s32 $0xFFFFE000  }
0x20: {  	[spmem:s2] =	stream.indirect.scatter.add.f32 [tilespmem:s15], [sflag:$0x2], $0x40, s31, s14, $0xb8;
	[tilespmem:$0x15B00] =	vst v63  }
0x21: {  	_ =	swait.ge [sflag:s10], $0x2000  }
0x22: {  	s19 =	simm.s32 $0x400;
	s18 =	simm.s32 $0x200;
	[sflag:s10] =	ssyncset.done $0x0  }
.LBB2_2:
0x23: {  	s20 =	sshra.s32 s18, $0x2  }
0x24: {  	[sflag:s10] =	ssyncadd.s32 $0xFFFFE000;
	s18 =	smov.u32 s19;
	s21 =	sadd.s32 $0x200, s19  }
0x25: {  	[tilespmem:s15], [sflag:$0x1] =	stream.indirect.gather [hbm4b:s4+s14], $0x40, s20, s14, $0xb8;
	[tilespmem:$0x15B00] =	vst v63  }
0x26: {  	p0 =	sne.s32 s19, $0x13800;
	_ =	swait.ge [sflag:s16], $0x2000  }
.Ltmp0:
0x27: {  	[sflag:s16] =	ssyncset.done $0x0;
	(pc) =	sbr.rel @p0 .LBB2_2-.Ltmp0, $4  }
0x28: {  	s19 =	sadd.s32 $0x4E80, s20;
	[sflag:s16] =	ssyncadd.s32 $0xFFFFE000  }
0x29: {  	[spmem:s2] =	stream.indirect.scatter.add.f32 [tilespmem:s15], [sflag:$0x2], $0x40, s19, s14, $0xb8;
	[tilespmem:$0x15B00] =	vst v63  }
0x2a: {  	_ =	swait.ge [sflag:s10], $0x2000  }
0x2b: {  	s19 =	smov.u32 s21;
	[sflag:s10] =	ssyncset.done $0x0  }
0x2c: {  	s18 =	sshra.s32 s18, $0x2;
	[sflag:s10] =	ssyncadd.s32 $0xFFFFE000  }
0x2d: {  	[tilespmem:s15], [sflag:$0x1] =	stream.indirect.gather [hbm4b:s4+s14], $0x40, s18, s14, $0xb8;
	[tilespmem:$0x15B00] =	vst v63  }
0x2e: {  	_ =	swait.ge [sflag:s16], $0x2000  }
0x2f: {  	[sflag:s16] =	ssyncset.done $0x0  }
0x30: {  	s18 =	sadd.s32 $0x4E80, s18;
	[sflag:s16] =	ssyncadd.s32 $0xFFFFE000  }
0x31: {  	[spmem:s2] =	stream.indirect.scatter.add.f32 [tilespmem:s15], [sflag:$0x2], $0x40, s18, s14, $0xb8;
	[tilespmem:$0x15B00] =	vst v63  }
0x32: {  	_ =	swait.ge [sflag:s10], $0x2000  }
0x33: {  	s17 =	sadd.s32 $0x1, s17;
	[sflag:s10] =	ssyncset.done $0x0  }
0x34: {  	p0 =	sne.s32 s17, s9;
	[sflag:s10] =	ssyncadd.s32 $0xFFFFE000  }
.Ltmp1:
0x35: {  	[bflag:$0x0] =	sbarrier.arrive $0xFFFF;
	(pc) =	sbr.rel @p0 .LBB2_1-.Ltmp1, $4  }
0x36: {  	[hbm:s8], [sflag:s12] =	dma.local [spmem:s13], $0x13C0  }
0x37: {  	_ =	swait.ge [sflag:s10], $0x13C0  }
0x38: {  	[sflag:s10] =	ssyncset.done $0x0  }
0x39: {  	[sflag:s10] =	ssyncadd.s32 $0xFFFFEC40  }
0x3a: {  	_ =	sfence.sel $0x180000  }
0x3b: {  	[bflag:$0x0] =	sbarrier.arrive $0xFFFF  }
0x3c: {  	p0 =	sne.s32 s0, $0x0;
	_ =	strace $0x90000050  }
0x3d: {  	s0 =	sadd.s32 @!p0 $0x100000, s1;
	[bflag:$0x2] =	sbarrier.arrive $0xFFFF  }
0x3e: {  	[sflag:s0] =	ssyncadd.tile.s32 @!p0 $0x1;
	_ =	shalt  }
.Lfunc_end2:
_tile_overlayer_lowered:
.L_overlay_start_2:
0x3f: {  	(tag) =	ssettag $0x2  }
0x40: {  	s0 =	rddreg [dreg:$0x0];
	s2 =	stileid.u32  }
0x41: {  	s1 =	rddreg [dreg:$0x1];
	p0 =	sne.s32 s2, $0x0  }
0x42: {  	s3 =	rddreg [dreg:$0x2];
	[bflag:$0x3] =	sbarrier.arrive $0xFFFF;
	s2 =	simm.s32 @!p0 $0x1C02  }
0x43: {  	[timem:s3], [sflag:s2] =	dma.local @!p0 [hbm:s0], s1  }
0x44: {  	s0 =	simm.s32 @!p0 $0x2  }
0x45: {  	_ =	swait.ge @!p0 [sflag:s0], s1  }
0x46: {  	s1 =	ssub.s32 @!p0 $0x0, s1;
	[sflag:s0] =	ssyncset.done @!p0 $0x0  }
0x47: {  	[sflag:s0] =	ssyncadd.s32 @!p0 s1  }
0x48: {  	[bflag:$0x3] =	sbarrier.arrive $0xFFFF  }
0x49: {  	_ =	shalt  }

</sc_bundles>
